<compile_context>
chip_gen: v7x
topology: tpu7x:2x2x1
jax: 0.10.2.dev20260603
libtpu: 0.0.44.dev20260713+nightly
codegen_flags: <defaults>
</compile_context>

<pallas_src>
import functools

import jax
import jax.numpy as jnp
from jax import lax
from jax.experimental import pallas as pl
from jax.experimental.pallas import tpu as pltpu
from jax.experimental.pallas import tpu_sc as plsc

NC = 2
NS = 16
NW = NC * NS
L = 16
CH = 128


def _mesh():
  return plsc.VectorSubcoreMesh(
      core_axis_name="c", subcore_axis_name="s",
      num_cores=NC, num_subcores=NS)


def _mult8(x):
  return pl.multiple_of(x, 8)


@functools.lru_cache(maxsize=None)
def _make_deg(n_pad, n_chunks):
  rows_per = n_pad // NS
  nzc = rows_per // CH

  @functools.partial(
      pl.kernel,
      out_type=jax.ShapeDtypeStruct((NC, n_pad), jnp.float32),
      mesh=_mesh(),
      scratch_types=[
          pltpu.VMEM_SHARED((n_pad,), jnp.float32),
          pltpu.VMEM((n_chunks, CH), jnp.int32),
          pltpu.VMEM((CH,), jnp.float32),
          pltpu.SemaphoreType.DMA,
      ],
      compiler_params=pltpu.CompilerParams(use_tc_tiling_on_sc=False),
  )
  def deg_kernel(dst_hbm, out_hbm, acc, didx, buf, sem):
    c = lax.axis_index("c")
    s = lax.axis_index("s")
    wid = c * NS + s
    pltpu.sync_copy(dst_hbm.at[wid], didx)
    off = _mult8(s * rows_per)

    def zb(i, _):
      buf[pl.ds(i * L, L)] = jnp.zeros((L,), jnp.float32)
      return 0
    lax.fori_loop(0, CH // L, zb, 0)

    def zc(k, _):
      pltpu.sync_copy(buf, acc.at[pl.ds(_mult8(off + k * CH), CH)])
      return 0
    lax.fori_loop(0, nzc, zc, 0)

    def ob(i, _):
      buf[pl.ds(i * L, L)] = jnp.ones((L,), jnp.float32)
      return 0
    lax.fori_loop(0, CH // L, ob, 0)

    plsc.subcore_barrier()

    def body8(g, _):
      base = g * 8
      for b in range(8):
        pltpu.async_copy(buf, acc.at[didx.at[base + b]], sem, add=True)
      for b in range(8):
        pltpu.make_async_copy(buf, acc.at[didx.at[base + b]], sem).wait()
      return 0
    lax.fori_loop(0, n_chunks // 8, body8, 0)

    plsc.subcore_barrier()
    def co(k, _):
      pltpu.sync_copy(acc.at[pl.ds(_mult8(off + k * CH), CH)], buf)
      pltpu.sync_copy(buf, out_hbm.at[c, pl.ds(_mult8(off + k * CH), CH)])
      return 0
    lax.fori_loop(0, nzc, co, 0)

  return deg_kernel


@functools.lru_cache(maxsize=None)
def _make_agg(n_pad, n_chunks):
  rows_per = n_pad // NS
  nzc = rows_per // CH

  @functools.partial(
      pl.kernel,
      out_type=jax.ShapeDtypeStruct((NC, n_pad, L), jnp.float32),
      mesh=_mesh(),
      scratch_types=[
          pltpu.VMEM_SHARED((n_pad, L), jnp.float32),
          pltpu.VMEM((n_chunks, CH), jnp.int32),
          pltpu.VMEM((n_chunks, CH), jnp.int32),
          pltpu.VMEM((CH, L), jnp.float32),
          pltpu.VMEM((CH, L), jnp.float32),
          pltpu.VMEM((CH, L), jnp.float32),
          pltpu.VMEM((CH, L), jnp.float32),
          pltpu.SemaphoreType.DMA,
          pltpu.SemaphoreType.DMA,
          pltpu.SemaphoreType.DMA,
          pltpu.SemaphoreType.DMA,
          pltpu.SemaphoreType.DMA,
          pltpu.SemaphoreType.DMA,
          pltpu.SemaphoreType.DMA,
          pltpu.SemaphoreType.DMA,
      ],
      compiler_params=pltpu.CompilerParams(use_tc_tiling_on_sc=False),
  )
  def agg_kernel(p_hbm, src_hbm, dst_hbm, out_hbm,
                 acc, sidx, didx, rows0, rows1, rows2, rows3,
                 g0, g1, g2, g3, s0, s1, s2, s3):
    c = lax.axis_index("c")
    s = lax.axis_index("s")
    wid = c * NS + s
    pltpu.sync_copy(src_hbm.at[wid], sidx)
    pltpu.sync_copy(dst_hbm.at[wid], didx)
    off = _mult8(s * rows_per)

    def zb(i, _):
      rows0[i, :] = jnp.zeros((L,), jnp.float32)
      return 0
    lax.fori_loop(0, CH, zb, 0)

    def zc(k, _):
      pltpu.sync_copy(rows0, acc.at[pl.ds(_mult8(off + k * CH), CH)])
      return 0
    lax.fori_loop(0, nzc, zc, 0)

    plsc.subcore_barrier()

    rows = (rows0, rows1, rows2, rows3)
    semg = (g0, g1, g2, g3)
    sems = (s0, s1, s2, s3)
    for b in range(4):
      pltpu.async_copy(p_hbm.at[sidx.at[b]], rows[b], semg[b])
    n_g = n_chunks // 4

    def body(t, _):
      base = t * 4
      for b in range(4):
        j = base + b
        pltpu.make_async_copy(p_hbm.at[sidx.at[j]], rows[b], semg[b]).wait()
        pltpu.async_copy(rows[b], acc.at[didx.at[j]], sems[b], add=True)
      for b in range(4):
        j = base + b
        pltpu.make_async_copy(rows[b], acc.at[didx.at[j]], sems[b]).wait()

        @pl.when(t < n_g - 1)
        def _(b=b, j=j):
          pltpu.async_copy(p_hbm.at[sidx.at[j + 4]], rows[b], semg[b])
      return 0
    lax.fori_loop(0, n_g, body, 0)

    plsc.subcore_barrier()
    def co(k, _):
      o = _mult8(off + k * CH)
      pltpu.sync_copy(acc.at[pl.ds(o, CH)], rows0)
      pltpu.sync_copy(rows0, out_hbm.at[c, pl.ds(o, CH)])
      return 0
    lax.fori_loop(0, nzc, co, 0)

  return agg_kernel


def _tc_pre(x, w1, dsum, n_pad):
  n, _ = x.shape
  h = w1.shape[1]

  def body(x_ref, w_ref, d_ref, o_ref):
    dinv = lax.rsqrt(d_ref[...])
    hh = jnp.dot(x_ref[...], w_ref[...], preferred_element_type=jnp.float32)
    o_ref[0:n, :] = hh * dinv
    o_ref[n:, :] = jnp.zeros((n_pad - n, h), jnp.float32)

  return pl.pallas_call(
      body,
      out_shape=jax.ShapeDtypeStruct((n_pad, h), jnp.float32),
  )(x, w1, dsum)


def _tc_mid(a1, p1, dsum, b1, n_pad):
  n = dsum.shape[0]
  h = p1.shape[1]

  def body(a_ref, p_ref, d_ref, b_ref, o_ref):
    dinv = lax.rsqrt(d_ref[...])
    agg = a_ref[0, 0:n, :] + a_ref[1, 0:n, :] + p_ref[0:n, :]
    z = jnp.maximum(agg * dinv + b_ref[...], 0.0)
    o_ref[0:n, :] = z * dinv
    o_ref[n:, :] = jnp.zeros((n_pad - n, h), jnp.float32)

  return pl.pallas_call(
      body,
      out_shape=jax.ShapeDtypeStruct((n_pad, h), jnp.float32),
  )(a1, p1, dsum, b1)


def _tc_post(a2, p2, dsum, w2, b2):
  n = dsum.shape[0]
  cdim = w2.shape[1]

  def body(a_ref, p_ref, d_ref, w_ref, b_ref, o_ref):
    dinv = lax.rsqrt(d_ref[...])
    z = (a_ref[0, 0:n, :] + a_ref[1, 0:n, :] + p_ref[0:n, :]) * dinv
    o = jnp.dot(z, w_ref[...], preferred_element_type=jnp.float32) + b_ref[...]
    m = jnp.max(o, axis=1, keepdims=True)
    lse = m + jnp.log(jnp.sum(jnp.exp(o - m), axis=1, keepdims=True))
    o_ref[...] = o - lse

  return pl.pallas_call(
      body,
      out_shape=jax.ShapeDtypeStruct((n, cdim), jnp.float32),
  )(a2, p2, dsum, w2, b2)


def kernel(x, edge_index, W1, b1, W2, b2):
  n, _ = x.shape
  e = edge_index.shape[1]

  n_pad = ((n + NS * CH - 1) // (NS * CH)) * (NS * CH)
  pad_rows = n_pad - n
  n_chunks = (e + NW * CH - 1) // (NW * CH)
  n_chunks = ((n_chunks + 7) // 8) * 8
  e_pad = NW * n_chunks * CH

  src = edge_index[0]
  dst = edge_index[1]
  if e_pad > e:
    pidx = n + (jnp.arange(e_pad - e, dtype=jnp.int32) % pad_rows)
    src = jnp.concatenate([src, pidx])
    dst = jnp.concatenate([dst, pidx])
  src_r = src.reshape(NW, n_chunks, CH)
  dst_r = dst.reshape(NW, n_chunks, CH)

  degp = _make_deg(n_pad, n_chunks)(dst_r)
  dsum = (degp[0, :n] + degp[1, :n] + 1.0)[:, None]

  agg = _make_agg(n_pad, n_chunks)

  p1 = _tc_pre(x, W1, dsum, n_pad)
  a1 = agg(p1, src_r, dst_r)
  p2 = _tc_mid(a1, p1, dsum, b1.reshape(1, -1), n_pad)
  a2 = agg(p2, src_r, dst_r)
  return _tc_post(a2, p2, dsum, W2, b2.reshape(1, -1))

# --- scband reference (transcript-rebuilt; emitter-appended) ---
"""Pipeline reference for scband-net-73220602462645 (READ-ONLY COPY).

The authoritative reference and input builder live on the scoring server;
editing this copy changes nothing except your own understanding.
"""

import jax, jax.numpy as jnp
import numpy as np

N = 10000
E = 320000
D = 128
H = 16
C = 2


def setup_inputs(seed: int = 0) -> dict:
    key = jax.random.key(seed)
    k1, k2, k3, k4 = jax.random.split(key, 4)
    x = jax.random.normal(k1, (N, D), dtype=jnp.float32)
    edge_index = jax.random.randint(k2, (2, E), 0, N, dtype=jnp.int32)
    W1 = jax.random.normal(k3, (D, H), dtype=jnp.float32) * (1.0 / np.sqrt(D))
    b1 = jnp.zeros((H,), dtype=jnp.float32)
    W2 = jax.random.normal(k4, (H, C), dtype=jnp.float32) * (1.0 / np.sqrt(H))
    b2 = jnp.zeros((C,), dtype=jnp.float32)
    return {"x": x, "edge_index": edge_index, "W1": W1, "b1": b1, "W2": W2, "b2": b2}


def _gcn_conv(x, edge_index, W, b):
    # GCNConv: A_hat = D^{-1/2} (A + I) D^{-1/2}; out = A_hat (x W) + b
    src = edge_index[0]
    dst = edge_index[1]
    loop = jnp.arange(N, dtype=src.dtype)
    src = jnp.concatenate([src, loop])
    dst = jnp.concatenate([dst, loop])
    deg = jax.ops.segment_sum(jnp.ones_like(dst, dtype=x.dtype), dst, num_segments=N)
    dinv = jnp.where(deg > 0, 1.0 / jnp.sqrt(deg), 0.0)
    norm = dinv[src] * dinv[dst]
    h = x @ W
    msg = h[src] * norm[:, None]
    out = jax.ops.segment_sum(msg, dst, num_segments=N)
    return out + b


def reference(x, edge_index, W1, b1, W2, b2):
    h = jax.nn.relu(_gcn_conv(x, edge_index, W1, b1))
    # dropout is identity in eval mode
    out = _gcn_conv(h, edge_index, W2, b2)
    return jax.nn.log_softmax(out, axis=1)

if __name__ == "__main__":
    import jax
    _d = setup_inputs()
    print(jax.jit(kernel)(*tuple(_d.values())))

</pallas_src>

<mosaic_0001>
#map = affine_map<(d0, d1) -> (0, 0, 0)>
#map1 = affine_map<(d0, d1) -> (0, 0)>
module attributes {stable_mosaic.version = 14 : i64} {
  func.func @deg_kernel(%arg0: i32, %arg1: i32, %arg2: memref<32x80x128xi32, #tpu.memory_space<hbm>>, %arg3: memref<2x10240xf32, #tpu.memory_space<hbm>>, %arg4: memref<10240xf32, #tpu.memory_space<vmem_shared>>, %arg5: memref<80x128xi32, #tpu.memory_space<vmem>>, %arg6: memref<128xf32, #tpu.memory_space<vmem>>, %arg7: memref<!tpu.dma_semaphore, #tpu.memory_space<semaphore_mem>>) attributes {dimension_semantics = [#tpu.dimension_semantics<core_parallel>, #tpu.dimension_semantics<subcore_parallel>], iteration_bounds = array<i64: 2, 16>, scalar_prefetch = 0 : i64, scratch_operands = 4 : i64, tpu.core_type = #tpu.core_type<sc_vector_subcore>, window_params = [{transform_indices = #map}, {transform_indices = #map1}]} {
    %mul3A = arith.constant 16 : i32
    %mul3A_0 = arith.muli %arg0, %mul3A : i32
    %add3A = arith.addi %mul3A_0, %arg1 : i32
    "tpu.region"() ({
      %run_scoped3A = tpu.sem_alloc : memref<!tpu.dma_semaphore, #tpu.memory_space<semaphore_mem>>
      %dma_start3A = arith.constant 0 : i32
      %dma_start3A_38 = arith.constant 0 : i32
      %dma_start3A_39 = tpu.memref_slice %arg2[%add3A, %dma_start3A, %dma_start3A_38] : memref<32x80x128xi32, #tpu.memory_space<hbm>> -> memref<1x80x128xi32, #tpu.memory_space<hbm>>
      %dma_start3A_40 = tpu.memref_squeeze %dma_start3A_39 : memref<1x80x128xi32, #tpu.memory_space<hbm>> -> memref<80x128xi32, #tpu.memory_space<hbm>>
      %dma_start3A_41 = arith.constant 0 : i32
      %dma_start3A_42 = arith.constant 0 : i32
      %dma_start3A_43 = tpu.memref_slice %arg2[%add3A, %dma_start3A_41, %dma_start3A_42] : memref<32x80x128xi32, #tpu.memory_space<hbm>> -> memref<1x80x128xi32, #tpu.memory_space<hbm>>
      %dma_start3A_44 = tpu.memref_squeeze %dma_start3A_43 : memref<1x80x128xi32, #tpu.memory_space<hbm>> -> memref<80x128xi32, #tpu.memory_space<hbm>>
      tpu.enqueue_dma source(%dma_start3A_44 : memref<80x128xi32, #tpu.memory_space<hbm>>) target(%arg5 : memref<80x128xi32, #tpu.memory_space<vmem>>) target_semaphore(%run_scoped3A : memref<!tpu.dma_semaphore, #tpu.memory_space<semaphore_mem>>)
      %dma_wait3A = arith.constant 0 : i32
      %dma_wait3A_45 = arith.constant 0 : i32
      %dma_wait3A_46 = tpu.memref_slice %arg2[%add3A, %dma_wait3A, %dma_wait3A_45] : memref<32x80x128xi32, #tpu.memory_space<hbm>> -> memref<1x80x128xi32, #tpu.memory_space<hbm>>
      %dma_wait3A_47 = tpu.memref_squeeze %dma_wait3A_46 : memref<1x80x128xi32, #tpu.memory_space<hbm>> -> memref<80x128xi32, #tpu.memory_space<hbm>>
      %dma_wait3A_48 = arith.constant 0 : i32
      %dma_wait3A_49 = arith.constant 0 : i32
      %dma_wait3A_50 = tpu.memref_slice %arg2[%add3A, %dma_wait3A_48, %dma_wait3A_49] : memref<32x80x128xi32, #tpu.memory_space<hbm>> -> memref<1x80x128xi32, #tpu.memory_space<hbm>>
      %dma_wait3A_51 = tpu.memref_squeeze %dma_wait3A_50 : memref<1x80x128xi32, #tpu.memory_space<hbm>> -> memref<80x128xi32, #tpu.memory_space<hbm>>
      tpu.wait_dma2 semaphore(%run_scoped3A : memref<!tpu.dma_semaphore, #tpu.memory_space<semaphore_mem>>) src(%dma_wait3A_51 : memref<80x128xi32, #tpu.memory_space<hbm>>) dst(%arg5 : memref<80x128xi32, #tpu.memory_space<vmem>>)
      tpu.yield
    }) : () -> ()
    %mul3A_1 = arith.constant 640 : i32
    %mul3A_2 = arith.muli %arg1, %mul3A_1 : i32
    %multiple_of3A = tpu.assume_multiple %mul3A_2, 8 : i32
    %scan3A = arith.constant 0 : i32
    %scan3A_3 = arith.constant 0 : i32
    %scan3A_4 = arith.constant 8 : i32
    %scan3A_5 = arith.addi %scan3A_3, %scan3A_4 : i32
    %scan3A_6 = arith.constant 1 : i32
    %scan3A_7 = scf.for %scan3A_38 = %scan3A_3 to %scan3A_5 step %scan3A_6 iter_args(%scan3A_39 = %scan3A) -> (i32)  : i32 {
      %broadcast_in_dim3A = arith.constant 0.000000e+00 : f32
      %broadcast_in_dim3A_40 = vector.broadcast %broadcast_in_dim3A : f32 to vector<16xf32>
      %mul3A_41 = arith.constant 16 : i32
      %mul3A_42 = arith.muli %scan3A_38, %mul3A_41 : i32
      %swap3A = arith.index_cast %mul3A_42 : i32 to index
      %swap3A_43 = tpu.vector_load %arg6[%swap3A] {strides = array<i32>} : memref<128xf32, #tpu.memory_space<vmem>>, vector<16xf32>,
      %swap3A_44 = vector.shape_cast %swap3A_43 : vector<16xf32> to vector<16xf32>
      %swap3A_45 = vector.shape_cast %broadcast_in_dim3A_40 : vector<16xf32> to vector<16xf32>
      tpu.vector_store %arg6[%swap3A], %swap3A_45 {strides = array<i32>} : memref<128xf32, #tpu.memory_space<vmem>>, vector<16xf32>,
      %scan3A_46 = arith.constant 0 : i32
      scf.yield %scan3A_46 : i32
    }
    %scan3A_8 = arith.constant 8 : i32
    %scan3A_9 = arith.constant 0 : i32
    %scan3A_10 = arith.constant 0 : i32
    %scan3A_11 = arith.constant 5 : i32
    %scan3A_12 = arith.addi %scan3A_10, %scan3A_11 : i32
    %scan3A_13 = arith.constant 1 : i32
    %scan3A_14 = scf.for %scan3A_38 = %scan3A_10 to %scan3A_12 step %scan3A_13 iter_args(%scan3A_39 = %scan3A_9) -> (i32)  : i32 {
      %mul3A_40 = arith.constant 128 : i32
      %mul3A_41 = arith.muli %scan3A_38, %mul3A_40 : i32
      %add3A_42 = arith.addi %multiple_of3A, %mul3A_41 : i32
      %multiple_of3A_43 = tpu.assume_multiple %add3A_42, 8 : i32
      "tpu.region"() ({
        %run_scoped3A = tpu.sem_alloc : memref<!tpu.dma_semaphore, #tpu.memory_space<semaphore_mem>>
        %dma_start3A = tpu.memref_slice %arg4[%multiple_of3A_43] : memref<10240xf32, #tpu.memory_space<vmem_shared>> -> memref<128xf32, #tpu.memory_space<vmem_shared>>
        %dma_start3A_45 = tpu.memref_slice %arg4[%multiple_of3A_43] : memref<10240xf32, #tpu.memory_space<vmem_shared>> -> memref<128xf32, #tpu.memory_space<vmem_shared>>
        tpu.enqueue_dma source(%arg6 : memref<128xf32, #tpu.memory_space<vmem>>) target(%dma_start3A_45 : memref<128xf32, #tpu.memory_space<vmem_shared>>) target_semaphore(%run_scoped3A : memref<!tpu.dma_semaphore, #tpu.memory_space<semaphore_mem>>)
        %dma_wait3A = tpu.memref_slice %arg4[%multiple_of3A_43] : memref<10240xf32, #tpu.memory_space<vmem_shared>> -> memref<128xf32, #tpu.memory_space<vmem_shared>>
        %dma_wait3A_46 = tpu.memref_slice %arg4[%multiple_of3A_43] : memref<10240xf32, #tpu.memory_space<vmem_shared>> -> memref<128xf32, #tpu.memory_space<vmem_shared>>
        tpu.wait_dma2 semaphore(%run_scoped3A : memref<!tpu.dma_semaphore, #tpu.memory_space<semaphore_mem>>) src(%arg6 : memref<128xf32, #tpu.memory_space<vmem>>) dst(%dma_wait3A_46 : memref<128xf32, #tpu.memory_space<vmem_shared>>)
        tpu.yield
      }) : () -> ()
      %scan3A_44 = arith.constant 0 : i32
      scf.yield %scan3A_44 : i32
    }
    %scan3A_15 = arith.constant 5 : i32
    %scan3A_16 = arith.constant 0 : i32
    %scan3A_17 = arith.constant 0 : i32
    %scan3A_18 = arith.constant 8 : i32
    %scan3A_19 = arith.addi %scan3A_17, %scan3A_18 : i32
    %scan3A_20 = arith.constant 1 : i32
    %scan3A_21 = scf.for %scan3A_38 = %scan3A_17 to %scan3A_19 step %scan3A_20 iter_args(%scan3A_39 = %scan3A_16) -> (i32)  : i32 {
      %broadcast_in_dim3A = arith.constant 1.000000e+00 : f32
      %broadcast_in_dim3A_40 = vector.broadcast %broadcast_in_dim3A : f32 to vector<16xf32>
      %mul3A_41 = arith.constant 16 : i32
      %mul3A_42 = arith.muli %scan3A_38, %mul3A_41 : i32
      %swap3A = arith.index_cast %mul3A_42 : i32 to index
      %swap3A_43 = tpu.vector_load %arg6[%swap3A] {strides = array<i32>} : memref<128xf32, #tpu.memory_space<vmem>>, vector<16xf32>,
      %swap3A_44 = vector.shape_cast %swap3A_43 : vector<16xf32> to vector<16xf32>
      %swap3A_45 = vector.shape_cast %broadcast_in_dim3A_40 : vector<16xf32> to vector<16xf32>
      tpu.vector_store %arg6[%swap3A], %swap3A_45 {strides = array<i32>} : memref<128xf32, #tpu.memory_space<vmem>>, vector<16xf32>,
      %scan3A_46 = arith.constant 0 : i32
      scf.yield %scan3A_46 : i32
    }
    %scan3A_22 = arith.constant 8 : i32
    %barrier3A = arith.constant 0 : index
    tpu.barrier barrier_id(%barrier3A)
    %scan3A_23 = arith.constant 0 : i32
    %scan3A_24 = arith.constant 0 : i32
    %scan3A_25 = arith.constant 10 : i32
    %scan3A_26 = arith.addi %scan3A_24, %scan3A_25 : i32
    %scan3A_27 = arith.constant 1 : i32
    %scan3A_28 = scf.for %scan3A_38 = %scan3A_24 to %scan3A_26 step %scan3A_27 iter_args(%scan3A_39 = %scan3A_23) -> (i32)  : i32 {
      %mul3A_40 = arith.constant 8 : i32
      %mul3A_41 = arith.muli %scan3A_38, %mul3A_40 : i32
      %add3A_42 = arith.constant 0 : i32
      %add3A_43 = arith.addi %mul3A_41, %add3A_42 : i32
      %dma_start3A = arith.constant 0 : i32
      %dma_start3A_44 = tpu.memref_slice %arg5[%add3A_43, %dma_start3A] : memref<80x128xi32, #tpu.memory_space<vmem>> -> memref<1x128xi32, #tpu.memory_space<vmem>>
      %dma_start3A_45 = tpu.memref_squeeze %dma_start3A_44 : memref<1x128xi32, #tpu.memory_space<vmem>> -> memref<128xi32, #tpu.memory_space<vmem>>
      %dma_start3A_46 = arith.constant 0 : i32
      %dma_start3A_47 = tpu.memref_slice %arg4[%dma_start3A_46] : memref<10240xf32, #tpu.memory_space<vmem_shared>> -> memref<10240xf32, #tpu.memory_space<vmem_shared>>
      tpu.enqueue_indirect_dma source(%arg6 : memref<128xf32, #tpu.memory_space<vmem>>) target(%dma_start3A_47 : memref<10240xf32, #tpu.memory_space<vmem_shared>>) offsets(%dma_start3A_45 : memref<128xi32, #tpu.memory_space<vmem>>) semaphore(%arg7 : memref<!tpu.dma_semaphore, #tpu.memory_space<semaphore_mem>>) {add = true}
      %add3A_48 = arith.constant 1 : i32
      %add3A_49 = arith.addi %mul3A_41, %add3A_48 : i32
      %dma_start3A_50 = arith.constant 0 : i32
      %dma_start3A_51 = tpu.memref_slice %arg5[%add3A_49, %dma_start3A_50] : memref<80x128xi32, #tpu.memory_space<vmem>> -> memref<1x128xi32, #tpu.memory_space<vmem>>
      %dma_start3A_52 = tpu.memref_squeeze %dma_start3A_51 : memref<1x128xi32, #tpu.memory_space<vmem>> -> memref<128xi32, #tpu.memory_space<vmem>>
      %dma_start3A_53 = arith.constant 0 : i32
      %dma_start3A_54 = tpu.memref_slice %arg4[%dma_start3A_53] : memref<10240xf32, #tpu.memory_space<vmem_shared>> -> memref<10240xf32, #tpu.memory_space<vmem_shared>>
      tpu.enqueue_indirect_dma source(%arg6 : memref<128xf32, #tpu.memory_space<vmem>>) target(%dma_start3A_54 : memref<10240xf32, #tpu.memory_space<vmem_shared>>) offsets(%dma_start3A_52 : memref<128xi32, #tpu.memory_space<vmem>>) semaphore(%arg7 : memref<!tpu.dma_semaphore, #tpu.memory_space<semaphore_mem>>) {add = true}
      %add3A_55 = arith.constant 2 : i32
      %add3A_56 = arith.addi %mul3A_41, %add3A_55 : i32
      %dma_start3A_57 = arith.constant 0 : i32
      %dma_start3A_58 = tpu.memref_slice %arg5[%add3A_56, %dma_start3A_57] : memref<80x128xi32, #tpu.memory_space<vmem>> -> memref<1x128xi32, #tpu.memory_space<vmem>>
      %dma_start3A_59 = tpu.memref_squeeze %dma_start3A_58 : memref<1x128xi32, #tpu.memory_space<vmem>> -> memref<128xi32, #tpu.memory_space<vmem>>
      %dma_start3A_60 = arith.constant 0 : i32
      %dma_start3A_61 = tpu.memref_slice %arg4[%dma_start3A_60] : memref<10240xf32, #tpu.memory_space<vmem_shared>> -> memref<10240xf32, #tpu.memory_space<vmem_shared>>
      tpu.enqueue_indirect_dma source(%arg6 : memref<128xf32, #tpu.memory_space<vmem>>) target(%dma_start3A_61 : memref<10240xf32, #tpu.memory_space<vmem_shared>>) offsets(%dma_start3A_59 : memref<128xi32, #tpu.memory_space<vmem>>) semaphore(%arg7 : memref<!tpu.dma_semaphore, #tpu.memory_space<semaphore_mem>>) {add = true}
      %add3A_62 = arith.constant 3 : i32
      %add3A_63 = arith.addi %mul3A_41, %add3A_62 : i32
      %dma_start3A_64 = arith.constant 0 : i32
      %dma_start3A_65 = tpu.memref_slice %arg5[%add3A_63, %dma_start3A_64] : memref<80x128xi32, #tpu.memory_space<vmem>> -> memref<1x128xi32, #tpu.memory_space<vmem>>
      %dma_start3A_66 = tpu.memref_squeeze %dma_start3A_65 : memref<1x128xi32, #tpu.memory_space<vmem>> -> memref<128xi32, #tpu.memory_space<vmem>>
      %dma_start3A_67 = arith.constant 0 : i32
      %dma_start3A_68 = tpu.memref_slice %arg4[%dma_start3A_67] : memref<10240xf32, #tpu.memory_space<vmem_shared>> -> memref<10240xf32, #tpu.memory_space<vmem_shared>>
      tpu.enqueue_indirect_dma source(%arg6 : memref<128xf32, #tpu.memory_space<vmem>>) target(%dma_start3A_68 : memref<10240xf32, #tpu.memory_space<vmem_shared>>) offsets(%dma_start3A_66 : memref<128xi32, #tpu.memory_space<vmem>>) semaphore(%arg7 : memref<!tpu.dma_semaphore, #tpu.memory_space<semaphore_mem>>) {add = true}
      %add3A_69 = arith.constant 4 : i32
      %add3A_70 = arith.addi %mul3A_41, %add3A_69 : i32
      %dma_start3A_71 = arith.constant 0 : i32
      %dma_start3A_72 = tpu.memref_slice %arg5[%add3A_70, %dma_start3A_71] : memref<80x128xi32, #tpu.memory_space<vmem>> -> memref<1x128xi32, #tpu.memory_space<vmem>>
      %dma_start3A_73 = tpu.memref_squeeze %dma_start3A_72 : memref<1x128xi32, #tpu.memory_space<vmem>> -> memref<128xi32, #tpu.memory_space<vmem>>
      %dma_start3A_74 = arith.constant 0 : i32
      %dma_start3A_75 = tpu.memref_slice %arg4[%dma_start3A_74] : memref<10240xf32, #tpu.memory_space<vmem_shared>> -> memref<10240xf32, #tpu.memory_space<vmem_shared>>
      tpu.enqueue_indirect_dma source(%arg6 : memref<128xf32, #tpu.memory_space<vmem>>) target(%dma_start3A_75 : memref<10240xf32, #tpu.memory_space<vmem_shared>>) offsets(%dma_start3A_73 : memref<128xi32, #tpu.memory_space<vmem>>) semaphore(%arg7 : memref<!tpu.dma_semaphore, #tpu.memory_space<semaphore_mem>>) {add = true}
      %add3A_76 = arith.constant 5 : i32
      %add3A_77 = arith.addi %mul3A_41, %add3A_76 : i32
      %dma_start3A_78 = arith.constant 0 : i32
      %dma_start3A_79 = tpu.memref_slice %arg5[%add3A_77, %dma_start3A_78] : memref<80x128xi32, #tpu.memory_space<vmem>> -> memref<1x128xi32, #tpu.memory_space<vmem>>
      %dma_start3A_80 = tpu.memref_squeeze %dma_start3A_79 : memref<1x128xi32, #tpu.memory_space<vmem>> -> memref<128xi32, #tpu.memory_space<vmem>>
      %dma_start3A_81 = arith.constant 0 : i32
      %dma_start3A_82 = tpu.memref_slice %arg4[%dma_start3A_81] : memref<10240xf32, #tpu.memory_space<vmem_shared>> -> memref<10240xf32, #tpu.memory_space<vmem_shared>>
      tpu.enqueue_indirect_dma source(%arg6 : memref<128xf32, #tpu.memory_space<vmem>>) target(%dma_start3A_82 : memref<10240xf32, #tpu.memory_space<vmem_shared>>) offsets(%dma_start3A_80 : memref<128xi32, #tpu.memory_space<vmem>>) semaphore(%arg7 : memref<!tpu.dma_semaphore, #tpu.memory_space<semaphore_mem>>) {add = true}
      %add3A_83 = arith.constant 6 : i32
      %add3A_84 = arith.addi %mul3A_41, %add3A_83 : i32
      %dma_start3A_85 = arith.constant 0 : i32
      %dma_start3A_86 = tpu.memref_slice %arg5[%add3A_84, %dma_start3A_85] : memref<80x128xi32, #tpu.memory_space<vmem>> -> memref<1x128xi32, #tpu.memory_space<vmem>>
      %dma_start3A_87 = tpu.memref_squeeze %dma_start3A_86 : memref<1x128xi32, #tpu.memory_space<vmem>> -> memref<128xi32, #tpu.memory_space<vmem>>
      %dma_start3A_88 = arith.constant 0 : i32
      %dma_start3A_89 = tpu.memref_slice %arg4[%dma_start3A_88] : memref<10240xf32, #tpu.memory_space<vmem_shared>> -> memref<10240xf32, #tpu.memory_space<vmem_shared>>
      tpu.enqueue_indirect_dma source(%arg6 : memref<128xf32, #tpu.memory_space<vmem>>) target(%dma_start3A_89 : memref<10240xf32, #tpu.memory_space<vmem_shared>>) offsets(%dma_start3A_87 : memref<128xi32, #tpu.memory_space<vmem>>) semaphore(%arg7 : memref<!tpu.dma_semaphore, #tpu.memory_space<semaphore_mem>>) {add = true}
      %add3A_90 = arith.constant 7 : i32
      %add3A_91 = arith.addi %mul3A_41, %add3A_90 : i32
      %dma_start3A_92 = arith.constant 0 : i32
      %dma_start3A_93 = tpu.memref_slice %arg5[%add3A_91, %dma_start3A_92] : memref<80x128xi32, #tpu.memory_space<vmem>> -> memref<1x128xi32, #tpu.memory_space<vmem>>
      %dma_start3A_94 = tpu.memref_squeeze %dma_start3A_93 : memref<1x128xi32, #tpu.memory_space<vmem>> -> memref<128xi32, #tpu.memory_space<vmem>>
      %dma_start3A_95 = arith.constant 0 : i32
      %dma_start3A_96 = tpu.memref_slice %arg4[%dma_start3A_95] : memref<10240xf32, #tpu.memory_space<vmem_shared>> -> memref<10240xf32, #tpu.memory_space<vmem_shared>>
      tpu.enqueue_indirect_dma source(%arg6 : memref<128xf32, #tpu.memory_space<vmem>>) target(%dma_start3A_96 : memref<10240xf32, #tpu.memory_space<vmem_shared>>) offsets(%dma_start3A_94 : memref<128xi32, #tpu.memory_space<vmem>>) semaphore(%arg7 : memref<!tpu.dma_semaphore, #tpu.memory_space<semaphore_mem>>) {add = true}
      %add3A_97 = arith.constant 0 : i32
      %add3A_98 = arith.addi %mul3A_41, %add3A_97 : i32
      %dma_wait3A = arith.constant 0 : i32
      %dma_wait3A_99 = tpu.memref_slice %arg5[%add3A_98, %dma_wait3A] : memref<80x128xi32, #tpu.memory_space<vmem>> -> memref<1x128xi32, #tpu.memory_space<vmem>>
      %dma_wait3A_100 = tpu.memref_squeeze %dma_wait3A_99 : memref<1x128xi32, #tpu.memory_space<vmem>> -> memref<128xi32, #tpu.memory_space<vmem>>
      %dma_wait3A_101 = arith.constant 0 : i32
      %dma_wait3A_102 = tpu.memref_slice %arg4[%dma_wait3A_101] : memref<10240xf32, #tpu.memory_space<vmem_shared>> -> memref<10240xf32, #tpu.memory_space<vmem_shared>>
      tpu.wait_indirect_dma semaphore(%arg7 : memref<!tpu.dma_semaphore, #tpu.memory_space<semaphore_mem>>) src(%arg6 : memref<128xf32, #tpu.memory_space<vmem>>) dst(%dma_wait3A_102 : memref<10240xf32, #tpu.memory_space<vmem_shared>>)
      %add3A_103 = arith.constant 1 : i32
      %add3A_104 = arith.addi %mul3A_41, %add3A_103 : i32
      %dma_wait3A_105 = arith.constant 0 : i32
      %dma_wait3A_106 = tpu.memref_slice %arg5[%add3A_104, %dma_wait3A_105] : memref<80x128xi32, #tpu.memory_space<vmem>> -> memref<1x128xi32, #tpu.memory_space<vmem>>
      %dma_wait3A_107 = tpu.memref_squeeze %dma_wait3A_106 : memref<1x128xi32, #tpu.memory_space<vmem>> -> memref<128xi32, #tpu.memory_space<vmem>>
      %dma_wait3A_108 = arith.constant 0 : i32
      %dma_wait3A_109 = tpu.memref_slice %arg4[%dma_wait3A_108] : memref<10240xf32, #tpu.memory_space<vmem_shared>> -> memref<10240xf32, #tpu.memory_space<vmem_shared>>
      tpu.wait_indirect_dma semaphore(%arg7 : memref<!tpu.dma_semaphore, #tpu.memory_space<semaphore_mem>>) src(%arg6 : memref<128xf32, #tpu.memory_space<vmem>>) dst(%dma_wait3A_109 : memref<10240xf32, #tpu.memory_space<vmem_shared>>)
      %add3A_110 = arith.constant 2 : i32
      %add3A_111 = arith.addi %mul3A_41, %add3A_110 : i32
      %dma_wait3A_112 = arith.constant 0 : i32
      %dma_wait3A_113 = tpu.memref_slice %arg5[%add3A_111, %dma_wait3A_112] : memref<80x128xi32, #tpu.memory_space<vmem>> -> memref<1x128xi32, #tpu.memory_space<vmem>>
      %dma_wait3A_114 = tpu.memref_squeeze %dma_wait3A_113 : memref<1x128xi32, #tpu.memory_space<vmem>> -> memref<128xi32, #tpu.memory_space<vmem>>
      %dma_wait3A_115 = arith.constant 0 : i32
      %dma_wait3A_116 = tpu.memref_slice %arg4[%dma_wait3A_115] : memref<10240xf32, #tpu.memory_space<vmem_shared>> -> memref<10240xf32, #tpu.memory_space<vmem_shared>>
      tpu.wait_indirect_dma semaphore(%arg7 : memref<!tpu.dma_semaphore, #tpu.memory_space<semaphore_mem>>) src(%arg6 : memref<128xf32, #tpu.memory_space<vmem>>) dst(%dma_wait3A_116 : memref<10240xf32, #tpu.memory_space<vmem_shared>>)
      %add3A_117 = arith.constant 3 : i32
      %add3A_118 = arith.addi %mul3A_41, %add3A_117 : i32
      %dma_wait3A_119 = arith.constant 0 : i32
      %dma_wait3A_120 = tpu.memref_slice %arg5[%add3A_118, %dma_wait3A_119] : memref<80x128xi32, #tpu.memory_space<vmem>> -> memref<1x128xi32, #tpu.memory_space<vmem>>
      %dma_wait3A_121 = tpu.memref_squeeze %dma_wait3A_120 : memref<1x128xi32, #tpu.memory_space<vmem>> -> memref<128xi32, #tpu.memory_space<vmem>>
      %dma_wait3A_122 = arith.constant 0 : i32
      %dma_wait3A_123 = tpu.memref_slice %arg4[%dma_wait3A_122] : memref<10240xf32, #tpu.memory_space<vmem_shared>> -> memref<10240xf32, #tpu.memory_space<vmem_shared>>
      tpu.wait_indirect_dma semaphore(%arg7 : memref<!tpu.dma_semaphore, #tpu.memory_space<semaphore_mem>>) src(%arg6 : memref<128xf32, #tpu.memory_space<vmem>>) dst(%dma_wait3A_123 : memref<10240xf32, #tpu.memory_space<vmem_shared>>)
      %add3A_124 = arith.constant 4 : i32
      %add3A_125 = arith.addi %mul3A_41, %add3A_124 : i32
      %dma_wait3A_126 = arith.constant 0 : i32
      %dma_wait3A_127 = tpu.memref_slice %arg5[%add3A_125, %dma_wait3A_126] : memref<80x128xi32, #tpu.memory_space<vmem>> -> memref<1x128xi32, #tpu.memory_space<vmem>>
      %dma_wait3A_128 = tpu.memref_squeeze %dma_wait3A_127 : memref<1x128xi32, #tpu.memory_space<vmem>> -> memref<128xi32, #tpu.memory_space<vmem>>
      %dma_wait3A_129 = arith.constant 0 : i32
      %dma_wait3A_130 = tpu.memref_slice %arg4[%dma_wait3A_129] : memref<10240xf32, #tpu.memory_space<vmem_shared>> -> memref<10240xf32, #tpu.memory_space<vmem_shared>>
      tpu.wait_indirect_dma semaphore(%arg7 : memref<!tpu.dma_semaphore, #tpu.memory_space<semaphore_mem>>) src(%arg6 : memref<128xf32, #tpu.memory_space<vmem>>) dst(%dma_wait3A_130 : memref<10240xf32, #tpu.memory_space<vmem_shared>>)
      %add3A_131 = arith.constant 5 : i32
      %add3A_132 = arith.addi %mul3A_41, %add3A_131 : i32
      %dma_wait3A_133 = arith.constant 0 : i32
      %dma_wait3A_134 = tpu.memref_slice %arg5[%add3A_132, %dma_wait3A_133] : memref<80x128xi32, #tpu.memory_space<vmem>> -> memref<1x128xi32, #tpu.memory_space<vmem>>
      %dma_wait3A_135 = tpu.memref_squeeze %dma_wait3A_134 : memref<1x128xi32, #tpu.memory_space<vmem>> -> memref<128xi32, #tpu.memory_space<vmem>>
      %dma_wait3A_136 = arith.constant 0 : i32
      %dma_wait3A_137 = tpu.memref_slice %arg4[%dma_wait3A_136] : memref<10240xf32, #tpu.memory_space<vmem_shared>> -> memref<10240xf32, #tpu.memory_space<vmem_shared>>
      tpu.wait_indirect_dma semaphore(%arg7 : memref<!tpu.dma_semaphore, #tpu.memory_space<semaphore_mem>>) src(%arg6 : memref<128xf32, #tpu.memory_space<vmem>>) dst(%dma_wait3A_137 : memref<10240xf32, #tpu.memory_space<vmem_shared>>)
      %add3A_138 = arith.constant 6 : i32
      %add3A_139 = arith.addi %mul3A_41, %add3A_138 : i32
      %dma_wait3A_140 = arith.constant 0 : i32
      %dma_wait3A_141 = tpu.memref_slice %arg5[%add3A_139, %dma_wait3A_140] : memref<80x128xi32, #tpu.memory_space<vmem>> -> memref<1x128xi32, #tpu.memory_space<vmem>>
      %dma_wait3A_142 = tpu.memref_squeeze %dma_wait3A_141 : memref<1x128xi32, #tpu.memory_space<vmem>> -> memref<128xi32, #tpu.memory_space<vmem>>
      %dma_wait3A_143 = arith.constant 0 : i32
      %dma_wait3A_144 = tpu.memref_slice %arg4[%dma_wait3A_143] : memref<10240xf32, #tpu.memory_space<vmem_shared>> -> memref<10240xf32, #tpu.memory_space<vmem_shared>>
      tpu.wait_indirect_dma semaphore(%arg7 : memref<!tpu.dma_semaphore, #tpu.memory_space<semaphore_mem>>) src(%arg6 : memref<128xf32, #tpu.memory_space<vmem>>) dst(%dma_wait3A_144 : memref<10240xf32, #tpu.memory_space<vmem_shared>>)
      %add3A_145 = arith.constant 7 : i32
      %add3A_146 = arith.addi %mul3A_41, %add3A_145 : i32
      %dma_wait3A_147 = arith.constant 0 : i32
      %dma_wait3A_148 = tpu.memref_slice %arg5[%add3A_146, %dma_wait3A_147] : memref<80x128xi32, #tpu.memory_space<vmem>> -> memref<1x128xi32, #tpu.memory_space<vmem>>
      %dma_wait3A_149 = tpu.memref_squeeze %dma_wait3A_148 : memref<1x128xi32, #tpu.memory_space<vmem>> -> memref<128xi32, #tpu.memory_space<vmem>>
      %dma_wait3A_150 = arith.constant 0 : i32
      %dma_wait3A_151 = tpu.memref_slice %arg4[%dma_wait3A_150] : memref<10240xf32, #tpu.memory_space<vmem_shared>> -> memref<10240xf32, #tpu.memory_space<vmem_shared>>
      tpu.wait_indirect_dma semaphore(%arg7 : memref<!tpu.dma_semaphore, #tpu.memory_space<semaphore_mem>>) src(%arg6 : memref<128xf32, #tpu.memory_space<vmem>>) dst(%dma_wait3A_151 : memref<10240xf32, #tpu.memory_space<vmem_shared>>)
      %scan3A_152 = arith.constant 0 : i32
      scf.yield %scan3A_152 : i32
    }
    %scan3A_29 = arith.constant 10 : i32
    %barrier3A_30 = arith.constant 0 : index
    tpu.barrier barrier_id(%barrier3A_30)
    %scan3A_31 = arith.constant 0 : i32
    %scan3A_32 = arith.constant 0 : i32
    %scan3A_33 = arith.constant 5 : i32
    %scan3A_34 = arith.addi %scan3A_32, %scan3A_33 : i32
    %scan3A_35 = arith.constant 1 : i32
    %scan3A_36 = scf.for %scan3A_38 = %scan3A_32 to %scan3A_34 step %scan3A_35 iter_args(%scan3A_39 = %scan3A_31) -> (i32)  : i32 {
      %mul3A_40 = arith.constant 128 : i32
      %mul3A_41 = arith.muli %scan3A_38, %mul3A_40 : i32
      %add3A_42 = arith.addi %multiple_of3A, %mul3A_41 : i32
      %multiple_of3A_43 = tpu.assume_multiple %add3A_42, 8 : i32
      "tpu.region"() ({
        %run_scoped3A = tpu.sem_alloc : memref<!tpu.dma_semaphore, #tpu.memory_space<semaphore_mem>>
        %dma_start3A = tpu.memref_slice %arg4[%multiple_of3A_43] : memref<10240xf32, #tpu.memory_space<vmem_shared>> -> memref<128xf32, #tpu.memory_space<vmem_shared>>
        %dma_start3A_49 = tpu.memref_slice %arg4[%multiple_of3A_43] : memref<10240xf32, #tpu.memory_space<vmem_shared>> -> memref<128xf32, #tpu.memory_space<vmem_shared>>
        tpu.enqueue_dma source(%dma_start3A_49 : memref<128xf32, #tpu.memory_space<vmem_shared>>) target(%arg6 : memref<128xf32, #tpu.memory_space<vmem>>) target_semaphore(%run_scoped3A : memref<!tpu.dma_semaphore, #tpu.memory_space<semaphore_mem>>)
        %dma_wait3A = tpu.memref_slice %arg4[%multiple_of3A_43] : memref<10240xf32, #tpu.memory_space<vmem_shared>> -> memref<128xf32, #tpu.memory_space<vmem_shared>>
        %dma_wait3A_50 = tpu.memref_slice %arg4[%multiple_of3A_43] : memref<10240xf32, #tpu.memory_space<vmem_shared>> -> memref<128xf32, #tpu.memory_space<vmem_shared>>
        tpu.wait_dma2 semaphore(%run_scoped3A : memref<!tpu.dma_semaphore, #tpu.memory_space<semaphore_mem>>) src(%dma_wait3A_50 : memref<128xf32, #tpu.memory_space<vmem_shared>>) dst(%arg6 : memref<128xf32, #tpu.memory_space<vmem>>)
        tpu.yield
      }) : () -> ()
      %mul3A_44 = arith.constant 128 : i32
      %mul3A_45 = arith.muli %scan3A_38, %mul3A_44 : i32
      %add3A_46 = arith.addi %multiple_of3A, %mul3A_45 : i32
      %multiple_of3A_47 = tpu.assume_multiple %add3A_46, 8 : i32
      "tpu.region"() ({
        %run_scoped3A = tpu.sem_alloc : memref<!tpu.dma_semaphore, #tpu.memory_space<semaphore_mem>>
        %dma_start3A = tpu.memref_slice %arg3[%arg0, %multiple_of3A_47] : memref<2x10240xf32, #tpu.memory_space<hbm>> -> memref<1x128xf32, #tpu.memory_space<hbm>>
        %dma_start3A_49 = tpu.memref_squeeze %dma_start3A : memref<1x128xf32, #tpu.memory_space<hbm>> -> memref<128xf32, #tpu.memory_space<hbm>>
        %dma_start3A_50 = tpu.memref_slice %arg3[%arg0, %multiple_of3A_47] : memref<2x10240xf32, #tpu.memory_space<hbm>> -> memref<1x128xf32, #tpu.memory_space<hbm>>
        %dma_start3A_51 = tpu.memref_squeeze %dma_start3A_50 : memref<1x128xf32, #tpu.memory_space<hbm>> -> memref<128xf32, #tpu.memory_space<hbm>>
        tpu.enqueue_dma source(%arg6 : memref<128xf32, #tpu.memory_space<vmem>>) target(%dma_start3A_51 : memref<128xf32, #tpu.memory_space<hbm>>) target_semaphore(%run_scoped3A : memref<!tpu.dma_semaphore, #tpu.memory_space<semaphore_mem>>)
        %dma_wait3A = tpu.memref_slice %arg3[%arg0, %multiple_of3A_47] : memref<2x10240xf32, #tpu.memory_space<hbm>> -> memref<1x128xf32, #tpu.memory_space<hbm>>
        %dma_wait3A_52 = tpu.memref_squeeze %dma_wait3A : memref<1x128xf32, #tpu.memory_space<hbm>> -> memref<128xf32, #tpu.memory_space<hbm>>
        %dma_wait3A_53 = tpu.memref_slice %arg3[%arg0, %multiple_of3A_47] : memref<2x10240xf32, #tpu.memory_space<hbm>> -> memref<1x128xf32, #tpu.memory_space<hbm>>
        %dma_wait3A_54 = tpu.memref_squeeze %dma_wait3A_53 : memref<1x128xf32, #tpu.memory_space<hbm>> -> memref<128xf32, #tpu.memory_space<hbm>>
        tpu.wait_dma2 semaphore(%run_scoped3A : memref<!tpu.dma_semaphore, #tpu.memory_space<semaphore_mem>>) src(%arg6 : memref<128xf32, #tpu.memory_space<vmem>>) dst(%dma_wait3A_54 : memref<128xf32, #tpu.memory_space<hbm>>)
        tpu.yield
      }) : () -> ()
      %scan3A_48 = arith.constant 0 : i32
      scf.yield %scan3A_48 : i32
    }
    %scan3A_37 = arith.constant 5 : i32
    return
  }
}

#map = affine_map<(d0, d1) -> (0, 0)>
#map1 = affine_map<(d0, d1) -> (0, 0, 0)>
module attributes {stable_mosaic.version = 14 : i64} {
  func.func @agg_kernel(%arg0: i32, %arg1: i32, %arg2: memref<10240x16xf32, #tpu.memory_space<hbm>>, %arg3: memref<32x80x128xi32, #tpu.memory_space<hbm>>, %arg4: memref<32x80x128xi32, #tpu.memory_space<hbm>>, %arg5: memref<2x10240x16xf32, #tpu.memory_space<hbm>>, %arg6: memref<10240x16xf32, #tpu.memory_space<vmem_shared>>, %arg7: memref<80x128xi32, #tpu.memory_space<vmem>>, %arg8: memref<80x128xi32, #tpu.memory_space<vmem>>, %arg9: memref<128x16xf32, #tpu.memory_space<vmem>>, %arg10: memref<128x16xf32, #tpu.memory_space<vmem>>, %arg11: memref<128x16xf32, #tpu.memory_space<vmem>>, %arg12: memref<128x16xf32, #tpu.memory_space<vmem>>, %arg13: memref<!tpu.dma_semaphore, #tpu.memory_space<semaphore_mem>>, %arg14: memref<!tpu.dma_semaphore, #tpu.memory_space<semaphore_mem>>, %arg15: memref<!tpu.dma_semaphore, #tpu.memory_space<semaphore_mem>>, %arg16: memref<!tpu.dma_semaphore, #tpu.memory_space<semaphore_mem>>, %arg17: memref<!tpu.dma_semaphore, #tpu.memory_space<semaphore_mem>>, %arg18: memref<!tpu.dma_semaphore, #tpu.memory_space<semaphore_mem>>, %arg19: memref<!tpu.dma_semaphore, #tpu.memory_space<semaphore_mem>>, %arg20: memref<!tpu.dma_semaphore, #tpu.memory_space<semaphore_mem>>) attributes {dimension_semantics = [#tpu.dimension_semantics<core_parallel>, #tpu.dimension_semantics<subcore_parallel>], iteration_bounds = array<i64: 2, 16>, scalar_prefetch = 0 : i64, scratch_operands = 15 : i64, tpu.core_type = #tpu.core_type<sc_vector_subcore>, window_params = [{transform_indices = #map}, {transform_indices = #map1}, {transform_indices = #map1}, {transform_indices = #map1}]} {
    %mul3A = arith.constant 16 : i32
    %mul3A_0 = arith.muli %arg0, %mul3A : i32
    %add3A = arith.addi %mul3A_0, %arg1 : i32
    "tpu.region"() ({
      %run_scoped3A = tpu.sem_alloc : memref<!tpu.dma_semaphore, #tpu.memory_space<semaphore_mem>>
      %dma_start3A_58 = arith.constant 0 : i32
      %dma_start3A_59 = arith.constant 0 : i32
      %dma_start3A_60 = tpu.memref_slice %arg3[%add3A, %dma_start3A_58, %dma_start3A_59] : memref<32x80x128xi32, #tpu.memory_space<hbm>> -> memref<1x80x128xi32, #tpu.memory_space<hbm>>
      %dma_start3A_61 = tpu.memref_squeeze %dma_start3A_60 : memref<1x80x128xi32, #tpu.memory_space<hbm>> -> memref<80x128xi32, #tpu.memory_space<hbm>>
      %dma_start3A_62 = arith.constant 0 : i32
      %dma_start3A_63 = arith.constant 0 : i32
      %dma_start3A_64 = tpu.memref_slice %arg3[%add3A, %dma_start3A_62, %dma_start3A_63] : memref<32x80x128xi32, #tpu.memory_space<hbm>> -> memref<1x80x128xi32, #tpu.memory_space<hbm>>
      %dma_start3A_65 = tpu.memref_squeeze %dma_start3A_64 : memref<1x80x128xi32, #tpu.memory_space<hbm>> -> memref<80x128xi32, #tpu.memory_space<hbm>>
      tpu.enqueue_dma source(%dma_start3A_65 : memref<80x128xi32, #tpu.memory_space<hbm>>) target(%arg7 : memref<80x128xi32, #tpu.memory_space<vmem>>) target_semaphore(%run_scoped3A : memref<!tpu.dma_semaphore, #tpu.memory_space<semaphore_mem>>)
      %dma_wait3A = arith.constant 0 : i32
      %dma_wait3A_66 = arith.constant 0 : i32
      %dma_wait3A_67 = tpu.memref_slice %arg3[%add3A, %dma_wait3A, %dma_wait3A_66] : memref<32x80x128xi32, #tpu.memory_space<hbm>> -> memref<1x80x128xi32, #tpu.memory_space<hbm>>
      %dma_wait3A_68 = tpu.memref_squeeze %dma_wait3A_67 : memref<1x80x128xi32, #tpu.memory_space<hbm>> -> memref<80x128xi32, #tpu.memory_space<hbm>>
      %dma_wait3A_69 = arith.constant 0 : i32
      %dma_wait3A_70 = arith.constant 0 : i32
      %dma_wait3A_71 = tpu.memref_slice %arg3[%add3A, %dma_wait3A_69, %dma_wait3A_70] : memref<32x80x128xi32, #tpu.memory_space<hbm>> -> memref<1x80x128xi32, #tpu.memory_space<hbm>>
      %dma_wait3A_72 = tpu.memref_squeeze %dma_wait3A_71 : memref<1x80x128xi32, #tpu.memory_space<hbm>> -> memref<80x128xi32, #tpu.memory_space<hbm>>
      tpu.wait_dma2 semaphore(%run_scoped3A : memref<!tpu.dma_semaphore, #tpu.memory_space<semaphore_mem>>) src(%dma_wait3A_72 : memref<80x128xi32, #tpu.memory_space<hbm>>) dst(%arg7 : memref<80x128xi32, #tpu.memory_space<vmem>>)
      tpu.yield
    }) : () -> ()
    "tpu.region"() ({
      %run_scoped3A = tpu.sem_alloc : memref<!tpu.dma_semaphore, #tpu.memory_space<semaphore_mem>>
      %dma_start3A_58 = arith.constant 0 : i32
      %dma_start3A_59 = arith.constant 0 : i32
      %dma_start3A_60 = tpu.memref_slice %arg4[%add3A, %dma_start3A_58, %dma_start3A_59] : memref<32x80x128xi32, #tpu.memory_space<hbm>> -> memref<1x80x128xi32, #tpu.memory_space<hbm>>
      %dma_start3A_61 = tpu.memref_squeeze %dma_start3A_60 : memref<1x80x128xi32, #tpu.memory_space<hbm>> -> memref<80x128xi32, #tpu.memory_space<hbm>>
      %dma_start3A_62 = arith.constant 0 : i32
      %dma_start3A_63 = arith.constant 0 : i32
      %dma_start3A_64 = tpu.memref_slice %arg4[%add3A, %dma_start3A_62, %dma_start3A_63] : memref<32x80x128xi32, #tpu.memory_space<hbm>> -> memref<1x80x128xi32, #tpu.memory_space<hbm>>
      %dma_start3A_65 = tpu.memref_squeeze %dma_start3A_64 : memref<1x80x128xi32, #tpu.memory_space<hbm>> -> memref<80x128xi32, #tpu.memory_space<hbm>>
      tpu.enqueue_dma source(%dma_start3A_65 : memref<80x128xi32, #tpu.memory_space<hbm>>) target(%arg8 : memref<80x128xi32, #tpu.memory_space<vmem>>) target_semaphore(%run_scoped3A : memref<!tpu.dma_semaphore, #tpu.memory_space<semaphore_mem>>)
      %dma_wait3A = arith.constant 0 : i32
      %dma_wait3A_66 = arith.constant 0 : i32
      %dma_wait3A_67 = tpu.memref_slice %arg4[%add3A, %dma_wait3A, %dma_wait3A_66] : memref<32x80x128xi32, #tpu.memory_space<hbm>> -> memref<1x80x128xi32, #tpu.memory_space<hbm>>
      %dma_wait3A_68 = tpu.memref_squeeze %dma_wait3A_67 : memref<1x80x128xi32, #tpu.memory_space<hbm>> -> memref<80x128xi32, #tpu.memory_space<hbm>>
      %dma_wait3A_69 = arith.constant 0 : i32
      %dma_wait3A_70 = arith.constant 0 : i32
      %dma_wait3A_71 = tpu.memref_slice %arg4[%add3A, %dma_wait3A_69, %dma_wait3A_70] : memref<32x80x128xi32, #tpu.memory_space<hbm>> -> memref<1x80x128xi32, #tpu.memory_space<hbm>>
      %dma_wait3A_72 = tpu.memref_squeeze %dma_wait3A_71 : memref<1x80x128xi32, #tpu.memory_space<hbm>> -> memref<80x128xi32, #tpu.memory_space<hbm>>
      tpu.wait_dma2 semaphore(%run_scoped3A : memref<!tpu.dma_semaphore, #tpu.memory_space<semaphore_mem>>) src(%dma_wait3A_72 : memref<80x128xi32, #tpu.memory_space<hbm>>) dst(%arg8 : memref<80x128xi32, #tpu.memory_space<vmem>>)
      tpu.yield
    }) : () -> ()
    %mul3A_1 = arith.constant 640 : i32
    %mul3A_2 = arith.muli %arg1, %mul3A_1 : i32
    %multiple_of3A = tpu.assume_multiple %mul3A_2, 8 : i32
    %scan3A = arith.constant 0 : i32
    %scan3A_3 = arith.constant 0 : i32
    %scan3A_4 = arith.constant 128 : i32
    %scan3A_5 = arith.addi %scan3A_3, %scan3A_4 : i32
    %scan3A_6 = arith.constant 1 : i32
    %scan3A_7 = scf.for %scan3A_58 = %scan3A_3 to %scan3A_5 step %scan3A_6 iter_args(%scan3A_59 = %scan3A) -> (i32)  : i32 {
      %broadcast_in_dim3A = arith.constant 0.000000e+00 : f32
      %broadcast_in_dim3A_60 = vector.broadcast %broadcast_in_dim3A : f32 to vector<16xf32>
      %swap3A = arith.index_cast %scan3A_58 : i32 to index
      %swap3A_61 = arith.constant 0 : index
      %swap3A_62 = tpu.vector_load %arg9[%swap3A, %swap3A_61] {strides = array<i32>} : memref<128x16xf32, #tpu.memory_space<vmem>>, vector<1x16xf32>,
      %swap3A_63 = vector.shape_cast %swap3A_62 : vector<1x16xf32> to vector<16xf32>
      %swap3A_64 = vector.shape_cast %broadcast_in_dim3A_60 : vector<16xf32> to vector<1x16xf32>
      tpu.vector_store %arg9[%swap3A, %swap3A_61], %swap3A_64 {strides = array<i32>} : memref<128x16xf32, #tpu.memory_space<vmem>>, vector<1x16xf32>,
      %scan3A_65 = arith.constant 0 : i32
      scf.yield %scan3A_65 : i32
    }
    %scan3A_8 = arith.constant 128 : i32
    %scan3A_9 = arith.constant 0 : i32
    %scan3A_10 = arith.constant 0 : i32
    %scan3A_11 = arith.constant 5 : i32
    %scan3A_12 = arith.addi %scan3A_10, %scan3A_11 : i32
    %scan3A_13 = arith.constant 1 : i32
    %scan3A_14 = scf.for %scan3A_58 = %scan3A_10 to %scan3A_12 step %scan3A_13 iter_args(%scan3A_59 = %scan3A_9) -> (i32)  : i32 {
      %mul3A_60 = arith.constant 128 : i32
      %mul3A_61 = arith.muli %scan3A_58, %mul3A_60 : i32
      %add3A_62 = arith.addi %multiple_of3A, %mul3A_61 : i32
      %multiple_of3A_63 = tpu.assume_multiple %add3A_62, 8 : i32
      "tpu.region"() ({
        %run_scoped3A = tpu.sem_alloc : memref<!tpu.dma_semaphore, #tpu.memory_space<semaphore_mem>>
        %dma_start3A_65 = arith.constant 0 : i32
        %dma_start3A_66 = tpu.memref_slice %arg6[%multiple_of3A_63, %dma_start3A_65] : memref<10240x16xf32, #tpu.memory_space<vmem_shared>> -> memref<128x16xf32, #tpu.memory_space<vmem_shared>>
        %dma_start3A_67 = arith.constant 0 : i32
        %dma_start3A_68 = tpu.memref_slice %arg6[%multiple_of3A_63, %dma_start3A_67] : memref<10240x16xf32, #tpu.memory_space<vmem_shared>> -> memref<128x16xf32, #tpu.memory_space<vmem_shared>>
        tpu.enqueue_dma source(%arg9 : memref<128x16xf32, #tpu.memory_space<vmem>>) target(%dma_start3A_68 : memref<128x16xf32, #tpu.memory_space<vmem_shared>>) target_semaphore(%run_scoped3A : memref<!tpu.dma_semaphore, #tpu.memory_space<semaphore_mem>>)
        %dma_wait3A = arith.constant 0 : i32
        %dma_wait3A_69 = tpu.memref_slice %arg6[%multiple_of3A_63, %dma_wait3A] : memref<10240x16xf32, #tpu.memory_space<vmem_shared>> -> memref<128x16xf32, #tpu.memory_space<vmem_shared>>
        %dma_wait3A_70 = arith.constant 0 : i32
        %dma_wait3A_71 = tpu.memref_slice %arg6[%multiple_of3A_63, %dma_wait3A_70] : memref<10240x16xf32, #tpu.memory_space<vmem_shared>> -> memref<128x16xf32, #tpu.memory_space<vmem_shared>>
        tpu.wait_dma2 semaphore(%run_scoped3A : memref<!tpu.dma_semaphore, #tpu.memory_space<semaphore_mem>>) src(%arg9 : memref<128x16xf32, #tpu.memory_space<vmem>>) dst(%dma_wait3A_71 : memref<128x16xf32, #tpu.memory_space<vmem_shared>>)
        tpu.yield
      }) : () -> ()
      %scan3A_64 = arith.constant 0 : i32
      scf.yield %scan3A_64 : i32
    }
    %scan3A_15 = arith.constant 5 : i32
    %barrier3A = arith.constant 0 : index
    tpu.barrier barrier_id(%barrier3A)
    %dma_start3A = arith.constant 0 : i32
    %dma_start3A_16 = arith.constant 0 : i32
    %dma_start3A_17 = tpu.memref_slice %arg7[%dma_start3A, %dma_start3A_16] : memref<80x128xi32, #tpu.memory_space<vmem>> -> memref<1x128xi32, #tpu.memory_space<vmem>>
    %dma_start3A_18 = tpu.memref_squeeze %dma_start3A_17 : memref<1x128xi32, #tpu.memory_space<vmem>> -> memref<128xi32, #tpu.memory_space<vmem>>
    %dma_start3A_19 = arith.constant 0 : i32
    %dma_start3A_20 = arith.constant 0 : i32
    %dma_start3A_21 = tpu.memref_slice %arg2[%dma_start3A_19, %dma_start3A_20] : memref<10240x16xf32, #tpu.memory_space<hbm>> -> memref<10240x16xf32, #tpu.memory_space<hbm>>
    tpu.enqueue_indirect_dma source(%dma_start3A_21 : memref<10240x16xf32, #tpu.memory_space<hbm>>) target(%arg9 : memref<128x16xf32, #tpu.memory_space<vmem>>) offsets(%dma_start3A_18 : memref<128xi32, #tpu.memory_space<vmem>>) semaphore(%arg13 : memref<!tpu.dma_semaphore, #tpu.memory_space<semaphore_mem>>)
    %dma_start3A_22 = arith.constant 1 : i32
    %dma_start3A_23 = arith.constant 0 : i32
    %dma_start3A_24 = tpu.memref_slice %arg7[%dma_start3A_22, %dma_start3A_23] : memref<80x128xi32, #tpu.memory_space<vmem>> -> memref<1x128xi32, #tpu.memory_space<vmem>>
    %dma_start3A_25 = tpu.memref_squeeze %dma_start3A_24 : memref<1x128xi32, #tpu.memory_space<vmem>> -> memref<128xi32, #tpu.memory_space<vmem>>
    %dma_start3A_26 = arith.constant 0 : i32
    %dma_start3A_27 = arith.constant 0 : i32
    %dma_start3A_28 = tpu.memref_slice %arg2[%dma_start3A_26, %dma_start3A_27] : memref<10240x16xf32, #tpu.memory_space<hbm>> -> memref<10240x16xf32, #tpu.memory_space<hbm>>
    tpu.enqueue_indirect_dma source(%dma_start3A_28 : memref<10240x16xf32, #tpu.memory_space<hbm>>) target(%arg10 : memref<128x16xf32, #tpu.memory_space<vmem>>) offsets(%dma_start3A_25 : memref<128xi32, #tpu.memory_space<vmem>>) semaphore(%arg14 : memref<!tpu.dma_semaphore, #tpu.memory_space<semaphore_mem>>)
    %dma_start3A_29 = arith.constant 2 : i32
    %dma_start3A_30 = arith.constant 0 : i32
    %dma_start3A_31 = tpu.memref_slice %arg7[%dma_start3A_29, %dma_start3A_30] : memref<80x128xi32, #tpu.memory_space<vmem>> -> memref<1x128xi32, #tpu.memory_space<vmem>>
    %dma_start3A_32 = tpu.memref_squeeze %dma_start3A_31 : memref<1x128xi32, #tpu.memory_space<vmem>> -> memref<128xi32, #tpu.memory_space<vmem>>
    %dma_start3A_33 = arith.constant 0 : i32
    %dma_start3A_34 = arith.constant 0 : i32
    %dma_start3A_35 = tpu.memref_slice %arg2[%dma_start3A_33, %dma_start3A_34] : memref<10240x16xf32, #tpu.memory_space<hbm>> -> memref<10240x16xf32, #tpu.memory_space<hbm>>
    tpu.enqueue_indirect_dma source(%dma_start3A_35 : memref<10240x16xf32, #tpu.memory_space<hbm>>) target(%arg11 : memref<128x16xf32, #tpu.memory_space<vmem>>) offsets(%dma_start3A_32 : memref<128xi32, #tpu.memory_space<vmem>>) semaphore(%arg15 : memref<!tpu.dma_semaphore, #tpu.memory_space<semaphore_mem>>)
    %dma_start3A_36 = arith.constant 3 : i32
    %dma_start3A_37 = arith.constant 0 : i32
    %dma_start3A_38 = tpu.memref_slice %arg7[%dma_start3A_36, %dma_start3A_37] : memref<80x128xi32, #tpu.memory_space<vmem>> -> memref<1x128xi32, #tpu.memory_space<vmem>>
    %dma_start3A_39 = tpu.memref_squeeze %dma_start3A_38 : memref<1x128xi32, #tpu.memory_space<vmem>> -> memref<128xi32, #tpu.memory_space<vmem>>
    %dma_start3A_40 = arith.constant 0 : i32
    %dma_start3A_41 = arith.constant 0 : i32
    %dma_start3A_42 = tpu.memref_slice %arg2[%dma_start3A_40, %dma_start3A_41] : memref<10240x16xf32, #tpu.memory_space<hbm>> -> memref<10240x16xf32, #tpu.memory_space<hbm>>
    tpu.enqueue_indirect_dma source(%dma_start3A_42 : memref<10240x16xf32, #tpu.memory_space<hbm>>) target(%arg12 : memref<128x16xf32, #tpu.memory_space<vmem>>) offsets(%dma_start3A_39 : memref<128xi32, #tpu.memory_space<vmem>>) semaphore(%arg16 : memref<!tpu.dma_semaphore, #tpu.memory_space<semaphore_mem>>)
    %scan3A_43 = arith.constant 0 : i32
    %scan3A_44 = arith.constant 0 : i32
    %scan3A_45 = arith.constant 20 : i32
    %scan3A_46 = arith.addi %scan3A_44, %scan3A_45 : i32
    %scan3A_47 = arith.constant 1 : i32
    %scan3A_48 = scf.for %scan3A_58 = %scan3A_44 to %scan3A_46 step %scan3A_47 iter_args(%scan3A_59 = %scan3A_43) -> (i32)  : i32 {
      %mul3A_60 = arith.constant 4 : i32
      %mul3A_61 = arith.muli %scan3A_58, %mul3A_60 : i32
      %add3A_62 = arith.constant 0 : i32
      %add3A_63 = arith.addi %mul3A_61, %add3A_62 : i32
      %dma_wait3A = arith.constant 0 : i32
      %dma_wait3A_64 = tpu.memref_slice %arg7[%add3A_63, %dma_wait3A] : memref<80x128xi32, #tpu.memory_space<vmem>> -> memref<1x128xi32, #tpu.memory_space<vmem>>
      %dma_wait3A_65 = tpu.memref_squeeze %dma_wait3A_64 : memref<1x128xi32, #tpu.memory_space<vmem>> -> memref<128xi32, #tpu.memory_space<vmem>>
      %dma_wait3A_66 = arith.constant 0 : i32
      %dma_wait3A_67 = arith.constant 0 : i32
      %dma_wait3A_68 = tpu.memref_slice %arg2[%dma_wait3A_66, %dma_wait3A_67] : memref<10240x16xf32, #tpu.memory_space<hbm>> -> memref<10240x16xf32, #tpu.memory_space<hbm>>
      tpu.wait_indirect_dma semaphore(%arg13 : memref<!tpu.dma_semaphore, #tpu.memory_space<semaphore_mem>>) src(%dma_wait3A_68 : memref<10240x16xf32, #tpu.memory_space<hbm>>) dst(%arg9 : memref<128x16xf32, #tpu.memory_space<vmem>>)
      %dma_start3A_69 = arith.constant 0 : i32
      %dma_start3A_70 = tpu.memref_slice %arg8[%add3A_63, %dma_start3A_69] : memref<80x128xi32, #tpu.memory_space<vmem>> -> memref<1x128xi32, #tpu.memory_space<vmem>>
      %dma_start3A_71 = tpu.memref_squeeze %dma_start3A_70 : memref<1x128xi32, #tpu.memory_space<vmem>> -> memref<128xi32, #tpu.memory_space<vmem>>
      %dma_start3A_72 = arith.constant 0 : i32
      %dma_start3A_73 = arith.constant 0 : i32
      %dma_start3A_74 = tpu.memref_slice %arg6[%dma_start3A_72, %dma_start3A_73] : memref<10240x16xf32, #tpu.memory_space<vmem_shared>> -> memref<10240x16xf32, #tpu.memory_space<vmem_shared>>
      tpu.enqueue_indirect_dma source(%arg9 : memref<128x16xf32, #tpu.memory_space<vmem>>) target(%dma_start3A_74 : memref<10240x16xf32, #tpu.memory_space<vmem_shared>>) offsets(%dma_start3A_71 : memref<128xi32, #tpu.memory_space<vmem>>) semaphore(%arg17 : memref<!tpu.dma_semaphore, #tpu.memory_space<semaphore_mem>>) {add = true}
      %add3A_75 = arith.constant 1 : i32
      %add3A_76 = arith.addi %mul3A_61, %add3A_75 : i32
      %dma_wait3A_77 = arith.constant 0 : i32
      %dma_wait3A_78 = tpu.memref_slice %arg7[%add3A_76, %dma_wait3A_77] : memref<80x128xi32, #tpu.memory_space<vmem>> -> memref<1x128xi32, #tpu.memory_space<vmem>>
      %dma_wait3A_79 = tpu.memref_squeeze %dma_wait3A_78 : memref<1x128xi32, #tpu.memory_space<vmem>> -> memref<128xi32, #tpu.memory_space<vmem>>
      %dma_wait3A_80 = arith.constant 0 : i32
      %dma_wait3A_81 = arith.constant 0 : i32
      %dma_wait3A_82 = tpu.memref_slice %arg2[%dma_wait3A_80, %dma_wait3A_81] : memref<10240x16xf32, #tpu.memory_space<hbm>> -> memref<10240x16xf32, #tpu.memory_space<hbm>>
      tpu.wait_indirect_dma semaphore(%arg14 : memref<!tpu.dma_semaphore, #tpu.memory_space<semaphore_mem>>) src(%dma_wait3A_82 : memref<10240x16xf32, #tpu.memory_space<hbm>>) dst(%arg10 : memref<128x16xf32, #tpu.memory_space<vmem>>)
      %dma_start3A_83 = arith.constant 0 : i32
      %dma_start3A_84 = tpu.memref_slice %arg8[%add3A_76, %dma_start3A_83] : memref<80x128xi32, #tpu.memory_space<vmem>> -> memref<1x128xi32, #tpu.memory_space<vmem>>
      %dma_start3A_85 = tpu.memref_squeeze %dma_start3A_84 : memref<1x128xi32, #tpu.memory_space<vmem>> -> memref<128xi32, #tpu.memory_space<vmem>>
      %dma_start3A_86 = arith.constant 0 : i32
      %dma_start3A_87 = arith.constant 0 : i32
      %dma_start3A_88 = tpu.memref_slice %arg6[%dma_start3A_86, %dma_start3A_87] : memref<10240x16xf32, #tpu.memory_space<vmem_shared>> -> memref<10240x16xf32, #tpu.memory_space<vmem_shared>>
      tpu.enqueue_indirect_dma source(%arg10 : memref<128x16xf32, #tpu.memory_space<vmem>>) target(%dma_start3A_88 : memref<10240x16xf32, #tpu.memory_space<vmem_shared>>) offsets(%dma_start3A_85 : memref<128xi32, #tpu.memory_space<vmem>>) semaphore(%arg18 : memref<!tpu.dma_semaphore, #tpu.memory_space<semaphore_mem>>) {add = true}
      %add3A_89 = arith.constant 2 : i32
      %add3A_90 = arith.addi %mul3A_61, %add3A_89 : i32
      %dma_wait3A_91 = arith.constant 0 : i32
      %dma_wait3A_92 = tpu.memref_slice %arg7[%add3A_90, %dma_wait3A_91] : memref<80x128xi32, #tpu.memory_space<vmem>> -> memref<1x128xi32, #tpu.memory_space<vmem>>
      %dma_wait3A_93 = tpu.memref_squeeze %dma_wait3A_92 : memref<1x128xi32, #tpu.memory_space<vmem>> -> memref<128xi32, #tpu.memory_space<vmem>>
      %dma_wait3A_94 = arith.constant 0 : i32
      %dma_wait3A_95 = arith.constant 0 : i32
      %dma_wait3A_96 = tpu.memref_slice %arg2[%dma_wait3A_94, %dma_wait3A_95] : memref<10240x16xf32, #tpu.memory_space<hbm>> -> memref<10240x16xf32, #tpu.memory_space<hbm>>
      tpu.wait_indirect_dma semaphore(%arg15 : memref<!tpu.dma_semaphore, #tpu.memory_space<semaphore_mem>>) src(%dma_wait3A_96 : memref<10240x16xf32, #tpu.memory_space<hbm>>) dst(%arg11 : memref<128x16xf32, #tpu.memory_space<vmem>>)
      %dma_start3A_97 = arith.constant 0 : i32
      %dma_start3A_98 = tpu.memref_slice %arg8[%add3A_90, %dma_start3A_97] : memref<80x128xi32, #tpu.memory_space<vmem>> -> memref<1x128xi32, #tpu.memory_space<vmem>>
      %dma_start3A_99 = tpu.memref_squeeze %dma_start3A_98 : memref<1x128xi32, #tpu.memory_space<vmem>> -> memref<128xi32, #tpu.memory_space<vmem>>
      %dma_start3A_100 = arith.constant 0 : i32
      %dma_start3A_101 = arith.constant 0 : i32
      %dma_start3A_102 = tpu.memref_slice %arg6[%dma_start3A_100, %dma_start3A_101] : memref<10240x16xf32, #tpu.memory_space<vmem_shared>> -> memref<10240x16xf32, #tpu.memory_space<vmem_shared>>
      tpu.enqueue_indirect_dma source(%arg11 : memref<128x16xf32, #tpu.memory_space<vmem>>) target(%dma_start3A_102 : memref<10240x16xf32, #tpu.memory_space<vmem_shared>>) offsets(%dma_start3A_99 : memref<128xi32, #tpu.memory_space<vmem>>) semaphore(%arg19 : memref<!tpu.dma_semaphore, #tpu.memory_space<semaphore_mem>>) {add = true}
      %add3A_103 = arith.constant 3 : i32
      %add3A_104 = arith.addi %mul3A_61, %add3A_103 : i32
      %dma_wait3A_105 = arith.constant 0 : i32
      %dma_wait3A_106 = tpu.memref_slice %arg7[%add3A_104, %dma_wait3A_105] : memref<80x128xi32, #tpu.memory_space<vmem>> -> memref<1x128xi32, #tpu.memory_space<vmem>>
      %dma_wait3A_107 = tpu.memref_squeeze %dma_wait3A_106 : memref<1x128xi32, #tpu.memory_space<vmem>> -> memref<128xi32, #tpu.memory_space<vmem>>
      %dma_wait3A_108 = arith.constant 0 : i32
      %dma_wait3A_109 = arith.constant 0 : i32
      %dma_wait3A_110 = tpu.memref_slice %arg2[%dma_wait3A_108, %dma_wait3A_109] : memref<10240x16xf32, #tpu.memory_space<hbm>> -> memref<10240x16xf32, #tpu.memory_space<hbm>>
      tpu.wait_indirect_dma semaphore(%arg16 : memref<!tpu.dma_semaphore, #tpu.memory_space<semaphore_mem>>) src(%dma_wait3A_110 : memref<10240x16xf32, #tpu.memory_space<hbm>>) dst(%arg12 : memref<128x16xf32, #tpu.memory_space<vmem>>)
      %dma_start3A_111 = arith.constant 0 : i32
      %dma_start3A_112 = tpu.memref_slice %arg8[%add3A_104, %dma_start3A_111] : memref<80x128xi32, #tpu.memory_space<vmem>> -> memref<1x128xi32, #tpu.memory_space<vmem>>
      %dma_start3A_113 = tpu.memref_squeeze %dma_start3A_112 : memref<1x128xi32, #tpu.memory_space<vmem>> -> memref<128xi32, #tpu.memory_space<vmem>>
      %dma_start3A_114 = arith.constant 0 : i32
      %dma_start3A_115 = arith.constant 0 : i32
      %dma_start3A_116 = tpu.memref_slice %arg6[%dma_start3A_114, %dma_start3A_115] : memref<10240x16xf32, #tpu.memory_space<vmem_shared>> -> memref<10240x16xf32, #tpu.memory_space<vmem_shared>>
      tpu.enqueue_indirect_dma source(%arg12 : memref<128x16xf32, #tpu.memory_space<vmem>>) target(%dma_start3A_116 : memref<10240x16xf32, #tpu.memory_space<vmem_shared>>) offsets(%dma_start3A_113 : memref<128xi32, #tpu.memory_space<vmem>>) semaphore(%arg20 : memref<!tpu.dma_semaphore, #tpu.memory_space<semaphore_mem>>) {add = true}
      %add3A_117 = arith.constant 0 : i32
      %add3A_118 = arith.addi %mul3A_61, %add3A_117 : i32
      %dma_wait3A_119 = arith.constant 0 : i32
      %dma_wait3A_120 = tpu.memref_slice %arg8[%add3A_118, %dma_wait3A_119] : memref<80x128xi32, #tpu.memory_space<vmem>> -> memref<1x128xi32, #tpu.memory_space<vmem>>
      %dma_wait3A_121 = tpu.memref_squeeze %dma_wait3A_120 : memref<1x128xi32, #tpu.memory_space<vmem>> -> memref<128xi32, #tpu.memory_space<vmem>>
      %dma_wait3A_122 = arith.constant 0 : i32
      %dma_wait3A_123 = arith.constant 0 : i32
      %dma_wait3A_124 = tpu.memref_slice %arg6[%dma_wait3A_122, %dma_wait3A_123] : memref<10240x16xf32, #tpu.memory_space<vmem_shared>> -> memref<10240x16xf32, #tpu.memory_space<vmem_shared>>
      tpu.wait_indirect_dma semaphore(%arg17 : memref<!tpu.dma_semaphore, #tpu.memory_space<semaphore_mem>>) src(%arg9 : memref<128x16xf32, #tpu.memory_space<vmem>>) dst(%dma_wait3A_124 : memref<10240x16xf32, #tpu.memory_space<vmem_shared>>)
      %lt3A = arith.constant 19 : i32
      %lt3A_125 = arith.cmpi slt, %scan3A_58, %lt3A : i32
      %convert_element_type3A = arith.extui %lt3A_125 : i1 to i32
      %cond3A = arith.constant 0 : i32
      %cond3A_126 = arith.cmpi ne, %convert_element_type3A, %cond3A : i32
      scf.if %cond3A_126 {
        %add3A_167 = arith.constant 4 : i32
        %add3A_168 = arith.addi %add3A_118, %add3A_167 : i32
        %dma_start3A_169 = arith.constant 0 : i32
        %dma_start3A_170 = tpu.memref_slice %arg7[%add3A_168, %dma_start3A_169] : memref<80x128xi32, #tpu.memory_space<vmem>> -> memref<1x128xi32, #tpu.memory_space<vmem>>
        %dma_start3A_171 = tpu.memref_squeeze %dma_start3A_170 : memref<1x128xi32, #tpu.memory_space<vmem>> -> memref<128xi32, #tpu.memory_space<vmem>>
        %dma_start3A_172 = arith.constant 0 : i32
        %dma_start3A_173 = arith.constant 0 : i32
        %dma_start3A_174 = tpu.memref_slice %arg2[%dma_start3A_172, %dma_start3A_173] : memref<10240x16xf32, #tpu.memory_space<hbm>> -> memref<10240x16xf32, #tpu.memory_space<hbm>>
        tpu.enqueue_indirect_dma source(%dma_start3A_174 : memref<10240x16xf32, #tpu.memory_space<hbm>>) target(%arg9 : memref<128x16xf32, #tpu.memory_space<vmem>>) offsets(%dma_start3A_171 : memref<128xi32, #tpu.memory_space<vmem>>) semaphore(%arg13 : memref<!tpu.dma_semaphore, #tpu.memory_space<semaphore_mem>>)
      } else {
      }
      %add3A_127 = arith.constant 1 : i32
      %add3A_128 = arith.addi %mul3A_61, %add3A_127 : i32
      %dma_wait3A_129 = arith.constant 0 : i32
      %dma_wait3A_130 = tpu.memref_slice %arg8[%add3A_128, %dma_wait3A_129] : memref<80x128xi32, #tpu.memory_space<vmem>> -> memref<1x128xi32, #tpu.memory_space<vmem>>
      %dma_wait3A_131 = tpu.memref_squeeze %dma_wait3A_130 : memref<1x128xi32, #tpu.memory_space<vmem>> -> memref<128xi32, #tpu.memory_space<vmem>>
      %dma_wait3A_132 = arith.constant 0 : i32
      %dma_wait3A_133 = arith.constant 0 : i32
      %dma_wait3A_134 = tpu.memref_slice %arg6[%dma_wait3A_132, %dma_wait3A_133] : memref<10240x16xf32, #tpu.memory_space<vmem_shared>> -> memref<10240x16xf32, #tpu.memory_space<vmem_shared>>
      tpu.wait_indirect_dma semaphore(%arg18 : memref<!tpu.dma_semaphore, #tpu.memory_space<semaphore_mem>>) src(%arg10 : memref<128x16xf32, #tpu.memory_space<vmem>>) dst(%dma_wait3A_134 : memref<10240x16xf32, #tpu.memory_space<vmem_shared>>)
      %lt3A_135 = arith.constant 19 : i32
      %lt3A_136 = arith.cmpi slt, %scan3A_58, %lt3A_135 : i32
      %convert_element_type3A_137 = arith.extui %lt3A_136 : i1 to i32
      %cond3A_138 = arith.constant 0 : i32
      %cond3A_139 = arith.cmpi ne, %convert_element_type3A_137, %cond3A_138 : i32
      scf.if %cond3A_139 {
        %add3A_167 = arith.constant 4 : i32
        %add3A_168 = arith.addi %add3A_128, %add3A_167 : i32
        %dma_start3A_169 = arith.constant 0 : i32
        %dma_start3A_170 = tpu.memref_slice %arg7[%add3A_168, %dma_start3A_169] : memref<80x128xi32, #tpu.memory_space<vmem>> -> memref<1x128xi32, #tpu.memory_space<vmem>>
        %dma_start3A_171 = tpu.memref_squeeze %dma_start3A_170 : memref<1x128xi32, #tpu.memory_space<vmem>> -> memref<128xi32, #tpu.memory_space<vmem>>
        %dma_start3A_172 = arith.constant 0 : i32
        %dma_start3A_173 = arith.constant 0 : i32
        %dma_start3A_174 = tpu.memref_slice %arg2[%dma_start3A_172, %dma_start3A_173] : memref<10240x16xf32, #tpu.memory_space<hbm>> -> memref<10240x16xf32, #tpu.memory_space<hbm>>
        tpu.enqueue_indirect_dma source(%dma_start3A_174 : memref<10240x16xf32, #tpu.memory_space<hbm>>) target(%arg10 : memref<128x16xf32, #tpu.memory_space<vmem>>) offsets(%dma_start3A_171 : memref<128xi32, #tpu.memory_space<vmem>>) semaphore(%arg14 : memref<!tpu.dma_semaphore, #tpu.memory_space<semaphore_mem>>)
      } else {
      }
      %add3A_140 = arith.constant 2 : i32
      %add3A_141 = arith.addi %mul3A_61, %add3A_140 : i32
      %dma_wait3A_142 = arith.constant 0 : i32
      %dma_wait3A_143 = tpu.memref_slice %arg8[%add3A_141, %dma_wait3A_142] : memref<80x128xi32, #tpu.memory_space<vmem>> -> memref<1x128xi32, #tpu.memory_space<vmem>>
      %dma_wait3A_144 = tpu.memref_squeeze %dma_wait3A_143 : memref<1x128xi32, #tpu.memory_space<vmem>> -> memref<128xi32, #tpu.memory_space<vmem>>
      %dma_wait3A_145 = arith.constant 0 : i32
      %dma_wait3A_146 = arith.constant 0 : i32
      %dma_wait3A_147 = tpu.memref_slice %arg6[%dma_wait3A_145, %dma_wait3A_146] : memref<10240x16xf32, #tpu.memory_space<vmem_shared>> -> memref<10240x16xf32, #tpu.memory_space<vmem_shared>>
      tpu.wait_indirect_dma semaphore(%arg19 : memref<!tpu.dma_semaphore, #tpu.memory_space<semaphore_mem>>) src(%arg11 : memref<128x16xf32, #tpu.memory_space<vmem>>) dst(%dma_wait3A_147 : memref<10240x16xf32, #tpu.memory_space<vmem_shared>>)
      %lt3A_148 = arith.constant 19 : i32
      %lt3A_149 = arith.cmpi slt, %scan3A_58, %lt3A_148 : i32
      %convert_element_type3A_150 = arith.extui %lt3A_149 : i1 to i32
      %cond3A_151 = arith.constant 0 : i32
      %cond3A_152 = arith.cmpi ne, %convert_element_type3A_150, %cond3A_151 : i32
      scf.if %cond3A_152 {
        %add3A_167 = arith.constant 4 : i32
        %add3A_168 = arith.addi %add3A_141, %add3A_167 : i32
        %dma_start3A_169 = arith.constant 0 : i32
        %dma_start3A_170 = tpu.memref_slice %arg7[%add3A_168, %dma_start3A_169] : memref<80x128xi32, #tpu.memory_space<vmem>> -> memref<1x128xi32, #tpu.memory_space<vmem>>
        %dma_start3A_171 = tpu.memref_squeeze %dma_start3A_170 : memref<1x128xi32, #tpu.memory_space<vmem>> -> memref<128xi32, #tpu.memory_space<vmem>>
        %dma_start3A_172 = arith.constant 0 : i32
        %dma_start3A_173 = arith.constant 0 : i32
        %dma_start3A_174 = tpu.memref_slice %arg2[%dma_start3A_172, %dma_start3A_173] : memref<10240x16xf32, #tpu.memory_space<hbm>> -> memref<10240x16xf32, #tpu.memory_space<hbm>>
        tpu.enqueue_indirect_dma source(%dma_start3A_174 : memref<10240x16xf32, #tpu.memory_space<hbm>>) target(%arg11 : memref<128x16xf32, #tpu.memory_space<vmem>>) offsets(%dma_start3A_171 : memref<128xi32, #tpu.memory_space<vmem>>) semaphore(%arg15 : memref<!tpu.dma_semaphore, #tpu.memory_space<semaphore_mem>>)
      } else {
      }
      %add3A_153 = arith.constant 3 : i32
      %add3A_154 = arith.addi %mul3A_61, %add3A_153 : i32
      %dma_wait3A_155 = arith.constant 0 : i32
      %dma_wait3A_156 = tpu.memref_slice %arg8[%add3A_154, %dma_wait3A_155] : memref<80x128xi32, #tpu.memory_space<vmem>> -> memref<1x128xi32, #tpu.memory_space<vmem>>
      %dma_wait3A_157 = tpu.memref_squeeze %dma_wait3A_156 : memref<1x128xi32, #tpu.memory_space<vmem>> -> memref<128xi32, #tpu.memory_space<vmem>>
      %dma_wait3A_158 = arith.constant 0 : i32
      %dma_wait3A_159 = arith.constant 0 : i32
      %dma_wait3A_160 = tpu.memref_slice %arg6[%dma_wait3A_158, %dma_wait3A_159] : memref<10240x16xf32, #tpu.memory_space<vmem_shared>> -> memref<10240x16xf32, #tpu.memory_space<vmem_shared>>
      tpu.wait_indirect_dma semaphore(%arg20 : memref<!tpu.dma_semaphore, #tpu.memory_space<semaphore_mem>>) src(%arg12 : memref<128x16xf32, #tpu.memory_space<vmem>>) dst(%dma_wait3A_160 : memref<10240x16xf32, #tpu.memory_space<vmem_shared>>)
      %lt3A_161 = arith.constant 19 : i32
      %lt3A_162 = arith.cmpi slt, %scan3A_58, %lt3A_161 : i32
      %convert_element_type3A_163 = arith.extui %lt3A_162 : i1 to i32
      %cond3A_164 = arith.constant 0 : i32
      %cond3A_165 = arith.cmpi ne, %convert_element_type3A_163, %cond3A_164 : i32
      scf.if %cond3A_165 {
        %add3A_167 = arith.constant 4 : i32
        %add3A_168 = arith.addi %add3A_154, %add3A_167 : i32
        %dma_start3A_169 = arith.constant 0 : i32
        %dma_start3A_170 = tpu.memref_slice %arg7[%add3A_168, %dma_start3A_169] : memref<80x128xi32, #tpu.memory_space<vmem>> -> memref<1x128xi32, #tpu.memory_space<vmem>>
        %dma_start3A_171 = tpu.memref_squeeze %dma_start3A_170 : memref<1x128xi32, #tpu.memory_space<vmem>> -> memref<128xi32, #tpu.memory_space<vmem>>
        %dma_start3A_172 = arith.constant 0 : i32
        %dma_start3A_173 = arith.constant 0 : i32
        %dma_start3A_174 = tpu.memref_slice %arg2[%dma_start3A_172, %dma_start3A_173] : memref<10240x16xf32, #tpu.memory_space<hbm>> -> memref<10240x16xf32, #tpu.memory_space<hbm>>
        tpu.enqueue_indirect_dma source(%dma_start3A_174 : memref<10240x16xf32, #tpu.memory_space<hbm>>) target(%arg12 : memref<128x16xf32, #tpu.memory_space<vmem>>) offsets(%dma_start3A_171 : memref<128xi32, #tpu.memory_space<vmem>>) semaphore(%arg16 : memref<!tpu.dma_semaphore, #tpu.memory_space<semaphore_mem>>)
      } else {
      }
      %scan3A_166 = arith.constant 0 : i32
      scf.yield %scan3A_166 : i32
    }
    %scan3A_49 = arith.constant 20 : i32
    %barrier3A_50 = arith.constant 0 : index
    tpu.barrier barrier_id(%barrier3A_50)
    %scan3A_51 = arith.constant 0 : i32
    %scan3A_52 = arith.constant 0 : i32
    %scan3A_53 = arith.constant 5 : i32
    %scan3A_54 = arith.addi %scan3A_52, %scan3A_53 : i32
    %scan3A_55 = arith.constant 1 : i32
    %scan3A_56 = scf.for %scan3A_58 = %scan3A_52 to %scan3A_54 step %scan3A_55 iter_args(%scan3A_59 = %scan3A_51) -> (i32)  : i32 {
      %mul3A_60 = arith.constant 128 : i32
      %mul3A_61 = arith.muli %scan3A_58, %mul3A_60 : i32
      %add3A_62 = arith.addi %multiple_of3A, %mul3A_61 : i32
      %multiple_of3A_63 = tpu.assume_multiple %add3A_62, 8 : i32
      "tpu.region"() ({
        %run_scoped3A = tpu.sem_alloc : memref<!tpu.dma_semaphore, #tpu.memory_space<semaphore_mem>>
        %dma_start3A_65 = arith.constant 0 : i32
        %dma_start3A_66 = tpu.memref_slice %arg6[%multiple_of3A_63, %dma_start3A_65] : memref<10240x16xf32, #tpu.memory_space<vmem_shared>> -> memref<128x16xf32, #tpu.memory_space<vmem_shared>>
        %dma_start3A_67 = arith.constant 0 : i32
        %dma_start3A_68 = tpu.memref_slice %arg6[%multiple_of3A_63, %dma_start3A_67] : memref<10240x16xf32, #tpu.memory_space<vmem_shared>> -> memref<128x16xf32, #tpu.memory_space<vmem_shared>>
        tpu.enqueue_dma source(%dma_start3A_68 : memref<128x16xf32, #tpu.memory_space<vmem_shared>>) target(%arg9 : memref<128x16xf32, #tpu.memory_space<vmem>>) target_semaphore(%run_scoped3A : memref<!tpu.dma_semaphore, #tpu.memory_space<semaphore_mem>>)
        %dma_wait3A = arith.constant 0 : i32
        %dma_wait3A_69 = tpu.memref_slice %arg6[%multiple_of3A_63, %dma_wait3A] : memref<10240x16xf32, #tpu.memory_space<vmem_shared>> -> memref<128x16xf32, #tpu.memory_space<vmem_shared>>
        %dma_wait3A_70 = arith.constant 0 : i32
        %dma_wait3A_71 = tpu.memref_slice %arg6[%multiple_of3A_63, %dma_wait3A_70] : memref<10240x16xf32, #tpu.memory_space<vmem_shared>> -> memref<128x16xf32, #tpu.memory_space<vmem_shared>>
        tpu.wait_dma2 semaphore(%run_scoped3A : memref<!tpu.dma_semaphore, #tpu.memory_space<semaphore_mem>>) src(%dma_wait3A_71 : memref<128x16xf32, #tpu.memory_space<vmem_shared>>) dst(%arg9 : memref<128x16xf32, #tpu.memory_space<vmem>>)
        tpu.yield
      }) : () -> ()
      "tpu.region"() ({
        %run_scoped3A = tpu.sem_alloc : memref<!tpu.dma_semaphore, #tpu.memory_space<semaphore_mem>>
        %dma_start3A_65 = arith.constant 0 : i32
        %dma_start3A_66 = tpu.memref_slice %arg5[%arg0, %multiple_of3A_63, %dma_start3A_65] : memref<2x10240x16xf32, #tpu.memory_space<hbm>> -> memref<1x128x16xf32, #tpu.memory_space<hbm>>
        %dma_start3A_67 = tpu.memref_squeeze %dma_start3A_66 : memref<1x128x16xf32, #tpu.memory_space<hbm>> -> memref<128x16xf32, #tpu.memory_space<hbm>>
        %dma_start3A_68 = arith.constant 0 : i32
        %dma_start3A_69 = tpu.memref_slice %arg5[%arg0, %multiple_of3A_63, %dma_start3A_68] : memref<2x10240x16xf32, #tpu.memory_space<hbm>> -> memref<1x128x16xf32, #tpu.memory_space<hbm>>
        %dma_start3A_70 = tpu.memref_squeeze %dma_start3A_69 : memref<1x128x16xf32, #tpu.memory_space<hbm>> -> memref<128x16xf32, #tpu.memory_space<hbm>>
        tpu.enqueue_dma source(%arg9 : memref<128x16xf32, #tpu.memory_space<vmem>>) target(%dma_start3A_70 : memref<128x16xf32, #tpu.memory_space<hbm>>) target_semaphore(%run_scoped3A : memref<!tpu.dma_semaphore, #tpu.memory_space<semaphore_mem>>)
        %dma_wait3A = arith.constant 0 : i32
        %dma_wait3A_71 = tpu.memref_slice %arg5[%arg0, %multiple_of3A_63, %dma_wait3A] : memref<2x10240x16xf32, #tpu.memory_space<hbm>> -> memref<1x128x16xf32, #tpu.memory_space<hbm>>
        %dma_wait3A_72 = tpu.memref_squeeze %dma_wait3A_71 : memref<1x128x16xf32, #tpu.memory_space<hbm>> -> memref<128x16xf32, #tpu.memory_space<hbm>>
        %dma_wait3A_73 = arith.constant 0 : i32
        %dma_wait3A_74 = tpu.memref_slice %arg5[%arg0, %multiple_of3A_63, %dma_wait3A_73] : memref<2x10240x16xf32, #tpu.memory_space<hbm>> -> memref<1x128x16xf32, #tpu.memory_space<hbm>>
        %dma_wait3A_75 = tpu.memref_squeeze %dma_wait3A_74 : memref<1x128x16xf32, #tpu.memory_space<hbm>> -> memref<128x16xf32, #tpu.memory_space<hbm>>
        tpu.wait_dma2 semaphore(%run_scoped3A : memref<!tpu.dma_semaphore, #tpu.memory_space<semaphore_mem>>) src(%arg9 : memref<128x16xf32, #tpu.memory_space<vmem>>) dst(%dma_wait3A_75 : memref<128x16xf32, #tpu.memory_space<hbm>>)
        tpu.yield
      }) : () -> ()
      %scan3A_64 = arith.constant 0 : i32
      scf.yield %scan3A_64 : i32
    }
    %scan3A_57 = arith.constant 5 : i32
    return
  }
}

#map = affine_map<(d0, d1) -> (0, 0)>
#map1 = affine_map<(d0, d1) -> (0, 0, 0)>
module attributes {stable_mosaic.version = 14 : i64} {
  func.func @agg_kernel(%arg0: i32, %arg1: i32, %arg2: memref<10240x16xf32, #tpu.memory_space<hbm>>, %arg3: memref<32x80x128xi32, #tpu.memory_space<hbm>>, %arg4: memref<32x80x128xi32, #tpu.memory_space<hbm>>, %arg5: memref<2x10240x16xf32, #tpu.memory_space<hbm>>, %arg6: memref<10240x16xf32, #tpu.memory_space<vmem_shared>>, %arg7: memref<80x128xi32, #tpu.memory_space<vmem>>, %arg8: memref<80x128xi32, #tpu.memory_space<vmem>>, %arg9: memref<128x16xf32, #tpu.memory_space<vmem>>, %arg10: memref<128x16xf32, #tpu.memory_space<vmem>>, %arg11: memref<128x16xf32, #tpu.memory_space<vmem>>, %arg12: memref<128x16xf32, #tpu.memory_space<vmem>>, %arg13: memref<!tpu.dma_semaphore, #tpu.memory_space<semaphore_mem>>, %arg14: memref<!tpu.dma_semaphore, #tpu.memory_space<semaphore_mem>>, %arg15: memref<!tpu.dma_semaphore, #tpu.memory_space<semaphore_mem>>, %arg16: memref<!tpu.dma_semaphore, #tpu.memory_space<semaphore_mem>>, %arg17: memref<!tpu.dma_semaphore, #tpu.memory_space<semaphore_mem>>, %arg18: memref<!tpu.dma_semaphore, #tpu.memory_space<semaphore_mem>>, %arg19: memref<!tpu.dma_semaphore, #tpu.memory_space<semaphore_mem>>, %arg20: memref<!tpu.dma_semaphore, #tpu.memory_space<semaphore_mem>>) attributes {dimension_semantics = [#tpu.dimension_semantics<core_parallel>, #tpu.dimension_semantics<subcore_parallel>], iteration_bounds = array<i64: 2, 16>, scalar_prefetch = 0 : i64, scratch_operands = 15 : i64, tpu.core_type = #tpu.core_type<sc_vector_subcore>, window_params = [{transform_indices = #map}, {transform_indices = #map1}, {transform_indices = #map1}, {transform_indices = #map1}]} {
    %mul3A = arith.constant 16 : i32
    %mul3A_0 = arith.muli %arg0, %mul3A : i32
    %add3A = arith.addi %mul3A_0, %arg1 : i32
    "tpu.region"() ({
      %run_scoped3A = tpu.sem_alloc : memref<!tpu.dma_semaphore, #tpu.memory_space<semaphore_mem>>
      %dma_start3A_58 = arith.constant 0 : i32
      %dma_start3A_59 = arith.constant 0 : i32
      %dma_start3A_60 = tpu.memref_slice %arg3[%add3A, %dma_start3A_58, %dma_start3A_59] : memref<32x80x128xi32, #tpu.memory_space<hbm>> -> memref<1x80x128xi32, #tpu.memory_space<hbm>>
      %dma_start3A_61 = tpu.memref_squeeze %dma_start3A_60 : memref<1x80x128xi32, #tpu.memory_space<hbm>> -> memref<80x128xi32, #tpu.memory_space<hbm>>
      %dma_start3A_62 = arith.constant 0 : i32
      %dma_start3A_63 = arith.constant 0 : i32
      %dma_start3A_64 = tpu.memref_slice %arg3[%add3A, %dma_start3A_62, %dma_start3A_63] : memref<32x80x128xi32, #tpu.memory_space<hbm>> -> memref<1x80x128xi32, #tpu.memory_space<hbm>>
      %dma_start3A_65 = tpu.memref_squeeze %dma_start3A_64 : memref<1x80x128xi32, #tpu.memory_space<hbm>> -> memref<80x128xi32, #tpu.memory_space<hbm>>
      tpu.enqueue_dma source(%dma_start3A_65 : memref<80x128xi32, #tpu.memory_space<hbm>>) target(%arg7 : memref<80x128xi32, #tpu.memory_space<vmem>>) target_semaphore(%run_scoped3A : memref<!tpu.dma_semaphore, #tpu.memory_space<semaphore_mem>>)
      %dma_wait3A = arith.constant 0 : i32
      %dma_wait3A_66 = arith.constant 0 : i32
      %dma_wait3A_67 = tpu.memref_slice %arg3[%add3A, %dma_wait3A, %dma_wait3A_66] : memref<32x80x128xi32, #tpu.memory_space<hbm>> -> memref<1x80x128xi32, #tpu.memory_space<hbm>>
      %dma_wait3A_68 = tpu.memref_squeeze %dma_wait3A_67 : memref<1x80x128xi32, #tpu.memory_space<hbm>> -> memref<80x128xi32, #tpu.memory_space<hbm>>
      %dma_wait3A_69 = arith.constant 0 : i32
      %dma_wait3A_70 = arith.constant 0 : i32
      %dma_wait3A_71 = tpu.memref_slice %arg3[%add3A, %dma_wait3A_69, %dma_wait3A_70] : memref<32x80x128xi32, #tpu.memory_space<hbm>> -> memref<1x80x128xi32, #tpu.memory_space<hbm>>
      %dma_wait3A_72 = tpu.memref_squeeze %dma_wait3A_71 : memref<1x80x128xi32, #tpu.memory_space<hbm>> -> memref<80x128xi32, #tpu.memory_space<hbm>>
      tpu.wait_dma2 semaphore(%run_scoped3A : memref<!tpu.dma_semaphore, #tpu.memory_space<semaphore_mem>>) src(%dma_wait3A_72 : memref<80x128xi32, #tpu.memory_space<hbm>>) dst(%arg7 : memref<80x128xi32, #tpu.memory_space<vmem>>)
      tpu.yield
    }) : () -> ()
    "tpu.region"() ({
      %run_scoped3A = tpu.sem_alloc : memref<!tpu.dma_semaphore, #tpu.memory_space<semaphore_mem>>
      %dma_start3A_58 = arith.constant 0 : i32
      %dma_start3A_59 = arith.constant 0 : i32
      %dma_start3A_60 = tpu.memref_slice %arg4[%add3A, %dma_start3A_58, %dma_start3A_59] : memref<32x80x128xi32, #tpu.memory_space<hbm>> -> memref<1x80x128xi32, #tpu.memory_space<hbm>>
      %dma_start3A_61 = tpu.memref_squeeze %dma_start3A_60 : memref<1x80x128xi32, #tpu.memory_space<hbm>> -> memref<80x128xi32, #tpu.memory_space<hbm>>
      %dma_start3A_62 = arith.constant 0 : i32
      %dma_start3A_63 = arith.constant 0 : i32
      %dma_start3A_64 = tpu.memref_slice %arg4[%add3A, %dma_start3A_62, %dma_start3A_63] : memref<32x80x128xi32, #tpu.memory_space<hbm>> -> memref<1x80x128xi32, #tpu.memory_space<hbm>>
      %dma_start3A_65 = tpu.memref_squeeze %dma_start3A_64 : memref<1x80x128xi32, #tpu.memory_space<hbm>> -> memref<80x128xi32, #tpu.memory_space<hbm>>
      tpu.enqueue_dma source(%dma_start3A_65 : memref<80x128xi32, #tpu.memory_space<hbm>>) target(%arg8 : memref<80x128xi32, #tpu.memory_space<vmem>>) target_semaphore(%run_scoped3A : memref<!tpu.dma_semaphore, #tpu.memory_space<semaphore_mem>>)
      %dma_wait3A = arith.constant 0 : i32
      %dma_wait3A_66 = arith.constant 0 : i32
      %dma_wait3A_67 = tpu.memref_slice %arg4[%add3A, %dma_wait3A, %dma_wait3A_66] : memref<32x80x128xi32, #tpu.memory_space<hbm>> -> memref<1x80x128xi32, #tpu.memory_space<hbm>>
      %dma_wait3A_68 = tpu.memref_squeeze %dma_wait3A_67 : memref<1x80x128xi32, #tpu.memory_space<hbm>> -> memref<80x128xi32, #tpu.memory_space<hbm>>
      %dma_wait3A_69 = arith.constant 0 : i32
      %dma_wait3A_70 = arith.constant 0 : i32
      %dma_wait3A_71 = tpu.memref_slice %arg4[%add3A, %dma_wait3A_69, %dma_wait3A_70] : memref<32x80x128xi32, #tpu.memory_space<hbm>> -> memref<1x80x128xi32, #tpu.memory_space<hbm>>
      %dma_wait3A_72 = tpu.memref_squeeze %dma_wait3A_71 : memref<1x80x128xi32, #tpu.memory_space<hbm>> -> memref<80x128xi32, #tpu.memory_space<hbm>>
      tpu.wait_dma2 semaphore(%run_scoped3A : memref<!tpu.dma_semaphore, #tpu.memory_space<semaphore_mem>>) src(%dma_wait3A_72 : memref<80x128xi32, #tpu.memory_space<hbm>>) dst(%arg8 : memref<80x128xi32, #tpu.memory_space<vmem>>)
      tpu.yield
    }) : () -> ()
    %mul3A_1 = arith.constant 640 : i32
    %mul3A_2 = arith.muli %arg1, %mul3A_1 : i32
    %multiple_of3A = tpu.assume_multiple %mul3A_2, 8 : i32
    %scan3A = arith.constant 0 : i32
    %scan3A_3 = arith.constant 0 : i32
    %scan3A_4 = arith.constant 128 : i32
    %scan3A_5 = arith.addi %scan3A_3, %scan3A_4 : i32
    %scan3A_6 = arith.constant 1 : i32
    %scan3A_7 = scf.for %scan3A_58 = %scan3A_3 to %scan3A_5 step %scan3A_6 iter_args(%scan3A_59 = %scan3A) -> (i32)  : i32 {
      %broadcast_in_dim3A = arith.constant 0.000000e+00 : f32
      %broadcast_in_dim3A_60 = vector.broadcast %broadcast_in_dim3A : f32 to vector<16xf32>
      %swap3A = arith.index_cast %scan3A_58 : i32 to index
      %swap3A_61 = arith.constant 0 : index
      %swap3A_62 = tpu.vector_load %arg9[%swap3A, %swap3A_61] {strides = array<i32>} : memref<128x16xf32, #tpu.memory_space<vmem>>, vector<1x16xf32>,
      %swap3A_63 = vector.shape_cast %swap3A_62 : vector<1x16xf32> to vector<16xf32>
      %swap3A_64 = vector.shape_cast %broadcast_in_dim3A_60 : vector<16xf32> to vector<1x16xf32>
      tpu.vector_store %arg9[%swap3A, %swap3A_61], %swap3A_64 {strides = array<i32>} : memref<128x16xf32, #tpu.memory_space<vmem>>, vector<1x16xf32>,
      %scan3A_65 = arith.constant 0 : i32
      scf.yield %scan3A_65 : i32
    }
    %scan3A_8 = arith.constant 128 : i32
    %scan3A_9 = arith.constant 0 : i32
    %scan3A_10 = arith.constant 0 : i32
    %scan3A_11 = arith.constant 5 : i32
    %scan3A_12 = arith.addi %scan3A_10, %scan3A_11 : i32
    %scan3A_13 = arith.constant 1 : i32
    %scan3A_14 = scf.for %scan3A_58 = %scan3A_10 to %scan3A_12 step %scan3A_13 iter_args(%scan3A_59 = %scan3A_9) -> (i32)  : i32 {
      %mul3A_60 = arith.constant 128 : i32
      %mul3A_61 = arith.muli %scan3A_58, %mul3A_60 : i32
      %add3A_62 = arith.addi %multiple_of3A, %mul3A_61 : i32
      %multiple_of3A_63 = tpu.assume_multiple %add3A_62, 8 : i32
      "tpu.region"() ({
        %run_scoped3A = tpu.sem_alloc : memref<!tpu.dma_semaphore, #tpu.memory_space<semaphore_mem>>
        %dma_start3A_65 = arith.constant 0 : i32
        %dma_start3A_66 = tpu.memref_slice %arg6[%multiple_of3A_63, %dma_start3A_65] : memref<10240x16xf32, #tpu.memory_space<vmem_shared>> -> memref<128x16xf32, #tpu.memory_space<vmem_shared>>
        %dma_start3A_67 = arith.constant 0 : i32
        %dma_start3A_68 = tpu.memref_slice %arg6[%multiple_of3A_63, %dma_start3A_67] : memref<10240x16xf32, #tpu.memory_space<vmem_shared>> -> memref<128x16xf32, #tpu.memory_space<vmem_shared>>
        tpu.enqueue_dma source(%arg9 : memref<128x16xf32, #tpu.memory_space<vmem>>) target(%dma_start3A_68 : memref<128x16xf32, #tpu.memory_space<vmem_shared>>) target_semaphore(%run_scoped3A : memref<!tpu.dma_semaphore, #tpu.memory_space<semaphore_mem>>)
        %dma_wait3A = arith.constant 0 : i32
        %dma_wait3A_69 = tpu.memref_slice %arg6[%multiple_of3A_63, %dma_wait3A] : memref<10240x16xf32, #tpu.memory_space<vmem_shared>> -> memref<128x16xf32, #tpu.memory_space<vmem_shared>>
        %dma_wait3A_70 = arith.constant 0 : i32
        %dma_wait3A_71 = tpu.memref_slice %arg6[%multiple_of3A_63, %dma_wait3A_70] : memref<10240x16xf32, #tpu.memory_space<vmem_shared>> -> memref<128x16xf32, #tpu.memory_space<vmem_shared>>
        tpu.wait_dma2 semaphore(%run_scoped3A : memref<!tpu.dma_semaphore, #tpu.memory_space<semaphore_mem>>) src(%arg9 : memref<128x16xf32, #tpu.memory_space<vmem>>) dst(%dma_wait3A_71 : memref<128x16xf32, #tpu.memory_space<vmem_shared>>)
        tpu.yield
      }) : () -> ()
      %scan3A_64 = arith.constant 0 : i32
      scf.yield %scan3A_64 : i32
    }
    %scan3A_15 = arith.constant 5 : i32
    %barrier3A = arith.constant 0 : index
    tpu.barrier barrier_id(%barrier3A)
    %dma_start3A = arith.constant 0 : i32
    %dma_start3A_16 = arith.constant 0 : i32
    %dma_start3A_17 = tpu.memref_slice %arg7[%dma_start3A, %dma_start3A_16] : memref<80x128xi32, #tpu.memory_space<vmem>> -> memref<1x128xi32, #tpu.memory_space<vmem>>
    %dma_start3A_18 = tpu.memref_squeeze %dma_start3A_17 : memref<1x128xi32, #tpu.memory_space<vmem>> -> memref<128xi32, #tpu.memory_space<vmem>>
    %dma_start3A_19 = arith.constant 0 : i32
    %dma_start3A_20 = arith.constant 0 : i32
    %dma_start3A_21 = tpu.memref_slice %arg2[%dma_start3A_19, %dma_start3A_20] : memref<10240x16xf32, #tpu.memory_space<hbm>> -> memref<10240x16xf32, #tpu.memory_space<hbm>>
    tpu.enqueue_indirect_dma source(%dma_start3A_21 : memref<10240x16xf32, #tpu.memory_space<hbm>>) target(%arg9 : memref<128x16xf32, #tpu.memory_space<vmem>>) offsets(%dma_start3A_18 : memref<128xi32, #tpu.memory_space<vmem>>) semaphore(%arg13 : memref<!tpu.dma_semaphore, #tpu.memory_space<semaphore_mem>>)
    %dma_start3A_22 = arith.constant 1 : i32
    %dma_start3A_23 = arith.constant 0 : i32
    %dma_start3A_24 = tpu.memref_slice %arg7[%dma_start3A_22, %dma_start3A_23] : memref<80x128xi32, #tpu.memory_space<vmem>> -> memref<1x128xi32, #tpu.memory_space<vmem>>
    %dma_start3A_25 = tpu.memref_squeeze %dma_start3A_24 : memref<1x128xi32, #tpu.memory_space<vmem>> -> memref<128xi32, #tpu.memory_space<vmem>>
    %dma_start3A_26 = arith.constant 0 : i32
    %dma_start3A_27 = arith.constant 0 : i32
    %dma_start3A_28 = tpu.memref_slice %arg2[%dma_start3A_26, %dma_start3A_27] : memref<10240x16xf32, #tpu.memory_space<hbm>> -> memref<10240x16xf32, #tpu.memory_space<hbm>>
    tpu.enqueue_indirect_dma source(%dma_start3A_28 : memref<10240x16xf32, #tpu.memory_space<hbm>>) target(%arg10 : memref<128x16xf32, #tpu.memory_space<vmem>>) offsets(%dma_start3A_25 : memref<128xi32, #tpu.memory_space<vmem>>) semaphore(%arg14 : memref<!tpu.dma_semaphore, #tpu.memory_space<semaphore_mem>>)
    %dma_start3A_29 = arith.constant 2 : i32
    %dma_start3A_30 = arith.constant 0 : i32
    %dma_start3A_31 = tpu.memref_slice %arg7[%dma_start3A_29, %dma_start3A_30] : memref<80x128xi32, #tpu.memory_space<vmem>> -> memref<1x128xi32, #tpu.memory_space<vmem>>
    %dma_start3A_32 = tpu.memref_squeeze %dma_start3A_31 : memref<1x128xi32, #tpu.memory_space<vmem>> -> memref<128xi32, #tpu.memory_space<vmem>>
    %dma_start3A_33 = arith.constant 0 : i32
    %dma_start3A_34 = arith.constant 0 : i32
    %dma_start3A_35 = tpu.memref_slice %arg2[%dma_start3A_33, %dma_start3A_34] : memref<10240x16xf32, #tpu.memory_space<hbm>> -> memref<10240x16xf32, #tpu.memory_space<hbm>>
    tpu.enqueue_indirect_dma source(%dma_start3A_35 : memref<10240x16xf32, #tpu.memory_space<hbm>>) target(%arg11 : memref<128x16xf32, #tpu.memory_space<vmem>>) offsets(%dma_start3A_32 : memref<128xi32, #tpu.memory_space<vmem>>) semaphore(%arg15 : memref<!tpu.dma_semaphore, #tpu.memory_space<semaphore_mem>>)
    %dma_start3A_36 = arith.constant 3 : i32
    %dma_start3A_37 = arith.constant 0 : i32
    %dma_start3A_38 = tpu.memref_slice %arg7[%dma_start3A_36, %dma_start3A_37] : memref<80x128xi32, #tpu.memory_space<vmem>> -> memref<1x128xi32, #tpu.memory_space<vmem>>
    %dma_start3A_39 = tpu.memref_squeeze %dma_start3A_38 : memref<1x128xi32, #tpu.memory_space<vmem>> -> memref<128xi32, #tpu.memory_space<vmem>>
    %dma_start3A_40 = arith.constant 0 : i32
    %dma_start3A_41 = arith.constant 0 : i32
    %dma_start3A_42 = tpu.memref_slice %arg2[%dma_start3A_40, %dma_start3A_41] : memref<10240x16xf32, #tpu.memory_space<hbm>> -> memref<10240x16xf32, #tpu.memory_space<hbm>>
    tpu.enqueue_indirect_dma source(%dma_start3A_42 : memref<10240x16xf32, #tpu.memory_space<hbm>>) target(%arg12 : memref<128x16xf32, #tpu.memory_space<vmem>>) offsets(%dma_start3A_39 : memref<128xi32, #tpu.memory_space<vmem>>) semaphore(%arg16 : memref<!tpu.dma_semaphore, #tpu.memory_space<semaphore_mem>>)
    %scan3A_43 = arith.constant 0 : i32
    %scan3A_44 = arith.constant 0 : i32
    %scan3A_45 = arith.constant 20 : i32
    %scan3A_46 = arith.addi %scan3A_44, %scan3A_45 : i32
    %scan3A_47 = arith.constant 1 : i32
    %scan3A_48 = scf.for %scan3A_58 = %scan3A_44 to %scan3A_46 step %scan3A_47 iter_args(%scan3A_59 = %scan3A_43) -> (i32)  : i32 {
      %mul3A_60 = arith.constant 4 : i32
      %mul3A_61 = arith.muli %scan3A_58, %mul3A_60 : i32
      %add3A_62 = arith.constant 0 : i32
      %add3A_63 = arith.addi %mul3A_61, %add3A_62 : i32
      %dma_wait3A = arith.constant 0 : i32
      %dma_wait3A_64 = tpu.memref_slice %arg7[%add3A_63, %dma_wait3A] : memref<80x128xi32, #tpu.memory_space<vmem>> -> memref<1x128xi32, #tpu.memory_space<vmem>>
      %dma_wait3A_65 = tpu.memref_squeeze %dma_wait3A_64 : memref<1x128xi32, #tpu.memory_space<vmem>> -> memref<128xi32, #tpu.memory_space<vmem>>
      %dma_wait3A_66 = arith.constant 0 : i32
      %dma_wait3A_67 = arith.constant 0 : i32
      %dma_wait3A_68 = tpu.memref_slice %arg2[%dma_wait3A_66, %dma_wait3A_67] : memref<10240x16xf32, #tpu.memory_space<hbm>> -> memref<10240x16xf32, #tpu.memory_space<hbm>>
      tpu.wait_indirect_dma semaphore(%arg13 : memref<!tpu.dma_semaphore, #tpu.memory_space<semaphore_mem>>) src(%dma_wait3A_68 : memref<10240x16xf32, #tpu.memory_space<hbm>>) dst(%arg9 : memref<128x16xf32, #tpu.memory_space<vmem>>)
      %dma_start3A_69 = arith.constant 0 : i32
      %dma_start3A_70 = tpu.memref_slice %arg8[%add3A_63, %dma_start3A_69] : memref<80x128xi32, #tpu.memory_space<vmem>> -> memref<1x128xi32, #tpu.memory_space<vmem>>
      %dma_start3A_71 = tpu.memref_squeeze %dma_start3A_70 : memref<1x128xi32, #tpu.memory_space<vmem>> -> memref<128xi32, #tpu.memory_space<vmem>>
      %dma_start3A_72 = arith.constant 0 : i32
      %dma_start3A_73 = arith.constant 0 : i32
      %dma_start3A_74 = tpu.memref_slice %arg6[%dma_start3A_72, %dma_start3A_73] : memref<10240x16xf32, #tpu.memory_space<vmem_shared>> -> memref<10240x16xf32, #tpu.memory_space<vmem_shared>>
      tpu.enqueue_indirect_dma source(%arg9 : memref<128x16xf32, #tpu.memory_space<vmem>>) target(%dma_start3A_74 : memref<10240x16xf32, #tpu.memory_space<vmem_shared>>) offsets(%dma_start3A_71 : memref<128xi32, #tpu.memory_space<vmem>>) semaphore(%arg17 : memref<!tpu.dma_semaphore, #tpu.memory_space<semaphore_mem>>) {add = true}
      %add3A_75 = arith.constant 1 : i32
      %add3A_76 = arith.addi %mul3A_61, %add3A_75 : i32
      %dma_wait3A_77 = arith.constant 0 : i32
      %dma_wait3A_78 = tpu.memref_slice %arg7[%add3A_76, %dma_wait3A_77] : memref<80x128xi32, #tpu.memory_space<vmem>> -> memref<1x128xi32, #tpu.memory_space<vmem>>
      %dma_wait3A_79 = tpu.memref_squeeze %dma_wait3A_78 : memref<1x128xi32, #tpu.memory_space<vmem>> -> memref<128xi32, #tpu.memory_space<vmem>>
      %dma_wait3A_80 = arith.constant 0 : i32
      %dma_wait3A_81 = arith.constant 0 : i32
      %dma_wait3A_82 = tpu.memref_slice %arg2[%dma_wait3A_80, %dma_wait3A_81] : memref<10240x16xf32, #tpu.memory_space<hbm>> -> memref<10240x16xf32, #tpu.memory_space<hbm>>
      tpu.wait_indirect_dma semaphore(%arg14 : memref<!tpu.dma_semaphore, #tpu.memory_space<semaphore_mem>>) src(%dma_wait3A_82 : memref<10240x16xf32, #tpu.memory_space<hbm>>) dst(%arg10 : memref<128x16xf32, #tpu.memory_space<vmem>>)
      %dma_start3A_83 = arith.constant 0 : i32
      %dma_start3A_84 = tpu.memref_slice %arg8[%add3A_76, %dma_start3A_83] : memref<80x128xi32, #tpu.memory_space<vmem>> -> memref<1x128xi32, #tpu.memory_space<vmem>>
      %dma_start3A_85 = tpu.memref_squeeze %dma_start3A_84 : memref<1x128xi32, #tpu.memory_space<vmem>> -> memref<128xi32, #tpu.memory_space<vmem>>
      %dma_start3A_86 = arith.constant 0 : i32
      %dma_start3A_87 = arith.constant 0 : i32
      %dma_start3A_88 = tpu.memref_slice %arg6[%dma_start3A_86, %dma_start3A_87] : memref<10240x16xf32, #tpu.memory_space<vmem_shared>> -> memref<10240x16xf32, #tpu.memory_space<vmem_shared>>
      tpu.enqueue_indirect_dma source(%arg10 : memref<128x16xf32, #tpu.memory_space<vmem>>) target(%dma_start3A_88 : memref<10240x16xf32, #tpu.memory_space<vmem_shared>>) offsets(%dma_start3A_85 : memref<128xi32, #tpu.memory_space<vmem>>) semaphore(%arg18 : memref<!tpu.dma_semaphore, #tpu.memory_space<semaphore_mem>>) {add = true}
      %add3A_89 = arith.constant 2 : i32
      %add3A_90 = arith.addi %mul3A_61, %add3A_89 : i32
      %dma_wait3A_91 = arith.constant 0 : i32
      %dma_wait3A_92 = tpu.memref_slice %arg7[%add3A_90, %dma_wait3A_91] : memref<80x128xi32, #tpu.memory_space<vmem>> -> memref<1x128xi32, #tpu.memory_space<vmem>>
      %dma_wait3A_93 = tpu.memref_squeeze %dma_wait3A_92 : memref<1x128xi32, #tpu.memory_space<vmem>> -> memref<128xi32, #tpu.memory_space<vmem>>
      %dma_wait3A_94 = arith.constant 0 : i32
      %dma_wait3A_95 = arith.constant 0 : i32
      %dma_wait3A_96 = tpu.memref_slice %arg2[%dma_wait3A_94, %dma_wait3A_95] : memref<10240x16xf32, #tpu.memory_space<hbm>> -> memref<10240x16xf32, #tpu.memory_space<hbm>>
      tpu.wait_indirect_dma semaphore(%arg15 : memref<!tpu.dma_semaphore, #tpu.memory_space<semaphore_mem>>) src(%dma_wait3A_96 : memref<10240x16xf32, #tpu.memory_space<hbm>>) dst(%arg11 : memref<128x16xf32, #tpu.memory_space<vmem>>)
      %dma_start3A_97 = arith.constant 0 : i32
      %dma_start3A_98 = tpu.memref_slice %arg8[%add3A_90, %dma_start3A_97] : memref<80x128xi32, #tpu.memory_space<vmem>> -> memref<1x128xi32, #tpu.memory_space<vmem>>
      %dma_start3A_99 = tpu.memref_squeeze %dma_start3A_98 : memref<1x128xi32, #tpu.memory_space<vmem>> -> memref<128xi32, #tpu.memory_space<vmem>>
      %dma_start3A_100 = arith.constant 0 : i32
      %dma_start3A_101 = arith.constant 0 : i32
      %dma_start3A_102 = tpu.memref_slice %arg6[%dma_start3A_100, %dma_start3A_101] : memref<10240x16xf32, #tpu.memory_space<vmem_shared>> -> memref<10240x16xf32, #tpu.memory_space<vmem_shared>>
      tpu.enqueue_indirect_dma source(%arg11 : memref<128x16xf32, #tpu.memory_space<vmem>>) target(%dma_start3A_102 : memref<10240x16xf32, #tpu.memory_space<vmem_shared>>) offsets(%dma_start3A_99 : memref<128xi32, #tpu.memory_space<vmem>>) semaphore(%arg19 : memref<!tpu.dma_semaphore, #tpu.memory_space<semaphore_mem>>) {add = true}
      %add3A_103 = arith.constant 3 : i32
      %add3A_104 = arith.addi %mul3A_61, %add3A_103 : i32
      %dma_wait3A_105 = arith.constant 0 : i32
      %dma_wait3A_106 = tpu.memref_slice %arg7[%add3A_104, %dma_wait3A_105] : memref<80x128xi32, #tpu.memory_space<vmem>> -> memref<1x128xi32, #tpu.memory_space<vmem>>
      %dma_wait3A_107 = tpu.memref_squeeze %dma_wait3A_106 : memref<1x128xi32, #tpu.memory_space<vmem>> -> memref<128xi32, #tpu.memory_space<vmem>>
      %dma_wait3A_108 = arith.constant 0 : i32
      %dma_wait3A_109 = arith.constant 0 : i32
      %dma_wait3A_110 = tpu.memref_slice %arg2[%dma_wait3A_108, %dma_wait3A_109] : memref<10240x16xf32, #tpu.memory_space<hbm>> -> memref<10240x16xf32, #tpu.memory_space<hbm>>
      tpu.wait_indirect_dma semaphore(%arg16 : memref<!tpu.dma_semaphore, #tpu.memory_space<semaphore_mem>>) src(%dma_wait3A_110 : memref<10240x16xf32, #tpu.memory_space<hbm>>) dst(%arg12 : memref<128x16xf32, #tpu.memory_space<vmem>>)
      %dma_start3A_111 = arith.constant 0 : i32
      %dma_start3A_112 = tpu.memref_slice %arg8[%add3A_104, %dma_start3A_111] : memref<80x128xi32, #tpu.memory_space<vmem>> -> memref<1x128xi32, #tpu.memory_space<vmem>>
      %dma_start3A_113 = tpu.memref_squeeze %dma_start3A_112 : memref<1x128xi32, #tpu.memory_space<vmem>> -> memref<128xi32, #tpu.memory_space<vmem>>
      %dma_start3A_114 = arith.constant 0 : i32
      %dma_start3A_115 = arith.constant 0 : i32
      %dma_start3A_116 = tpu.memref_slice %arg6[%dma_start3A_114, %dma_start3A_115] : memref<10240x16xf32, #tpu.memory_space<vmem_shared>> -> memref<10240x16xf32, #tpu.memory_space<vmem_shared>>
      tpu.enqueue_indirect_dma source(%arg12 : memref<128x16xf32, #tpu.memory_space<vmem>>) target(%dma_start3A_116 : memref<10240x16xf32, #tpu.memory_space<vmem_shared>>) offsets(%dma_start3A_113 : memref<128xi32, #tpu.memory_space<vmem>>) semaphore(%arg20 : memref<!tpu.dma_semaphore, #tpu.memory_space<semaphore_mem>>) {add = true}
      %add3A_117 = arith.constant 0 : i32
      %add3A_118 = arith.addi %mul3A_61, %add3A_117 : i32
      %dma_wait3A_119 = arith.constant 0 : i32
      %dma_wait3A_120 = tpu.memref_slice %arg8[%add3A_118, %dma_wait3A_119] : memref<80x128xi32, #tpu.memory_space<vmem>> -> memref<1x128xi32, #tpu.memory_space<vmem>>
      %dma_wait3A_121 = tpu.memref_squeeze %dma_wait3A_120 : memref<1x128xi32, #tpu.memory_space<vmem>> -> memref<128xi32, #tpu.memory_space<vmem>>
      %dma_wait3A_122 = arith.constant 0 : i32
      %dma_wait3A_123 = arith.constant 0 : i32
      %dma_wait3A_124 = tpu.memref_slice %arg6[%dma_wait3A_122, %dma_wait3A_123] : memref<10240x16xf32, #tpu.memory_space<vmem_shared>> -> memref<10240x16xf32, #tpu.memory_space<vmem_shared>>
      tpu.wait_indirect_dma semaphore(%arg17 : memref<!tpu.dma_semaphore, #tpu.memory_space<semaphore_mem>>) src(%arg9 : memref<128x16xf32, #tpu.memory_space<vmem>>) dst(%dma_wait3A_124 : memref<10240x16xf32, #tpu.memory_space<vmem_shared>>)
      %lt3A = arith.constant 19 : i32
      %lt3A_125 = arith.cmpi slt, %scan3A_58, %lt3A : i32
      %convert_element_type3A = arith.extui %lt3A_125 : i1 to i32
      %cond3A = arith.constant 0 : i32
      %cond3A_126 = arith.cmpi ne, %convert_element_type3A, %cond3A : i32
      scf.if %cond3A_126 {
        %add3A_167 = arith.constant 4 : i32
        %add3A_168 = arith.addi %add3A_118, %add3A_167 : i32
        %dma_start3A_169 = arith.constant 0 : i32
        %dma_start3A_170 = tpu.memref_slice %arg7[%add3A_168, %dma_start3A_169] : memref<80x128xi32, #tpu.memory_space<vmem>> -> memref<1x128xi32, #tpu.memory_space<vmem>>
        %dma_start3A_171 = tpu.memref_squeeze %dma_start3A_170 : memref<1x128xi32, #tpu.memory_space<vmem>> -> memref<128xi32, #tpu.memory_space<vmem>>
        %dma_start3A_172 = arith.constant 0 : i32
        %dma_start3A_173 = arith.constant 0 : i32
        %dma_start3A_174 = tpu.memref_slice %arg2[%dma_start3A_172, %dma_start3A_173] : memref<10240x16xf32, #tpu.memory_space<hbm>> -> memref<10240x16xf32, #tpu.memory_space<hbm>>
        tpu.enqueue_indirect_dma source(%dma_start3A_174 : memref<10240x16xf32, #tpu.memory_space<hbm>>) target(%arg9 : memref<128x16xf32, #tpu.memory_space<vmem>>) offsets(%dma_start3A_171 : memref<128xi32, #tpu.memory_space<vmem>>) semaphore(%arg13 : memref<!tpu.dma_semaphore, #tpu.memory_space<semaphore_mem>>)
      } else {
      }
      %add3A_127 = arith.constant 1 : i32
      %add3A_128 = arith.addi %mul3A_61, %add3A_127 : i32
      %dma_wait3A_129 = arith.constant 0 : i32
      %dma_wait3A_130 = tpu.memref_slice %arg8[%add3A_128, %dma_wait3A_129] : memref<80x128xi32, #tpu.memory_space<vmem>> -> memref<1x128xi32, #tpu.memory_space<vmem>>
      %dma_wait3A_131 = tpu.memref_squeeze %dma_wait3A_130 : memref<1x128xi32, #tpu.memory_space<vmem>> -> memref<128xi32, #tpu.memory_space<vmem>>
      %dma_wait3A_132 = arith.constant 0 : i32
      %dma_wait3A_133 = arith.constant 0 : i32
      %dma_wait3A_134 = tpu.memref_slice %arg6[%dma_wait3A_132, %dma_wait3A_133] : memref<10240x16xf32, #tpu.memory_space<vmem_shared>> -> memref<10240x16xf32, #tpu.memory_space<vmem_shared>>
      tpu.wait_indirect_dma semaphore(%arg18 : memref<!tpu.dma_semaphore, #tpu.memory_space<semaphore_mem>>) src(%arg10 : memref<128x16xf32, #tpu.memory_space<vmem>>) dst(%dma_wait3A_134 : memref<10240x16xf32, #tpu.memory_space<vmem_shared>>)
      %lt3A_135 = arith.constant 19 : i32
      %lt3A_136 = arith.cmpi slt, %scan3A_58, %lt3A_135 : i32
      %convert_element_type3A_137 = arith.extui %lt3A_136 : i1 to i32
      %cond3A_138 = arith.constant 0 : i32
      %cond3A_139 = arith.cmpi ne, %convert_element_type3A_137, %cond3A_138 : i32
      scf.if %cond3A_139 {
        %add3A_167 = arith.constant 4 : i32
        %add3A_168 = arith.addi %add3A_128, %add3A_167 : i32
        %dma_start3A_169 = arith.constant 0 : i32
        %dma_start3A_170 = tpu.memref_slice %arg7[%add3A_168, %dma_start3A_169] : memref<80x128xi32, #tpu.memory_space<vmem>> -> memref<1x128xi32, #tpu.memory_space<vmem>>
        %dma_start3A_171 = tpu.memref_squeeze %dma_start3A_170 : memref<1x128xi32, #tpu.memory_space<vmem>> -> memref<128xi32, #tpu.memory_space<vmem>>
        %dma_start3A_172 = arith.constant 0 : i32
        %dma_start3A_173 = arith.constant 0 : i32
        %dma_start3A_174 = tpu.memref_slice %arg2[%dma_start3A_172, %dma_start3A_173] : memref<10240x16xf32, #tpu.memory_space<hbm>> -> memref<10240x16xf32, #tpu.memory_space<hbm>>
        tpu.enqueue_indirect_dma source(%dma_start3A_174 : memref<10240x16xf32, #tpu.memory_space<hbm>>) target(%arg10 : memref<128x16xf32, #tpu.memory_space<vmem>>) offsets(%dma_start3A_171 : memref<128xi32, #tpu.memory_space<vmem>>) semaphore(%arg14 : memref<!tpu.dma_semaphore, #tpu.memory_space<semaphore_mem>>)
      } else {
      }
      %add3A_140 = arith.constant 2 : i32
      %add3A_141 = arith.addi %mul3A_61, %add3A_140 : i32
      %dma_wait3A_142 = arith.constant 0 : i32
      %dma_wait3A_143 = tpu.memref_slice %arg8[%add3A_141, %dma_wait3A_142] : memref<80x128xi32, #tpu.memory_space<vmem>> -> memref<1x128xi32, #tpu.memory_space<vmem>>
      %dma_wait3A_144 = tpu.memref_squeeze %dma_wait3A_143 : memref<1x128xi32, #tpu.memory_space<vmem>> -> memref<128xi32, #tpu.memory_space<vmem>>
      %dma_wait3A_145 = arith.constant 0 : i32
      %dma_wait3A_146 = arith.constant 0 : i32
      %dma_wait3A_147 = tpu.memref_slice %arg6[%dma_wait3A_145, %dma_wait3A_146] : memref<10240x16xf32, #tpu.memory_space<vmem_shared>> -> memref<10240x16xf32, #tpu.memory_space<vmem_shared>>
      tpu.wait_indirect_dma semaphore(%arg19 : memref<!tpu.dma_semaphore, #tpu.memory_space<semaphore_mem>>) src(%arg11 : memref<128x16xf32, #tpu.memory_space<vmem>>) dst(%dma_wait3A_147 : memref<10240x16xf32, #tpu.memory_space<vmem_shared>>)
      %lt3A_148 = arith.constant 19 : i32
      %lt3A_149 = arith.cmpi slt, %scan3A_58, %lt3A_148 : i32
      %convert_element_type3A_150 = arith.extui %lt3A_149 : i1 to i32
      %cond3A_151 = arith.constant 0 : i32
      %cond3A_152 = arith.cmpi ne, %convert_element_type3A_150, %cond3A_151 : i32
      scf.if %cond3A_152 {
        %add3A_167 = arith.constant 4 : i32
        %add3A_168 = arith.addi %add3A_141, %add3A_167 : i32
        %dma_start3A_169 = arith.constant 0 : i32
        %dma_start3A_170 = tpu.memref_slice %arg7[%add3A_168, %dma_start3A_169] : memref<80x128xi32, #tpu.memory_space<vmem>> -> memref<1x128xi32, #tpu.memory_space<vmem>>
        %dma_start3A_171 = tpu.memref_squeeze %dma_start3A_170 : memref<1x128xi32, #tpu.memory_space<vmem>> -> memref<128xi32, #tpu.memory_space<vmem>>
        %dma_start3A_172 = arith.constant 0 : i32
        %dma_start3A_173 = arith.constant 0 : i32
        %dma_start3A_174 = tpu.memref_slice %arg2[%dma_start3A_172, %dma_start3A_173] : memref<10240x16xf32, #tpu.memory_space<hbm>> -> memref<10240x16xf32, #tpu.memory_space<hbm>>
        tpu.enqueue_indirect_dma source(%dma_start3A_174 : memref<10240x16xf32, #tpu.memory_space<hbm>>) target(%arg11 : memref<128x16xf32, #tpu.memory_space<vmem>>) offsets(%dma_start3A_171 : memref<128xi32, #tpu.memory_space<vmem>>) semaphore(%arg15 : memref<!tpu.dma_semaphore, #tpu.memory_space<semaphore_mem>>)
      } else {
      }
      %add3A_153 = arith.constant 3 : i32
      %add3A_154 = arith.addi %mul3A_61, %add3A_153 : i32
      %dma_wait3A_155 = arith.constant 0 : i32
      %dma_wait3A_156 = tpu.memref_slice %arg8[%add3A_154, %dma_wait3A_155] : memref<80x128xi32, #tpu.memory_space<vmem>> -> memref<1x128xi32, #tpu.memory_space<vmem>>
      %dma_wait3A_157 = tpu.memref_squeeze %dma_wait3A_156 : memref<1x128xi32, #tpu.memory_space<vmem>> -> memref<128xi32, #tpu.memory_space<vmem>>
      %dma_wait3A_158 = arith.constant 0 : i32
      %dma_wait3A_159 = arith.constant 0 : i32
      %dma_wait3A_160 = tpu.memref_slice %arg6[%dma_wait3A_158, %dma_wait3A_159] : memref<10240x16xf32, #tpu.memory_space<vmem_shared>> -> memref<10240x16xf32, #tpu.memory_space<vmem_shared>>
      tpu.wait_indirect_dma semaphore(%arg20 : memref<!tpu.dma_semaphore, #tpu.memory_space<semaphore_mem>>) src(%arg12 : memref<128x16xf32, #tpu.memory_space<vmem>>) dst(%dma_wait3A_160 : memref<10240x16xf32, #tpu.memory_space<vmem_shared>>)
      %lt3A_161 = arith.constant 19 : i32
      %lt3A_162 = arith.cmpi slt, %scan3A_58, %lt3A_161 : i32
      %convert_element_type3A_163 = arith.extui %lt3A_162 : i1 to i32
      %cond3A_164 = arith.constant 0 : i32
      %cond3A_165 = arith.cmpi ne, %convert_element_type3A_163, %cond3A_164 : i32
      scf.if %cond3A_165 {
        %add3A_167 = arith.constant 4 : i32
        %add3A_168 = arith.addi %add3A_154, %add3A_167 : i32
        %dma_start3A_169 = arith.constant 0 : i32
        %dma_start3A_170 = tpu.memref_slice %arg7[%add3A_168, %dma_start3A_169] : memref<80x128xi32, #tpu.memory_space<vmem>> -> memref<1x128xi32, #tpu.memory_space<vmem>>
        %dma_start3A_171 = tpu.memref_squeeze %dma_start3A_170 : memref<1x128xi32, #tpu.memory_space<vmem>> -> memref<128xi32, #tpu.memory_space<vmem>>
        %dma_start3A_172 = arith.constant 0 : i32
        %dma_start3A_173 = arith.constant 0 : i32
        %dma_start3A_174 = tpu.memref_slice %arg2[%dma_start3A_172, %dma_start3A_173] : memref<10240x16xf32, #tpu.memory_space<hbm>> -> memref<10240x16xf32, #tpu.memory_space<hbm>>
        tpu.enqueue_indirect_dma source(%dma_start3A_174 : memref<10240x16xf32, #tpu.memory_space<hbm>>) target(%arg12 : memref<128x16xf32, #tpu.memory_space<vmem>>) offsets(%dma_start3A_171 : memref<128xi32, #tpu.memory_space<vmem>>) semaphore(%arg16 : memref<!tpu.dma_semaphore, #tpu.memory_space<semaphore_mem>>)
      } else {
      }
      %scan3A_166 = arith.constant 0 : i32
      scf.yield %scan3A_166 : i32
    }
    %scan3A_49 = arith.constant 20 : i32
    %barrier3A_50 = arith.constant 0 : index
    tpu.barrier barrier_id(%barrier3A_50)
    %scan3A_51 = arith.constant 0 : i32
    %scan3A_52 = arith.constant 0 : i32
    %scan3A_53 = arith.constant 5 : i32
    %scan3A_54 = arith.addi %scan3A_52, %scan3A_53 : i32
    %scan3A_55 = arith.constant 1 : i32
    %scan3A_56 = scf.for %scan3A_58 = %scan3A_52 to %scan3A_54 step %scan3A_55 iter_args(%scan3A_59 = %scan3A_51) -> (i32)  : i32 {
      %mul3A_60 = arith.constant 128 : i32
      %mul3A_61 = arith.muli %scan3A_58, %mul3A_60 : i32
      %add3A_62 = arith.addi %multiple_of3A, %mul3A_61 : i32
      %multiple_of3A_63 = tpu.assume_multiple %add3A_62, 8 : i32
      "tpu.region"() ({
        %run_scoped3A = tpu.sem_alloc : memref<!tpu.dma_semaphore, #tpu.memory_space<semaphore_mem>>
        %dma_start3A_65 = arith.constant 0 : i32
        %dma_start3A_66 = tpu.memref_slice %arg6[%multiple_of3A_63, %dma_start3A_65] : memref<10240x16xf32, #tpu.memory_space<vmem_shared>> -> memref<128x16xf32, #tpu.memory_space<vmem_shared>>
        %dma_start3A_67 = arith.constant 0 : i32
        %dma_start3A_68 = tpu.memref_slice %arg6[%multiple_of3A_63, %dma_start3A_67] : memref<10240x16xf32, #tpu.memory_space<vmem_shared>> -> memref<128x16xf32, #tpu.memory_space<vmem_shared>>
        tpu.enqueue_dma source(%dma_start3A_68 : memref<128x16xf32, #tpu.memory_space<vmem_shared>>) target(%arg9 : memref<128x16xf32, #tpu.memory_space<vmem>>) target_semaphore(%run_scoped3A : memref<!tpu.dma_semaphore, #tpu.memory_space<semaphore_mem>>)
        %dma_wait3A = arith.constant 0 : i32
        %dma_wait3A_69 = tpu.memref_slice %arg6[%multiple_of3A_63, %dma_wait3A] : memref<10240x16xf32, #tpu.memory_space<vmem_shared>> -> memref<128x16xf32, #tpu.memory_space<vmem_shared>>
        %dma_wait3A_70 = arith.constant 0 : i32
        %dma_wait3A_71 = tpu.memref_slice %arg6[%multiple_of3A_63, %dma_wait3A_70] : memref<10240x16xf32, #tpu.memory_space<vmem_shared>> -> memref<128x16xf32, #tpu.memory_space<vmem_shared>>
        tpu.wait_dma2 semaphore(%run_scoped3A : memref<!tpu.dma_semaphore, #tpu.memory_space<semaphore_mem>>) src(%dma_wait3A_71 : memref<128x16xf32, #tpu.memory_space<vmem_shared>>) dst(%arg9 : memref<128x16xf32, #tpu.memory_space<vmem>>)
        tpu.yield
      }) : () -> ()
      "tpu.region"() ({
        %run_scoped3A = tpu.sem_alloc : memref<!tpu.dma_semaphore, #tpu.memory_space<semaphore_mem>>
        %dma_start3A_65 = arith.constant 0 : i32
        %dma_start3A_66 = tpu.memref_slice %arg5[%arg0, %multiple_of3A_63, %dma_start3A_65] : memref<2x10240x16xf32, #tpu.memory_space<hbm>> -> memref<1x128x16xf32, #tpu.memory_space<hbm>>
        %dma_start3A_67 = tpu.memref_squeeze %dma_start3A_66 : memref<1x128x16xf32, #tpu.memory_space<hbm>> -> memref<128x16xf32, #tpu.memory_space<hbm>>
        %dma_start3A_68 = arith.constant 0 : i32
        %dma_start3A_69 = tpu.memref_slice %arg5[%arg0, %multiple_of3A_63, %dma_start3A_68] : memref<2x10240x16xf32, #tpu.memory_space<hbm>> -> memref<1x128x16xf32, #tpu.memory_space<hbm>>
        %dma_start3A_70 = tpu.memref_squeeze %dma_start3A_69 : memref<1x128x16xf32, #tpu.memory_space<hbm>> -> memref<128x16xf32, #tpu.memory_space<hbm>>
        tpu.enqueue_dma source(%arg9 : memref<128x16xf32, #tpu.memory_space<vmem>>) target(%dma_start3A_70 : memref<128x16xf32, #tpu.memory_space<hbm>>) target_semaphore(%run_scoped3A : memref<!tpu.dma_semaphore, #tpu.memory_space<semaphore_mem>>)
        %dma_wait3A = arith.constant 0 : i32
        %dma_wait3A_71 = tpu.memref_slice %arg5[%arg0, %multiple_of3A_63, %dma_wait3A] : memref<2x10240x16xf32, #tpu.memory_space<hbm>> -> memref<1x128x16xf32, #tpu.memory_space<hbm>>
        %dma_wait3A_72 = tpu.memref_squeeze %dma_wait3A_71 : memref<1x128x16xf32, #tpu.memory_space<hbm>> -> memref<128x16xf32, #tpu.memory_space<hbm>>
        %dma_wait3A_73 = arith.constant 0 : i32
        %dma_wait3A_74 = tpu.memref_slice %arg5[%arg0, %multiple_of3A_63, %dma_wait3A_73] : memref<2x10240x16xf32, #tpu.memory_space<hbm>> -> memref<1x128x16xf32, #tpu.memory_space<hbm>>
        %dma_wait3A_75 = tpu.memref_squeeze %dma_wait3A_74 : memref<1x128x16xf32, #tpu.memory_space<hbm>> -> memref<128x16xf32, #tpu.memory_space<hbm>>
        tpu.wait_dma2 semaphore(%run_scoped3A : memref<!tpu.dma_semaphore, #tpu.memory_space<semaphore_mem>>) src(%arg9 : memref<128x16xf32, #tpu.memory_space<vmem>>) dst(%dma_wait3A_75 : memref<128x16xf32, #tpu.memory_space<hbm>>)
        tpu.yield
      }) : () -> ()
      %scan3A_64 = arith.constant 0 : i32
      scf.yield %scan3A_64 : i32
    }
    %scan3A_57 = arith.constant 5 : i32
    return
  }
}

module attributes {stable_mosaic.version = 14 : i64} {
  func.func @body(%arg0: memref<10000x128xf32, #tpu.memory_space<vmem>>, %arg1: memref<128x16xf32, #tpu.memory_space<vmem>>, %arg2: memref<10000x1xf32, #tpu.memory_space<vmem>>, %arg3: memref<10240x16xf32, #tpu.memory_space<vmem>>) attributes {dimension_semantics = [], scalar_prefetch = 0 : i64, scratch_operands = 0 : i64, tpu.core_type = #tpu.core_type<tc>} {
    %get3A = arith.constant 0 : index
    %get3A_0 = arith.constant 0 : index
    %get3A_1 = vector.load %arg2[%get3A, %get3A_0] : memref<10000x1xf32, #tpu.memory_space<vmem>>, vector<10000x1xf32>
    %rsqrt3A = math.rsqrt %get3A_1 : vector<10000x1xf32>
    %get3A_2 = arith.constant 0 : index
    %get3A_3 = arith.constant 0 : index
    %get3A_4 = vector.load %arg0[%get3A_2, %get3A_3] : memref<10000x128xf32, #tpu.memory_space<vmem>>, vector<10000x128xf32>
    %get3A_5 = arith.constant 0 : index
    %get3A_6 = arith.constant 0 : index
    %get3A_7 = vector.load %arg1[%get3A_5, %get3A_6] : memref<128x16xf32, #tpu.memory_space<vmem>>, vector<128x16xf32>
    %dot_general3A = arith.constant dense<0.000000e+00> : vector<10000x16xf32>
    %dot_general3A_8 = tpu.matmul %get3A_4, %get3A_7, %dot_general3A {dimension_numbers = #tpu.dot_dimension_numbers<[1], [0], [0], [1], [0, 0, 1, 1], [], []>, transpose_lhs_hint = false} : vector<10000x128xf32>, vector<128x16xf32>, vector<10000x16xf32> -> vector<10000x16xf32>
    %mul3A = vector.broadcast %rsqrt3A : vector<10000x1xf32> to vector<10000x16xf32>
    %mul3A_9 = arith.mulf %dot_general3A_8, %mul3A : vector<10000x16xf32>
    %swap3A = arith.constant 0 : index
    %swap3A_10 = arith.constant 0 : index
    %swap3A_11 = vector.load %arg3[%swap3A, %swap3A_10] : memref<10240x16xf32, #tpu.memory_space<vmem>>, vector<10000x16xf32>
    tpu.vector_store %arg3[%swap3A, %swap3A_10], %mul3A_9 {strides = array<i32>} : memref<10240x16xf32, #tpu.memory_space<vmem>>, vector<10000x16xf32>,
    %broadcast_in_dim3A = arith.constant 0.000000e+00 : f32
    %broadcast_in_dim3A_12 = vector.broadcast %broadcast_in_dim3A : f32 to vector<240x16xf32>
    %swap3A_13 = arith.constant 10000 : index
    %swap3A_14 = arith.constant 0 : index
    %swap3A_15 = vector.load %arg3[%swap3A_13, %swap3A_14] : memref<10240x16xf32, #tpu.memory_space<vmem>>, vector<240x16xf32>
    tpu.vector_store %arg3[%swap3A_13, %swap3A_14], %broadcast_in_dim3A_12 {strides = array<i32>} : memref<10240x16xf32, #tpu.memory_space<vmem>>, vector<240x16xf32>,
    return
  }
}

module attributes {stable_mosaic.version = 14 : i64} {
  func.func @body(%arg0: memref<2x10240x16xf32, #tpu.memory_space<vmem>>, %arg1: memref<10240x16xf32, #tpu.memory_space<vmem>>, %arg2: memref<10000x1xf32, #tpu.memory_space<vmem>>, %arg3: memref<1x16xf32, #tpu.memory_space<vmem>>, %arg4: memref<10240x16xf32, #tpu.memory_space<vmem>>) attributes {dimension_semantics = [], scalar_prefetch = 0 : i64, scratch_operands = 0 : i64, tpu.core_type = #tpu.core_type<tc>} {
    %get3A = arith.constant 0 : index
    %get3A_0 = arith.constant 0 : index
    %get3A_1 = vector.load %arg2[%get3A, %get3A_0] : memref<10000x1xf32, #tpu.memory_space<vmem>>, vector<10000x1xf32>
    %rsqrt3A = math.rsqrt %get3A_1 : vector<10000x1xf32>
    %get3A_2 = arith.constant 0 : index
    %get3A_3 = arith.constant 0 : index
    %get3A_4 = arith.constant 0 : index
    %get3A_5 = vector.load %arg0[%get3A_2, %get3A_3, %get3A_4] : memref<2x10240x16xf32, #tpu.memory_space<vmem>>, vector<1x10000x16xf32>
    %get3A_6 = vector.shape_cast %get3A_5 : vector<1x10000x16xf32> to vector<10000x16xf32>
    %get3A_7 = arith.constant 1 : index
    %get3A_8 = arith.constant 0 : index
    %get3A_9 = arith.constant 0 : index
    %get3A_10 = vector.load %arg0[%get3A_7, %get3A_8, %get3A_9] : memref<2x10240x16xf32, #tpu.memory_space<vmem>>, vector<1x10000x16xf32>
    %get3A_11 = vector.shape_cast %get3A_10 : vector<1x10000x16xf32> to vector<10000x16xf32>
    %add3A = arith.addf %get3A_6, %get3A_11 : vector<10000x16xf32>
    %get3A_12 = arith.constant 0 : index
    %get3A_13 = arith.constant 0 : index
    %get3A_14 = vector.load %arg1[%get3A_12, %get3A_13] : memref<10240x16xf32, #tpu.memory_space<vmem>>, vector<10000x16xf32>
    %add3A_15 = arith.addf %add3A, %get3A_14 : vector<10000x16xf32>
    %mul3A = vector.broadcast %rsqrt3A : vector<10000x1xf32> to vector<10000x16xf32>
    %mul3A_16 = arith.mulf %add3A_15, %mul3A : vector<10000x16xf32>
    %get3A_17 = arith.constant 0 : index
    %get3A_18 = arith.constant 0 : index
    %get3A_19 = vector.load %arg3[%get3A_17, %get3A_18] : memref<1x16xf32, #tpu.memory_space<vmem>>, vector<1x16xf32>
    %add3A_20 = vector.broadcast %get3A_19 : vector<1x16xf32> to vector<10000x16xf32>
    %add3A_21 = arith.addf %mul3A_16, %add3A_20 : vector<10000x16xf32>
    %max3A = arith.constant 0.000000e+00 : f32
    %max3A_22 = vector.broadcast %max3A : f32 to vector<10000x16xf32>
    %max3A_23 = arith.maximumf %add3A_21, %max3A_22 : vector<10000x16xf32>
    %mul3A_24 = vector.broadcast %rsqrt3A : vector<10000x1xf32> to vector<10000x16xf32>
    %mul3A_25 = arith.mulf %max3A_23, %mul3A_24 : vector<10000x16xf32>
    %swap3A = arith.constant 0 : index
    %swap3A_26 = arith.constant 0 : index
    %swap3A_27 = vector.load %arg4[%swap3A, %swap3A_26] : memref<10240x16xf32, #tpu.memory_space<vmem>>, vector<10000x16xf32>
    tpu.vector_store %arg4[%swap3A, %swap3A_26], %mul3A_25 {strides = array<i32>} : memref<10240x16xf32, #tpu.memory_space<vmem>>, vector<10000x16xf32>,
    %broadcast_in_dim3A = arith.constant 0.000000e+00 : f32
    %broadcast_in_dim3A_28 = vector.broadcast %broadcast_in_dim3A : f32 to vector<240x16xf32>
    %swap3A_29 = arith.constant 10000 : index
    %swap3A_30 = arith.constant 0 : index
    %swap3A_31 = vector.load %arg4[%swap3A_29, %swap3A_30] : memref<10240x16xf32, #tpu.memory_space<vmem>>, vector<240x16xf32>
    tpu.vector_store %arg4[%swap3A_29, %swap3A_30], %broadcast_in_dim3A_28 {strides = array<i32>} : memref<10240x16xf32, #tpu.memory_space<vmem>>, vector<240x16xf32>,
    return
  }
}

module attributes {stable_mosaic.version = 14 : i64} {
  func.func @body(%arg0: memref<2x10240x16xf32, #tpu.memory_space<vmem>>, %arg1: memref<10240x16xf32, #tpu.memory_space<vmem>>, %arg2: memref<10000x1xf32, #tpu.memory_space<vmem>>, %arg3: memref<16x2xf32, #tpu.memory_space<vmem>>, %arg4: memref<1x2xf32, #tpu.memory_space<vmem>>, %arg5: memref<10000x2xf32, #tpu.memory_space<vmem>>) attributes {dimension_semantics = [], scalar_prefetch = 0 : i64, scratch_operands = 0 : i64, tpu.core_type = #tpu.core_type<tc>} {
    %get3A = arith.constant 0 : index
    %get3A_0 = arith.constant 0 : index
    %get3A_1 = vector.load %arg2[%get3A, %get3A_0] : memref<10000x1xf32, #tpu.memory_space<vmem>>, vector<10000x1xf32>
    %rsqrt3A = math.rsqrt %get3A_1 : vector<10000x1xf32>
    %get3A_2 = arith.constant 0 : index
    %get3A_3 = arith.constant 0 : index
    %get3A_4 = arith.constant 0 : index
    %get3A_5 = vector.load %arg0[%get3A_2, %get3A_3, %get3A_4] : memref<2x10240x16xf32, #tpu.memory_space<vmem>>, vector<1x10000x16xf32>
    %get3A_6 = vector.shape_cast %get3A_5 : vector<1x10000x16xf32> to vector<10000x16xf32>
    %get3A_7 = arith.constant 1 : index
    %get3A_8 = arith.constant 0 : index
    %get3A_9 = arith.constant 0 : index
    %get3A_10 = vector.load %arg0[%get3A_7, %get3A_8, %get3A_9] : memref<2x10240x16xf32, #tpu.memory_space<vmem>>, vector<1x10000x16xf32>
    %get3A_11 = vector.shape_cast %get3A_10 : vector<1x10000x16xf32> to vector<10000x16xf32>
    %add3A = arith.addf %get3A_6, %get3A_11 : vector<10000x16xf32>
    %get3A_12 = arith.constant 0 : index
    %get3A_13 = arith.constant 0 : index
    %get3A_14 = vector.load %arg1[%get3A_12, %get3A_13] : memref<10240x16xf32, #tpu.memory_space<vmem>>, vector<10000x16xf32>
    %add3A_15 = arith.addf %add3A, %get3A_14 : vector<10000x16xf32>
    %mul3A = vector.broadcast %rsqrt3A : vector<10000x1xf32> to vector<10000x16xf32>
    %mul3A_16 = arith.mulf %add3A_15, %mul3A : vector<10000x16xf32>
    %get3A_17 = arith.constant 0 : index
    %get3A_18 = arith.constant 0 : index
    %get3A_19 = vector.load %arg3[%get3A_17, %get3A_18] : memref<16x2xf32, #tpu.memory_space<vmem>>, vector<16x2xf32>
    %dot_general3A = arith.constant dense<0.000000e+00> : vector<10000x2xf32>
    %dot_general3A_20 = tpu.matmul %mul3A_16, %get3A_19, %dot_general3A {dimension_numbers = #tpu.dot_dimension_numbers<[1], [0], [0], [1], [0, 0, 1, 1], [], []>, transpose_lhs_hint = false} : vector<10000x16xf32>, vector<16x2xf32>, vector<10000x2xf32> -> vector<10000x2xf32>
    %get3A_21 = arith.constant 0 : index
    %get3A_22 = arith.constant 0 : index
    %get3A_23 = vector.load %arg4[%get3A_21, %get3A_22] : memref<1x2xf32, #tpu.memory_space<vmem>>, vector<1x2xf32>
    %add3A_24 = vector.broadcast %get3A_23 : vector<1x2xf32> to vector<10000x2xf32>
    %add3A_25 = arith.addf %dot_general3A_20, %add3A_24 : vector<10000x2xf32>
    %reduce_max3A = arith.constant dense<0xFF800000> : vector<10000xf32>
    %reduce_max3A_26 = vector.multi_reduction <maximumf>, %add3A_25, %reduce_max3A [1] : vector<10000x2xf32> to vector<10000xf32>
    %broadcast_in_dim3A = vector.shape_cast %reduce_max3A_26 : vector<10000xf32> to vector<10000x1xf32>
    %sub3A = vector.broadcast %broadcast_in_dim3A : vector<10000x1xf32> to vector<10000x2xf32>
    %sub3A_27 = arith.subf %add3A_25, %sub3A : vector<10000x2xf32>
    %exp3A = math.exp %sub3A_27 : vector<10000x2xf32>
    %reduce_sum3A = arith.constant dense<0.000000e+00> : vector<10000xf32>
    %reduce_sum3A_28 = vector.multi_reduction <add>, %exp3A, %reduce_sum3A [1] : vector<10000x2xf32> to vector<10000xf32>
    %broadcast_in_dim3A_29 = vector.shape_cast %reduce_sum3A_28 : vector<10000xf32> to vector<10000x1xf32>
    %log3A = math.log %broadcast_in_dim3A_29 : vector<10000x1xf32>
    %add3A_30 = arith.addf %broadcast_in_dim3A, %log3A : vector<10000x1xf32>
    %sub3A_31 = vector.broadcast %add3A_30 : vector<10000x1xf32> to vector<10000x2xf32>
    %sub3A_32 = arith.subf %add3A_25, %sub3A_31 : vector<10000x2xf32>
    %swap3A = arith.constant 0 : index
    %swap3A_33 = arith.constant 0 : index
    %swap3A_34 = vector.load %arg5[%swap3A, %swap3A_33] : memref<10000x2xf32, #tpu.memory_space<vmem>>, vector<10000x2xf32>
    tpu.vector_store %arg5[%swap3A, %swap3A_33], %sub3A_32 {strides = array<i32>} : memref<10000x2xf32, #tpu.memory_space<vmem>>, vector<10000x2xf32>,
    return
  }
}

</mosaic_0001>

<sc_bundles>
// kernel: kernel.11.cloned.1.call-start
scs
__scs_entry_jumppad:
0x0: {  	(pc) =	sbr.rel $0x88, $3  }
0x1: {  	(tag) =	ssettag $0x0;
	lr =	simm.s32 $0x1  }
0x2: {  	[smem:$0x3F9B] =	sst lr;
	_ =	strace $0xD0000000  }
0x3: {  	_ = 	snop  }
0x4: {  	_ = 	snop  }
0x5: {  	_ = 	snop  }
0x6: {  	_ = 	snop  }
0x7: {  	_ = 	snop  }
__scs_overlays_trampoline_lowered:
0x8: {  	[smem:$0x3FAA] =	sst s0  }
0x9: {  	[smem:$0x3FAB] =	sst s1  }
0xa: {  	[smem:$0x3FAC] =	sst s2  }
0xb: {  	[smem:$0x3FAD] =	sst s3  }
0xc: {  	[smem:$0x3FAE] =	sst s4  }
0xd: {  	[smem:$0x3FAF] =	sst s5  }
0xe: {  	[smem:$0x3FB0] =	sst s6  }
0xf: {  	[smem:$0x3FB1] =	sst s7  }
0x10: {  	[smem:$0x3FB2] =	sst s8  }
0x11: {  	[smem:$0x3FB3] =	sst s9;
	s0 =	simm.s32 @!p0 $0x0  }
0x12: {  	s1 =	sld [smem:$0x3F99];
	s0 =	simm.s32 @p0 $0x1  }
0x13: {  	[smem:$0x3FB4] =	sst s0;
	s0 =	simm.s32 @!p1 $0x0  }
0x14: {  	s2 =	sld [smem:$0x3F98];
	s0 =	simm.s32 @p1 $0x1  }
0x15: {  	[smem:$0x3FB5] =	sst s0;
	s0 =	simm.s32 @!p2 $0x0  }
0x16: {  	s3 =	sld [smem:$0x3FDB];
	s0 =	simm.s32 @p2 $0x1  }
0x17: {  	s4 =	simm.s32 $0x1BF5;
	[smem:$0x3FB7] =	sst s0  }
0x18: {  	s0 =	sld [smem:$0x3F9A];
	_ =	swait.ge [sflag:s4], $0x0  }
0x19: {  	s7 =	sld [smem:$0x3F9B]  }
0x1a: {  	s8 =	sadd.s32 $0xFFFFE003, lr  }
0x1b: {  	s9 =	sadd.s32 $0xFFFFFEF7, lr;
	s5 =	simm.s32 $0xFFFFFFFF;
	p2 =	slt.u32 s8, $0xFFFFF086  }
0x1c: {  	p1 =	slt.u32 s9, $0xF7A;
	s5 =	simm.s32 @!p2 $0x0  }
0x1d: {  	s5 =	simm.s32 @p1 $0x1;
	p0 =	seq.s32 s7, s2  }
0x1e: {  	s7 =	smul.u32 @!p0 $0xF7A, s2;
	p2 =	seq.s32 @!p0 s5, $0x0  }
0x1f: {  	s9 =	smul.u32 $0xF7A, s1;
	s8 =	simm.s32 @!p0 $0x1BF5;
	p2 =	por !p2, p0  }
0x20: {  	[sflag:s8] =	ssyncset.s32 @!p0 $0xFFFFF086;
	s6 =	sadd.s32 @!p0 s3, s7;
	s7 =	simm.s32 @!p0 $0x108  }
0x21: {  	s3 =	sadd.s32 s3, s9;
	s6 =	sadd.s32 @!p0 $0x88, s6;
	s7 =	simm.s32 @p2 $0x1082  }
0x22: {  	[simem:s7], [sflag:s8] =	dma.local @!p0 [hbm:s6], $0xF7A  }
0x23: {  	s9 =	sor.u32 $0xD0000000, s2;
	s6 =	simm.s32 $0x108;
	_ =	swait.ge @!p0 [sflag:s8], $0x0  }
0x24: {  	s3 =	sadd.s32 $0x88, s3;
	s6 =	simm.s32 @!p1 $0x1082;
	[sflag:s4] =	ssyncset.s32 $0xFFFFF086  }
0x25: {  	[simem:s6], [sflag:s4] =	dma.local [hbm:s3], $0xF7A  }
0x26: {  	[smem:$0x3F9B] =	sst s1;
	(tag) =	ssettag s2;
	_ =	strace s9  }
0x27: {  	s1 =	sld [smem:$0x3FAB]  }
0x28: {  	s2 =	sld [smem:$0x3FAC]  }
0x29: {  	s4 =	sld [smem:$0x3FAE]  }
0x2a: {  	p0 =	seq.s32 s5, $0x0;
	s5 =	sld [smem:$0x3FAF]  }
0x2b: {  	s6 =	sld [smem:$0x3FB0]  }
0x2c: {  	s7 =	sld [smem:$0x3FB1]  }
0x2d: {  	s3 =	simm.s32 $0x108;
	s8 =	sld [smem:$0x3FB2]  }
0x2e: {  	s3 =	simm.s32 @!p0 $0x1082;
	s9 =	sld [smem:$0x3FB3]  }
0x2f: {  	lr =	sadd.s32 s0, s3;
	s0 =	sld [smem:$0x3FAA]  }
0x30: {  	s3 =	sld [smem:$0x3FAD]  }
0x31: {  	[smem:$0x3FB6] =	sst s10  }
0x32: {  	s10 =	sld [smem:$0x3FB4];
	_ =	sdelay $0x3  }
0x33: {  	p0 =	seq.s32 s10, $0x1;
	s10 =	sld [smem:$0x3FB6];
	_ =	sdelay $0x3  }
0x34: {  	[smem:$0x3FB6] =	sst s10  }
0x35: {  	s10 =	sld [smem:$0x3FB5];
	_ =	sdelay $0x3  }
0x36: {  	p1 =	seq.s32 s10, $0x1;
	s10 =	sld [smem:$0x3FB6];
	_ =	sdelay $0x3  }
0x37: {  	[smem:$0x3FB6] =	sst s10  }
0x38: {  	s10 =	sld [smem:$0x3FB7]  }
0x39: {  	_ = 	snop;
	(pc) =	sbr.ind lr, $3  }
0x3a: {  	_ = 	snop  }
0x3b: {  	_ = 	snop  }
0x3c: {  	p2 =	seq.s32 s10, $0x1;
	s10 =	sld [smem:$0x3FB6]  }
0x3d: {  	_ =	shalt  }
0x3e: {  	_ =	shalt  }
0x3f: {  	_ =	shalt  }
0x40: {  	_ =	shalt  }
0x41: {  	_ =	shalt  }
0x42: {  	_ =	shalt  }
0x43: {  	_ =	shalt  }
0x44: {  	_ =	shalt  }
0x45: {  	_ =	shalt  }
0x46: {  	_ =	shalt  }
0x47: {  	_ =	shalt  }
0x48: {  	_ =	shalt  }
0x49: {  	_ =	shalt  }
0x4a: {  	_ =	shalt  }
0x4b: {  	_ =	shalt  }
0x4c: {  	_ =	shalt  }
0x4d: {  	_ =	shalt  }
0x4e: {  	_ =	shalt  }
0x4f: {  	_ =	shalt  }
0x50: {  	_ =	shalt  }
0x51: {  	_ =	shalt  }
0x52: {  	_ =	shalt  }
0x53: {  	_ =	shalt  }
0x54: {  	_ =	shalt  }
0x55: {  	_ =	shalt  }
0x56: {  	_ =	shalt  }
0x57: {  	_ =	shalt  }
0x58: {  	_ =	shalt  }
0x59: {  	_ =	shalt  }
0x5a: {  	_ =	shalt  }
0x5b: {  	_ =	shalt  }
0x5c: {  	_ =	shalt  }
0x5d: {  	_ =	shalt  }
0x5e: {  	_ =	shalt  }
0x5f: {  	_ =	shalt  }
0x60: {  	_ =	shalt  }
0x61: {  	_ =	shalt  }
0x62: {  	_ =	shalt  }
0x63: {  	_ =	shalt  }
0x64: {  	_ =	shalt  }
0x65: {  	_ =	shalt  }
0x66: {  	_ =	shalt  }
0x67: {  	_ =	shalt  }
0x68: {  	_ =	shalt  }
0x69: {  	_ =	shalt  }
0x6a: {  	_ =	shalt  }
0x6b: {  	_ =	shalt  }
0x6c: {  	_ =	shalt  }
0x6d: {  	_ =	shalt  }
0x6e: {  	_ =	shalt  }
0x6f: {  	_ =	shalt  }
0x70: {  	_ =	shalt  }
0x71: {  	_ =	shalt  }
0x72: {  	_ =	shalt  }
0x73: {  	_ =	shalt  }
0x74: {  	_ =	shalt  }
0x75: {  	_ =	shalt  }
0x76: {  	_ =	shalt  }
0x77: {  	_ =	shalt  }
0x78: {  	_ =	shalt  }
0x79: {  	_ =	shalt  }
0x7a: {  	_ =	shalt  }
0x7b: {  	_ =	shalt  }
0x7c: {  	_ =	shalt  }
0x7d: {  	_ =	shalt  }
0x7e: {  	_ =	shalt  }
0x7f: {  	_ =	shalt  }
0x80: {  	_ =	shalt  }
0x81: {  	_ =	shalt  }
0x82: {  	_ =	shalt  }
0x83: {  	_ =	shalt  }
0x84: {  	_ =	shalt  }
0x85: {  	_ =	shalt  }
0x86: {  	_ =	shalt  }
0x87: {  	_ =	shalt  }
.Lfunc_end0:
.L_simem_size_0:
called_computation.1_lowered:
.L_overlay_start_0:
0x88: {  	s2 =	sld [smem:$0x3FD9]  }
0x89: {  	s3 =	sld [smem:$0x3FFE];
	_ =	sdelay $0x1  }
0x8a: {  	s1 =	srdreg.scid  }
0x8b: {  	s0 =	sand.u32 $0x1, s1  }
0x8c: {  	s16 =	sshll.u32 s0, $0xA;
	s2 =	sadd.s32 s3, s2  }
0x8d: {  	s2 =	sadd.s32 s2, s16  }
0x8e: {  	[smem:$0x3FC2] =	sst s2  }
0x8f: {  	_ = 	snop  }
0x90: {  	(tm) =	ssettm $0x1  }
0x91: {  	s17 =	sld [smem:$0x3FFB];
	_ =	sdelay $0x3  }
0x92: {  	_ =	strace s17  }
0x93: {  	s2 =	sld [smem:$0x3FFC];
	_ =	sdelay $0x3  }
0x94: {  	_ =	strace s2  }
0x95: {  	s2 =	sld [smem:$0x3FFD];
	_ =	sdelay $0x3  }
0x96: {  	_ =	strace s2  }
0x97: {  	_ =	strace $0x8FFFFFFF  }
0x98: {  	s18 =	sld [smem:$0x3FDB];
	_ =	sdelay $0x1  }
0x99: {  	s19 =	simm.s32 $_scs_section_size  }
0x9a: {  	s4 =	simm.s32 $_size__tile_overlayer_lowered;
	s5 =	simm.s32 $_tile_overlayer_lowered  }
0x9b: {  	s22 =	simm.s32 $0x1BFF;
	s21 =	sshll.u32 s5, $0x1;
	s2 =	sadd.s32 s19, s18  }
0x9c: {  	s6 =	simm.s32 $0x0;
	s20 =	sshll.u32 s4, $0x1;
	s4 =	sadd.s32 s21, s2  }
0x9d: {  	[timem:s6], [sflag:s22] =	dma.local [hbm:s4], s20  }
0x9e: {  	_ =	swait.ge [sflag:s22], s20  }
0x9f: {  	s3 =	ssub.s32 $0x0, s20;
	[sflag:s22] =	ssyncset.done $0x0  }
0xa0: {  	[sflag:s22] =	ssyncadd.s32 s3;
	_ =	sdelay $0x1  }
0xa1: {  	s23 =	simm.s32 $0x1B8B  }
0xa2: {  	_ =	swait.ge [sflag:s23], $0x1  }
0xa3: {  	[sflag:s23] =	ssyncset.done $0x0  }
0xa4: {  	s25 =	simm.s32 $0x1B8E;
	s24 =	sld [smem:$0x3FFE];
	[sflag:s23] =	ssyncadd.s32 $0xFFFFFFFF  }
0xa5: {  	s26 =	simm.s32 $execute0_lowered;
	[smem:$0x3FD2] =	sst s25  }
0xa6: {  	s4 =	sshll.u32 s26, $0x1;
	_ =	strace $0x80000049;
	[dreg:$0x1] =	wrdreg $0xFFFFFFFF  }
0xa7: {  	s28 =	simm.s32 $_size_execute0_lowered;
	s2 =	sadd.s32 s2, s4;
	[dreg:$0x0] =	wrdreg $0x0  }
0xa8: {  	s4 =	sshll.u32 s28, $0x1;
	[dreg:$0x2] =	wrdreg s2  }
0xa9: {  	[dreg:$0x3] =	wrdreg s4  }
0xaa: {  	[dreg:$0x4] =	wrdreg $0xC0  }
0xab: {  	_ =	task [dreg:s6], $0x5FFFF  }
0xac: {  	[dreg:$0x1] =	wrdreg $0xFFFFFFFF  }
0xad: {  	[dreg:$0x0] =	wrdreg $0x60  }
0xae: {  	[dreg:$0x2] =	wrdreg s24  }
0xaf: {  	[dreg:$0x3] =	wrdreg $0x0  }
0xb0: {  	[dreg:$0x4] =	wrdreg $0x9  }
0xb1: {  	_ =	task.clear_ibuf [dreg:s6], $0x5FFFF;
	_ =	strace $0x90000049  }
0xb2: {  	s29 =	simm.s32 $0x9;
	_ =	strace $0x8000004B  }
0xb3: {  	_ =	swait.ge [sflag:s29], $0x1  }
0xb4: {  	[sflag:s29] =	ssyncadd.s32 $0xFFFFFFFF  }
0xb5: {  	_ =	strace $0x9000004B  }
0xb6: {  	_ =	sfence  }
0xb7: {  	s30 =	sld [smem:$0x0];
	_ =	sdelay $0x2  }
0xb8: {  	s31 =	sshll.u32 s1, $0xD;
	s1 =	sshrl.u32 s1, $0x2  }
0xb9: {  	s3 =	sand.u32 $0x4000, s31;
	s1 =	sadd.s32 s1, s30  }
0xba: {  	s0 =	sor.u32 s3, s0;
	s1 =	sshll.u32 s1, $0x11  }
0xbb: {  	s0 =	sor.u32 s1, s0  }
0xbc: {  	s0 =	sadd.s32 $0x8F2B, s0  }
0xbd: {  	[sflag:s0] =	ssyncadd.remote.s32 $0x1  }
0xbe: {  	_ =	sfence.sel $0xFFFF  }
0xbf: {  	[dreg:$0x0] =	wrdreg $0xFFFFFFFF;
	(pc) =	sbr.abs _section_cstart, $3  }
0xc0: {  	[dreg:$0x1] =	wrdreg $0xFFFFFFFF  }
0xc1: {  	_ =	task.clear_ibuf [dreg:s6], $0x2FFFF;
	_ =	strace $0x9FFFFFFF  }
0xc2: {  	(tm) =	ssettm $0x7FFFFFFF  }
0xc3: {  	_ =	shalt  }
tec
execute0_lowered:
.L_overlay_start_1:
0x0: {  	(tag) =	ssettag $0x1  }
0x1: {  	s1 =	rddreg [dreg:$0x0]  }
0x2: {  	s0 =	srdreg.scid;
	s2 =	rddreg [dreg:$0x1]  }
0x3: {  	s9 =	stileid.u32;
	s3 =	simm.s32 $0x0;
	s28 =	simm.s32 $0x80  }
0x4: {  	s30 =	simm.s32 $0x8000;
	s29 =	simm.s32 $0x1;
	s31 =	simm.s32 $0x2  }
0x5: {  	s10 =	simm.s32 $0x8;
	s0 =	sand.u32 $0x1, s0;
	[smem:$0x7FF] =	sst s3  }
0x6: {  	s8 =	smul.u32 $0xA000, s9;
	s4 =	sshll.u32 s0, $0x4;
	_ =	strace $0x8000004A  }
0x7: {  	s6 =	ssub.s32 $0x2, s0;
	s0 =	smul.u32 $0x28000, s0;
	s4 =	sor.u32 s9, s4  }
0x8: {  	s7 =	sshrl.u32 s6, $0x1;
	s9 =	smul.u32 $0x2800, s9;
	s12 =	sshrl.u32 s8, $0x2  }
0x9: {  	s8 =	simm.s32 $0x6;
	s5 =	smul.u32 $0x500, s4;
	s4 =	sadd.s32 $0x15600, s1  }
0xa: {  	s6 =	ssub.s32 s6, s7;
	s7 =	sadd.s32 s12, s2;
	s13 =	sadd.s32 s9, s2  }
0xb: {  	s14 =	smax.u32 s6, $0x1;
	s15 =	sadd.s32 $0x800, s7;
	s16 =	sadd.s32 $0x1000, s7  }
0xc: {  	s17 =	sadd.s32 s0, s9;
	s18 =	sadd.s32 $0x1800, s7;
	[dreg:$0x5] =	wrdreg s13  }
0xd: {  	s19 =	sadd.s32 $0x800, s9;
	s20 =	sadd.s32 $0x2000, s7;
	[dreg:$0x6] =	wrdreg s14  }
0xe: {  	s22 =	sadd.s32 $0x1000, s9;
	s24 =	sadd.s32 $0x1800, s9;
	[dreg:$0x7] =	wrdreg s15  }
0xf: {  	s25 =	sadd.s32 $0x2000, s9;
	s6 =	simm.s32 $0x5;
	[dreg:$0x8] =	wrdreg s16  }
0x10: {  	s9 =	simm.s32 $0x7;
	s5 =	sadd.s32 s5, s1;
	[dreg:$0x9] =	wrdreg s18  }
0x11: {  	s1 =	sadd.s32 $0x1A600, s1;
	[dreg:$0xa] =	wrdreg s20;
	s21 =	sadd.s32 s0, s19  }
0x12: {  	s15 =	sadd.s32 s19, s2;
	s23 =	sadd.s32 s0, s22;
	s26 =	sadd.s32 s0, s24  }
0x13: {  	s0 =	sadd.s32 s0, s25;
	s19 =	sadd.s32 s24, s2;
	s11 =	sadd.s32 $0x1600, s5  }
0x14: {  	s24 =	simm.s32 $0x9;
	s5 =	sadd.s32 $0xB600, s5;
	[dreg:$0x3] =	wrdreg s11  }
0x15: {  	s0 =	sshrl.u32 s0, $0x3;
	[dreg:$0x4] =	wrdreg s5;
	s5 =	sshrl.u32 s17, $0x3  }
0x16: {  	s17 =	sadd.s32 s22, s2;
	s22 =	sadd.s32 s1, s0;
	s5 =	sadd.s32 s1, s5  }
0x17: {  	s0 =	simm.s32 $0x8800;
	s11 =	simm.s32 $0x0;
	[dreg:$0xb] =	wrdreg s5  }
0x18: {  	s5 =	sshrl.u32 s21, $0x3;
	s21 =	sadd.s32 s25, s2;
	s25 =	simm.s32 $0x9000  }
0x19: {  	s16 =	sadd.s32 s1, s5;
	s5 =	sshrl.u32 s23, $0x3;
	s23 =	simm.s32 $0x2800  }
0x1a: {  	s18 =	sadd.s32 s1, s5;
	s5 =	sshrl.u32 s26, $0x3;
	s26 =	simm.s32 $0x7800  }
0x1b: {  	v0 =	vimm.f32 $0.0e+00;
	s20 =	sadd.s32 s1, s5;
	s1 =	simm.s32 $0x3;
	s5 =	simm.s32 $0x4  }
.LBB2_1:
0x1c: {  	s12 =	rddreg [dreg:$0x3]  }
0x1d: {  	[tilespmem:s23], [sflag:$0x9] =	stream.linear.gather [hbm4b:s12+s3], $0x2800, $0x38;
	[tilespmem:$0x9800] =	vst v63  }
0x1e: {  	_ =	swait.ge [sflag:s24], $0x2800  }
0x1f: {  	[sflag:s24] =	ssyncset.done $0x0  }
0x20: {  	s13 =	simm.s32 $0x5000;
	s14 =	rddreg [dreg:$0x4];
	[sflag:s24] =	ssyncadd.s32 $0xFFFFD800  }
0x21: {  	[tilespmem:s13], [sflag:$0x9] =	stream.linear.gather [hbm4b:s14+s3], $0x2800, $0x38;
	[tilespmem:$0x9800] =	vst v63  }
0x22: {  	_ =	swait.ge [sflag:s24], $0x2800  }
0x23: {  	[sflag:s24] =	ssyncset.done $0x0  }
0x24: {  	s12 =	simm.s32 $0x40;
	s13 =	simm.s32 $0x0;
	[sflag:s24] =	ssyncadd.s32 $0xFFFFD800  }
.LBB2_2:
0x25: {  	p0 =	sne.s32 s12, $0x1FC0;
	[tilespmem:s13+$0x7800] =	vst v0;
	s13 =	smov.u32 s12;
	s12 =	sadd.s32 $0x40, s12  }
.Ltmp0:
0x26: {  	(pc) =	sbr.rel @p0 .LBB2_2-.Ltmp0, $2  }
0x27: {  	_ =	sdelay $0x2  }
0x28: {  	s13 =	sshra.s32 s13, $0x2  }
0x29: {  	[tilespmem:s13+$0x7800] =	vst v0  }
0x2a: {  	[spmem:s7] =	stream.linear.scatter [tilespmem:s26], [sflag:$0x9], $0x800, $0x38;
	[tilespmem:$0x9800] =	vst v63  }
0x2b: {  	_ =	swait.ge [sflag:s24], $0x800  }
0x2c: {  	[sflag:s24] =	ssyncset.done $0x0  }
0x2d: {  	s12 =	rddreg [dreg:$0x7];
	[sflag:s24] =	ssyncadd.s32 $0xFFFFF800  }
0x2e: {  	[spmem:s12] =	stream.linear.scatter [tilespmem:s26], [sflag:$0x9], $0x800, $0x38;
	[tilespmem:$0x9800] =	vst v63  }
0x2f: {  	_ =	swait.ge [sflag:s24], $0x800  }
0x30: {  	[sflag:s24] =	ssyncset.done $0x0  }
0x31: {  	s14 =	rddreg [dreg:$0x8];
	[sflag:s24] =	ssyncadd.s32 $0xFFFFF800  }
0x32: {  	[spmem:s14] =	stream.linear.scatter [tilespmem:s26], [sflag:$0x9], $0x800, $0x38;
	[tilespmem:$0x9800] =	vst v63  }
0x33: {  	_ =	swait.ge [sflag:s24], $0x800  }
0x34: {  	[sflag:s24] =	ssyncset.done $0x0  }
0x35: {  	s13 =	rddreg [dreg:$0x9];
	[sflag:s24] =	ssyncadd.s32 $0xFFFFF800  }
0x36: {  	[spmem:s13] =	stream.linear.scatter [tilespmem:s26], [sflag:$0x9], $0x800, $0x38;
	[tilespmem:$0x9800] =	vst v63  }
0x37: {  	_ =	swait.ge [sflag:s24], $0x800  }
0x38: {  	[sflag:s24] =	ssyncset.done $0x0  }
0x39: {  	s14 =	rddreg [dreg:$0xa];
	[sflag:s24] =	ssyncadd.s32 $0xFFFFF800  }
0x3a: {  	[spmem:s14] =	stream.linear.scatter [tilespmem:s26], [sflag:$0x9], $0x800, $0x38;
	[tilespmem:$0x9800] =	vst v63  }
0x3b: {  	_ =	swait.ge [sflag:s24], $0x800  }
0x3c: {  	[sflag:s24] =	ssyncset.done $0x0  }
0x3d: {  	[sflag:s24] =	ssyncadd.s32 $0xFFFFF800  }
0x3e: {  	[bflag:$0x0] =	sbarrier.arrive $0xFFFF  }
0x3f: {  	[tilespmem:s26], [sflag:$0x1] =	stream.indirect.gather [hbm4b:s4+s28], $0x10, s23, s28, $0xb8;
	[tilespmem:$0x9800] =	vst v63  }
0x40: {  	s13 =	simm.s32 $0x2880  }
0x41: {  	[tilespmem:s30], [sflag:$0x2] =	stream.indirect.gather [hbm4b:s4+s28], $0x10, s13, s28, $0xb8;
	[tilespmem:$0x9800] =	vst v63  }
0x42: {  	s14 =	simm.s32 $0x2900  }
0x43: {  	[tilespmem:s0], [sflag:$0x3] =	stream.indirect.gather [hbm4b:s4+s28], $0x10, s14, s28, $0xb8;
	[tilespmem:$0x9800] =	vst v63  }
0x44: {  	s13 =	simm.s32 $0x2980  }
0x45: {  	[tilespmem:s25], [sflag:$0x4] =	stream.indirect.gather [hbm4b:s4+s28], $0x10, s13, s28, $0xb8;
	[tilespmem:$0x9800] =	vst v63  }
0x46: {  	_ =	swait.ge [sflag:s29], $0x800  }
0x47: {  	[sflag:s29] =	ssyncset.done $0x0  }
0x48: {  	s14 =	simm.s32 $0x5000;
	[sflag:s29] =	ssyncadd.s32 $0xFFFFF800  }
0x49: {  	[spmem:s2] =	stream.indirect.scatter.add.f32 [tilespmem:s26], [sflag:$0x5], $0x10, s14, s28, $0xb8;
	[tilespmem:$0x9800] =	vst v63  }
0x4a: {  	_ =	swait.ge [sflag:s31], $0x800  }
0x4b: {  	[sflag:s31] =	ssyncset.done $0x0  }
0x4c: {  	s13 =	simm.s32 $0x5080;
	[sflag:s31] =	ssyncadd.s32 $0xFFFFF800  }
0x4d: {  	[spmem:s2] =	stream.indirect.scatter.add.f32 [tilespmem:s30], [sflag:$0x6], $0x10, s13, s28, $0xb8;
	[tilespmem:$0x9800] =	vst v63  }
0x4e: {  	_ =	swait.ge [sflag:s1], $0x800  }
0x4f: {  	[sflag:s1] =	ssyncset.done $0x0  }
0x50: {  	s14 =	simm.s32 $0x5100;
	[sflag:s1] =	ssyncadd.s32 $0xFFFFF800  }
0x51: {  	[spmem:s2] =	stream.indirect.scatter.add.f32 [tilespmem:s0], [sflag:$0x7], $0x10, s14, s28, $0xb8;
	[tilespmem:$0x9800] =	vst v63  }
0x52: {  	_ =	swait.ge [sflag:s5], $0x800  }
0x53: {  	[sflag:s5] =	ssyncset.done $0x0  }
0x54: {  	s13 =	simm.s32 $0x5180;
	[sflag:s5] =	ssyncadd.s32 $0xFFFFF800  }
0x55: {  	[spmem:s2] =	stream.indirect.scatter.add.f32 [tilespmem:s25], [sflag:$0x8], $0x10, s13, s28, $0xb8;
	[tilespmem:$0x9800] =	vst v63  }
0x56: {  	_ =	swait.ge [sflag:s6], $0x800  }
0x57: {  	[sflag:s6] =	ssyncset.done $0x0  }
0x58: {  	s14 =	simm.s32 $0x2A00;
	[sflag:s6] =	ssyncadd.s32 $0xFFFFF800  }
0x59: {  	[tilespmem:s26], [sflag:$0x1] =	stream.indirect.gather [hbm4b:s4+s28], $0x10, s14, s28, $0xb8;
	[tilespmem:$0x9800] =	vst v63  }
0x5a: {  	_ =	swait.ge [sflag:s8], $0x800  }
0x5b: {  	[sflag:s8] =	ssyncset.done $0x0  }
0x5c: {  	s13 =	simm.s32 $0x2A80;
	[sflag:s8] =	ssyncadd.s32 $0xFFFFF800  }
0x5d: {  	[tilespmem:s30], [sflag:$0x2] =	stream.indirect.gather [hbm4b:s4+s28], $0x10, s13, s28, $0xb8;
	[tilespmem:$0x9800] =	vst v63  }
0x5e: {  	_ =	swait.ge [sflag:s9], $0x800  }
0x5f: {  	[sflag:s9] =	ssyncset.done $0x0  }
0x60: {  	s14 =	simm.s32 $0x2B00;
	[sflag:s9] =	ssyncadd.s32 $0xFFFFF800  }
0x61: {  	[tilespmem:s0], [sflag:$0x3] =	stream.indirect.gather [hbm4b:s4+s28], $0x10, s14, s28, $0xb8;
	[tilespmem:$0x9800] =	vst v63  }
0x62: {  	_ =	swait.ge [sflag:s10], $0x800  }
0x63: {  	[sflag:s10] =	ssyncset.done $0x0  }
0x64: {  	s12 =	simm.s32 $0x800;
	s13 =	simm.s32 $0x2B80;
	[sflag:s10] =	ssyncadd.s32 $0xFFFFF800  }
.LBB2_4:
0x65: {  	[tilespmem:s25], [sflag:$0x4] =	stream.indirect.gather [hbm4b:s4+s28], $0x10, s13, s28, $0xb8;
	[tilespmem:$0x9800] =	vst v63  }
0x66: {  	s13 =	smov.u32 s12  }
0x67: {  	p0 =	sne.s32 s12, $0x9000;
	s12 =	sadd.s32 $0x800, s12;
	_ =	swait.ge [sflag:s29], $0x800  }
0x68: {  	s13 =	sshra.s32 s13, $0x2;
	[sflag:s29] =	ssyncset.done $0x0  }
0x69: {  	s14 =	sadd.s32 $0x5000, s13;
	[sflag:s29] =	ssyncadd.s32 $0xFFFFF800  }
0x6a: {  	[spmem:s2] =	stream.indirect.scatter.add.f32 [tilespmem:s26], [sflag:$0x5], $0x10, s14, s28, $0xb8;
	[tilespmem:$0x9800] =	vst v63  }
0x6b: {  	_ =	swait.ge [sflag:s31], $0x800  }
0x6c: {  	[sflag:s31] =	ssyncset.done $0x0  }
0x6d: {  	s14 =	sadd.s32 $0x5080, s13;
	[sflag:s31] =	ssyncadd.s32 $0xFFFFF800  }
0x6e: {  	[spmem:s2] =	stream.indirect.scatter.add.f32 [tilespmem:s30], [sflag:$0x6], $0x10, s14, s28, $0xb8;
	[tilespmem:$0x9800] =	vst v63  }
0x6f: {  	_ =	swait.ge [sflag:s1], $0x800  }
0x70: {  	[sflag:s1] =	ssyncset.done $0x0  }
0x71: {  	s14 =	sadd.s32 $0x5100, s13;
	[sflag:s1] =	ssyncadd.s32 $0xFFFFF800  }
0x72: {  	[spmem:s2] =	stream.indirect.scatter.add.f32 [tilespmem:s0], [sflag:$0x7], $0x10, s14, s28, $0xb8;
	[tilespmem:$0x9800] =	vst v63  }
0x73: {  	_ =	swait.ge [sflag:s5], $0x800  }
0x74: {  	[sflag:s5] =	ssyncset.done $0x0  }
0x75: {  	s14 =	sadd.s32 $0x5180, s13;
	[sflag:s5] =	ssyncadd.s32 $0xFFFFF800  }
0x76: {  	[spmem:s2] =	stream.indirect.scatter.add.f32 [tilespmem:s25], [sflag:$0x8], $0x10, s14, s28, $0xb8;
	[tilespmem:$0x9800] =	vst v63  }
0x77: {  	_ =	swait.ge [sflag:s6], $0x800  }
0x78: {  	[sflag:s6] =	ssyncset.done $0x0  }
0x79: {  	s14 =	sadd.s32 $0x2A00, s13;
	[sflag:s6] =	ssyncadd.s32 $0xFFFFF800  }
0x7a: {  	[tilespmem:s26], [sflag:$0x1] =	stream.indirect.gather [hbm4b:s4+s28], $0x10, s14, s28, $0xb8;
	[tilespmem:$0x9800] =	vst v63  }
0x7b: {  	_ =	swait.ge [sflag:s8], $0x800  }
0x7c: {  	[sflag:s8] =	ssyncset.done $0x0  }
0x7d: {  	s14 =	sadd.s32 $0x2A80, s13;
	[sflag:s8] =	ssyncadd.s32 $0xFFFFF800  }
0x7e: {  	[tilespmem:s30], [sflag:$0x2] =	stream.indirect.gather [hbm4b:s4+s28], $0x10, s14, s28, $0xb8;
	[tilespmem:$0x9800] =	vst v63  }
0x7f: {  	_ =	swait.ge [sflag:s9], $0x800  }
0x80: {  	[sflag:s9] =	ssyncset.done $0x0  }
.Ltmp1:
0x81: {  	s14 =	sadd.s32 $0x2B00, s13;
	[sflag:s9] =	ssyncadd.s32 $0xFFFFF800;
	(pc) =	sbr.rel @p0 .LBB2_4-.Ltmp1, $4  }
0x82: {  	[tilespmem:s0], [sflag:$0x3] =	stream.indirect.gather [hbm4b:s4+s28], $0x10, s14, s28, $0xb8;
	[tilespmem:$0x9800] =	vst v63  }
0x83: {  	_ =	swait.ge [sflag:s10], $0x800  }
0x84: {  	[sflag:s10] =	ssyncset.done $0x0  }
0x85: {  	s13 =	sadd.s32 $0x2B80, s13;
	[sflag:s10] =	ssyncadd.s32 $0xFFFFF800  }
0x86: {  	[tilespmem:s25], [sflag:$0x4] =	stream.indirect.gather [hbm4b:s4+s28], $0x10, s13, s28, $0xb8;
	[tilespmem:$0x9800] =	vst v63  }
0x87: {  	_ =	swait.ge [sflag:s29], $0x800  }
0x88: {  	[sflag:s29] =	ssyncset.done $0x0  }
0x89: {  	s12 =	simm.s32 $0x7600;
	[sflag:s29] =	ssyncadd.s32 $0xFFFFF800  }
0x8a: {  	[spmem:s2] =	stream.indirect.scatter.add.f32 [tilespmem:s26], [sflag:$0x5], $0x10, s12, s28, $0xb8;
	[tilespmem:$0x9800] =	vst v63  }
0x8b: {  	_ =	swait.ge [sflag:s31], $0x800  }
0x8c: {  	[sflag:s31] =	ssyncset.done $0x0  }
0x8d: {  	s13 =	simm.s32 $0x7680;
	[sflag:s31] =	ssyncadd.s32 $0xFFFFF800  }
0x8e: {  	[spmem:s2] =	stream.indirect.scatter.add.f32 [tilespmem:s30], [sflag:$0x6], $0x10, s13, s28, $0xb8;
	[tilespmem:$0x9800] =	vst v63  }
0x8f: {  	_ =	swait.ge [sflag:s1], $0x800  }
0x90: {  	[sflag:s1] =	ssyncset.done $0x0  }
0x91: {  	s14 =	simm.s32 $0x7700;
	[sflag:s1] =	ssyncadd.s32 $0xFFFFF800  }
0x92: {  	[spmem:s2] =	stream.indirect.scatter.add.f32 [tilespmem:s0], [sflag:$0x7], $0x10, s14, s28, $0xb8;
	[tilespmem:$0x9800] =	vst v63  }
0x93: {  	_ =	swait.ge [sflag:s5], $0x800  }
0x94: {  	[sflag:s5] =	ssyncset.done $0x0  }
0x95: {  	s13 =	simm.s32 $0x7780;
	[sflag:s5] =	ssyncadd.s32 $0xFFFFF800  }
0x96: {  	[spmem:s2] =	stream.indirect.scatter.add.f32 [tilespmem:s25], [sflag:$0x8], $0x10, s13, s28, $0xb8;
	[tilespmem:$0x9800] =	vst v63  }
0x97: {  	_ =	swait.ge [sflag:s6], $0x800  }
0x98: {  	[sflag:s6] =	ssyncset.done $0x0  }
0x99: {  	[sflag:s6] =	ssyncadd.s32 $0xFFFFF800  }
0x9a: {  	_ =	swait.ge [sflag:s8], $0x800  }
0x9b: {  	[sflag:s8] =	ssyncset.done $0x0  }
0x9c: {  	[sflag:s8] =	ssyncadd.s32 $0xFFFFF800  }
0x9d: {  	_ =	swait.ge [sflag:s9], $0x800  }
0x9e: {  	[sflag:s9] =	ssyncset.done $0x0  }
0x9f: {  	[sflag:s9] =	ssyncadd.s32 $0xFFFFF800  }
0xa0: {  	_ =	swait.ge [sflag:s10], $0x800  }
0xa1: {  	[sflag:s10] =	ssyncset.done $0x0  }
0xa2: {  	[sflag:s10] =	ssyncadd.s32 $0xFFFFF800  }
0xa3: {  	[bflag:$0x0] =	sbarrier.arrive $0xFFFF  }
0xa4: {  	s14 =	rddreg [dreg:$0x5]  }
0xa5: {  	[tilespmem:s26], [sflag:$0x9] =	stream.linear.gather [spmem:s14], $0x800, $0x38;
	[tilespmem:$0x9800] =	vst v63  }
0xa6: {  	_ =	swait.ge [sflag:s24], $0x800  }
0xa7: {  	[sflag:s24] =	ssyncset.done $0x0  }
0xa8: {  	s13 =	rddreg [dreg:$0xb];
	[sflag:s24] =	ssyncadd.s32 $0xFFFFF800  }
0xa9: {  	[hbm4b:s13+s3] =	stream.linear.scatter [tilespmem:s26], [sflag:$0x9], $0x800, $0x38;
	[tilespmem:$0x9800] =	vst v63  }
0xaa: {  	_ =	swait.ge [sflag:s24], $0x800  }
0xab: {  	[sflag:s24] =	ssyncset.done $0x0  }
0xac: {  	[sflag:s24] =	ssyncadd.s32 $0xFFFFF800  }
0xad: {  	[tilespmem:s26], [sflag:$0x9] =	stream.linear.gather [spmem:s15], $0x800, $0x38;
	[tilespmem:$0x9800] =	vst v63  }
0xae: {  	_ =	swait.ge [sflag:s24], $0x800  }
0xaf: {  	[sflag:s24] =	ssyncset.done $0x0  }
0xb0: {  	[sflag:s24] =	ssyncadd.s32 $0xFFFFF800  }
0xb1: {  	[hbm4b:s16+s3] =	stream.linear.scatter [tilespmem:s26], [sflag:$0x9], $0x800, $0x38;
	[tilespmem:$0x9800] =	vst v63  }
0xb2: {  	_ =	swait.ge [sflag:s24], $0x800  }
0xb3: {  	[sflag:s24] =	ssyncset.done $0x0  }
0xb4: {  	[sflag:s24] =	ssyncadd.s32 $0xFFFFF800  }
0xb5: {  	[tilespmem:s26], [sflag:$0x9] =	stream.linear.gather [spmem:s17], $0x800, $0x38;
	[tilespmem:$0x9800] =	vst v63  }
0xb6: {  	_ =	swait.ge [sflag:s24], $0x800  }
0xb7: {  	[sflag:s24] =	ssyncset.done $0x0  }
0xb8: {  	[sflag:s24] =	ssyncadd.s32 $0xFFFFF800  }
0xb9: {  	[hbm4b:s18+s3] =	stream.linear.scatter [tilespmem:s26], [sflag:$0x9], $0x800, $0x38;
	[tilespmem:$0x9800] =	vst v63  }
0xba: {  	_ =	swait.ge [sflag:s24], $0x800  }
0xbb: {  	[sflag:s24] =	ssyncset.done $0x0  }
0xbc: {  	[sflag:s24] =	ssyncadd.s32 $0xFFFFF800  }
0xbd: {  	[tilespmem:s26], [sflag:$0x9] =	stream.linear.gather [spmem:s19], $0x800, $0x38;
	[tilespmem:$0x9800] =	vst v63  }
0xbe: {  	_ =	swait.ge [sflag:s24], $0x800  }
0xbf: {  	[sflag:s24] =	ssyncset.done $0x0  }
0xc0: {  	[sflag:s24] =	ssyncadd.s32 $0xFFFFF800  }
0xc1: {  	[hbm4b:s20+s3] =	stream.linear.scatter [tilespmem:s26], [sflag:$0x9], $0x800, $0x38;
	[tilespmem:$0x9800] =	vst v63  }
0xc2: {  	_ =	swait.ge [sflag:s24], $0x800  }
0xc3: {  	[sflag:s24] =	ssyncset.done $0x0  }
0xc4: {  	[sflag:s24] =	ssyncadd.s32 $0xFFFFF800  }
0xc5: {  	[tilespmem:s26], [sflag:$0x9] =	stream.linear.gather [spmem:s21], $0x800, $0x38;
	[tilespmem:$0x9800] =	vst v63  }
0xc6: {  	_ =	swait.ge [sflag:s24], $0x800  }
0xc7: {  	[sflag:s24] =	ssyncset.done $0x0  }
0xc8: {  	[sflag:s24] =	ssyncadd.s32 $0xFFFFF800  }
0xc9: {  	[hbm4b:s22+s3] =	stream.linear.scatter [tilespmem:s26], [sflag:$0x9], $0x800, $0x38;
	[tilespmem:$0x9800] =	vst v63  }
0xca: {  	_ =	swait.ge [sflag:s24], $0x800  }
0xcb: {  	s11 =	sadd.s32 $0x1, s11;
	s14 =	rddreg [dreg:$0x6]  }
0xcc: {  	p0 =	sne.s32 s11, s14  }
.Ltmp2:
0xcd: {  	_ = 	snop;
	(pc) =	sbr.rel @p0 .LBB2_1-.Ltmp2, $3  }
0xce: {  	_ =	sdelay $0x1  }
0xcf: {  	[sflag:s24] =	ssyncset.done $0x0  }
0xd0: {  	[sflag:s24] =	ssyncadd.s32 $0xFFFFF800  }
0xd1: {  	_ =	sfence.sel $0x180000  }
0xd2: {  	[bflag:$0x0] =	sbarrier.arrive $0xFFFF  }
0xd3: {  	_ =	strace $0x9000004A  }
0xd4: {  	s0 =	stileid.u32;
	[bflag:$0x2] =	sbarrier.arrive $0xFFFF  }
0xd5: {  	p0 =	sne.s32 s0, $0x0;
	s0 =	rddreg [dreg:$0x2]  }
0xd6: {  	s0 =	sadd.s32 @!p0 $0x100000, s0  }
0xd7: {  	[sflag:s0] =	ssyncadd.tile.s32 @!p0 $0x1;
	_ =	shalt  }
.Lfunc_end2:
_tile_overlayer_lowered:
.L_overlay_start_2:
0xd8: {  	(tag) =	ssettag $0x2  }
0xd9: {  	s0 =	rddreg [dreg:$0x0];
	s2 =	stileid.u32  }
0xda: {  	s1 =	rddreg [dreg:$0x1];
	p0 =	sne.s32 s2, $0x0  }
0xdb: {  	s3 =	rddreg [dreg:$0x2];
	[bflag:$0x3] =	sbarrier.arrive $0xFFFF;
	s2 =	simm.s32 @!p0 $0x1C09  }
0xdc: {  	[timem:s3], [sflag:s2] =	dma.local @!p0 [hbm:s0], s1  }
0xdd: {  	s0 =	simm.s32 @!p0 $0x9  }
0xde: {  	_ =	swait.ge @!p0 [sflag:s0], s1  }
0xdf: {  	s1 =	ssub.s32 @!p0 $0x0, s1;
	[sflag:s0] =	ssyncset.done @!p0 $0x0  }
0xe0: {  	[sflag:s0] =	ssyncadd.s32 @!p0 s1  }
0xe1: {  	[bflag:$0x3] =	sbarrier.arrive $0xFFFF  }
0xe2: {  	_ =	shalt  }

// kernel: kernel.14.cloned.1.call-start
scs
__scs_entry_jumppad:
0x0: {  	(pc) =	sbr.rel $0x88, $3  }
0x1: {  	(tag) =	ssettag $0x0;
	lr =	simm.s32 $0x1  }
0x2: {  	[smem:$0x3F9B] =	sst lr;
	_ =	strace $0xD0000000  }
0x3: {  	_ = 	snop  }
0x4: {  	_ = 	snop  }
0x5: {  	_ = 	snop  }
0x6: {  	_ = 	snop  }
0x7: {  	_ = 	snop  }
__scs_overlays_trampoline_lowered:
0x8: {  	[smem:$0x3FAA] =	sst s0  }
0x9: {  	[smem:$0x3FAB] =	sst s1  }
0xa: {  	[smem:$0x3FAC] =	sst s2  }
0xb: {  	[smem:$0x3FAD] =	sst s3  }
0xc: {  	[smem:$0x3FAE] =	sst s4  }
0xd: {  	[smem:$0x3FAF] =	sst s5  }
0xe: {  	[smem:$0x3FB0] =	sst s6  }
0xf: {  	[smem:$0x3FB1] =	sst s7  }
0x10: {  	[smem:$0x3FB2] =	sst s8  }
0x11: {  	[smem:$0x3FB3] =	sst s9;
	s0 =	simm.s32 @!p0 $0x0  }
0x12: {  	s1 =	sld [smem:$0x3F99];
	s0 =	simm.s32 @p0 $0x1  }
0x13: {  	[smem:$0x3FB4] =	sst s0;
	s0 =	simm.s32 @!p1 $0x0  }
0x14: {  	s2 =	sld [smem:$0x3F98];
	s0 =	simm.s32 @p1 $0x1  }
0x15: {  	[smem:$0x3FB5] =	sst s0;
	s0 =	simm.s32 @!p2 $0x0  }
0x16: {  	s3 =	sld [smem:$0x3FDB];
	s0 =	simm.s32 @p2 $0x1  }
0x17: {  	s4 =	simm.s32 $0x1BF5;
	[smem:$0x3FB7] =	sst s0  }
0x18: {  	s0 =	sld [smem:$0x3F9A];
	_ =	swait.ge [sflag:s4], $0x0  }
0x19: {  	s7 =	sld [smem:$0x3F9B]  }
0x1a: {  	s8 =	sadd.s32 $0xFFFFE003, lr  }
0x1b: {  	s9 =	sadd.s32 $0xFFFFFEF7, lr;
	s5 =	simm.s32 $0xFFFFFFFF;
	p2 =	slt.u32 s8, $0xFFFFF086  }
0x1c: {  	p1 =	slt.u32 s9, $0xF7A;
	s5 =	simm.s32 @!p2 $0x0  }
0x1d: {  	s5 =	simm.s32 @p1 $0x1;
	p0 =	seq.s32 s7, s2  }
0x1e: {  	s7 =	smul.u32 @!p0 $0xF7A, s2;
	p2 =	seq.s32 @!p0 s5, $0x0  }
0x1f: {  	s9 =	smul.u32 $0xF7A, s1;
	s8 =	simm.s32 @!p0 $0x1BF5;
	p2 =	por !p2, p0  }
0x20: {  	[sflag:s8] =	ssyncset.s32 @!p0 $0xFFFFF086;
	s6 =	sadd.s32 @!p0 s3, s7;
	s7 =	simm.s32 @!p0 $0x108  }
0x21: {  	s3 =	sadd.s32 s3, s9;
	s6 =	sadd.s32 @!p0 $0x88, s6;
	s7 =	simm.s32 @p2 $0x1082  }
0x22: {  	[simem:s7], [sflag:s8] =	dma.local @!p0 [hbm:s6], $0xF7A  }
0x23: {  	s9 =	sor.u32 $0xD0000000, s2;
	s6 =	simm.s32 $0x108;
	_ =	swait.ge @!p0 [sflag:s8], $0x0  }
0x24: {  	s3 =	sadd.s32 $0x88, s3;
	s6 =	simm.s32 @!p1 $0x1082;
	[sflag:s4] =	ssyncset.s32 $0xFFFFF086  }
0x25: {  	[simem:s6], [sflag:s4] =	dma.local [hbm:s3], $0xF7A  }
0x26: {  	[smem:$0x3F9B] =	sst s1;
	(tag) =	ssettag s2;
	_ =	strace s9  }
0x27: {  	s1 =	sld [smem:$0x3FAB]  }
0x28: {  	s2 =	sld [smem:$0x3FAC]  }
0x29: {  	s4 =	sld [smem:$0x3FAE]  }
0x2a: {  	p0 =	seq.s32 s5, $0x0;
	s5 =	sld [smem:$0x3FAF]  }
0x2b: {  	s6 =	sld [smem:$0x3FB0]  }
0x2c: {  	s7 =	sld [smem:$0x3FB1]  }
0x2d: {  	s3 =	simm.s32 $0x108;
	s8 =	sld [smem:$0x3FB2]  }
0x2e: {  	s3 =	simm.s32 @!p0 $0x1082;
	s9 =	sld [smem:$0x3FB3]  }
0x2f: {  	lr =	sadd.s32 s0, s3;
	s0 =	sld [smem:$0x3FAA]  }
0x30: {  	s3 =	sld [smem:$0x3FAD]  }
0x31: {  	[smem:$0x3FB6] =	sst s10  }
0x32: {  	s10 =	sld [smem:$0x3FB4];
	_ =	sdelay $0x3  }
0x33: {  	p0 =	seq.s32 s10, $0x1;
	s10 =	sld [smem:$0x3FB6];
	_ =	sdelay $0x3  }
0x34: {  	[smem:$0x3FB6] =	sst s10  }
0x35: {  	s10 =	sld [smem:$0x3FB5];
	_ =	sdelay $0x3  }
0x36: {  	p1 =	seq.s32 s10, $0x1;
	s10 =	sld [smem:$0x3FB6];
	_ =	sdelay $0x3  }
0x37: {  	[smem:$0x3FB6] =	sst s10  }
0x38: {  	s10 =	sld [smem:$0x3FB7]  }
0x39: {  	_ = 	snop;
	(pc) =	sbr.ind lr, $3  }
0x3a: {  	_ = 	snop  }
0x3b: {  	_ = 	snop  }
0x3c: {  	p2 =	seq.s32 s10, $0x1;
	s10 =	sld [smem:$0x3FB6]  }
0x3d: {  	_ =	shalt  }
0x3e: {  	_ =	shalt  }
0x3f: {  	_ =	shalt  }
0x40: {  	_ =	shalt  }
0x41: {  	_ =	shalt  }
0x42: {  	_ =	shalt  }
0x43: {  	_ =	shalt  }
0x44: {  	_ =	shalt  }
0x45: {  	_ =	shalt  }
0x46: {  	_ =	shalt  }
0x47: {  	_ =	shalt  }
0x48: {  	_ =	shalt  }
0x49: {  	_ =	shalt  }
0x4a: {  	_ =	shalt  }
0x4b: {  	_ =	shalt  }
0x4c: {  	_ =	shalt  }
0x4d: {  	_ =	shalt  }
0x4e: {  	_ =	shalt  }
0x4f: {  	_ =	shalt  }
0x50: {  	_ =	shalt  }
0x51: {  	_ =	shalt  }
0x52: {  	_ =	shalt  }
0x53: {  	_ =	shalt  }
0x54: {  	_ =	shalt  }
0x55: {  	_ =	shalt  }
0x56: {  	_ =	shalt  }
0x57: {  	_ =	shalt  }
0x58: {  	_ =	shalt  }
0x59: {  	_ =	shalt  }
0x5a: {  	_ =	shalt  }
0x5b: {  	_ =	shalt  }
0x5c: {  	_ =	shalt  }
0x5d: {  	_ =	shalt  }
0x5e: {  	_ =	shalt  }
0x5f: {  	_ =	shalt  }
0x60: {  	_ =	shalt  }
0x61: {  	_ =	shalt  }
0x62: {  	_ =	shalt  }
0x63: {  	_ =	shalt  }
0x64: {  	_ =	shalt  }
0x65: {  	_ =	shalt  }
0x66: {  	_ =	shalt  }
0x67: {  	_ =	shalt  }
0x68: {  	_ =	shalt  }
0x69: {  	_ =	shalt  }
0x6a: {  	_ =	shalt  }
0x6b: {  	_ =	shalt  }
0x6c: {  	_ =	shalt  }
0x6d: {  	_ =	shalt  }
0x6e: {  	_ =	shalt  }
0x6f: {  	_ =	shalt  }
0x70: {  	_ =	shalt  }
0x71: {  	_ =	shalt  }
0x72: {  	_ =	shalt  }
0x73: {  	_ =	shalt  }
0x74: {  	_ =	shalt  }
0x75: {  	_ =	shalt  }
0x76: {  	_ =	shalt  }
0x77: {  	_ =	shalt  }
0x78: {  	_ =	shalt  }
0x79: {  	_ =	shalt  }
0x7a: {  	_ =	shalt  }
0x7b: {  	_ =	shalt  }
0x7c: {  	_ =	shalt  }
0x7d: {  	_ =	shalt  }
0x7e: {  	_ =	shalt  }
0x7f: {  	_ =	shalt  }
0x80: {  	_ =	shalt  }
0x81: {  	_ =	shalt  }
0x82: {  	_ =	shalt  }
0x83: {  	_ =	shalt  }
0x84: {  	_ =	shalt  }
0x85: {  	_ =	shalt  }
0x86: {  	_ =	shalt  }
0x87: {  	_ =	shalt  }
.Lfunc_end0:
.L_simem_size_0:
called_computation.2_lowered:
.L_overlay_start_0:
0x88: {  	s2 =	sld [smem:$0x3FD9]  }
0x89: {  	s3 =	sld [smem:$0x3FFE];
	_ =	sdelay $0x1  }
0x8a: {  	s1 =	srdreg.scid  }
0x8b: {  	s0 =	sand.u32 $0x1, s1  }
0x8c: {  	s16 =	sshll.u32 s0, $0xA;
	s2 =	sadd.s32 s3, s2  }
0x8d: {  	s2 =	sadd.s32 s2, s16  }
0x8e: {  	[smem:$0x3FC2] =	sst s2  }
0x8f: {  	_ = 	snop  }
0x90: {  	(tm) =	ssettm $0x1  }
0x91: {  	s17 =	sld [smem:$0x3FFB];
	_ =	sdelay $0x3  }
0x92: {  	_ =	strace s17  }
0x93: {  	s2 =	sld [smem:$0x3FFC];
	_ =	sdelay $0x3  }
0x94: {  	_ =	strace s2  }
0x95: {  	s2 =	sld [smem:$0x3FFD];
	_ =	sdelay $0x3  }
0x96: {  	_ =	strace s2  }
0x97: {  	_ =	strace $0x8FFFFFFF  }
0x98: {  	s18 =	sld [smem:$0x3FDB];
	_ =	sdelay $0x1  }
0x99: {  	s19 =	simm.s32 $_scs_section_size  }
0x9a: {  	s4 =	simm.s32 $_size__tile_overlayer_lowered;
	s5 =	simm.s32 $_tile_overlayer_lowered  }
0x9b: {  	s22 =	simm.s32 $0x1BFF;
	s21 =	sshll.u32 s5, $0x1;
	s2 =	sadd.s32 s19, s18  }
0x9c: {  	s6 =	simm.s32 $0x0;
	s20 =	sshll.u32 s4, $0x1;
	s4 =	sadd.s32 s21, s2  }
0x9d: {  	[timem:s6], [sflag:s22] =	dma.local [hbm:s4], s20  }
0x9e: {  	_ =	swait.ge [sflag:s22], s20  }
0x9f: {  	s3 =	ssub.s32 $0x0, s20;
	[sflag:s22] =	ssyncset.done $0x0  }
0xa0: {  	[sflag:s22] =	ssyncadd.s32 s3;
	_ =	sdelay $0x1  }
0xa1: {  	s23 =	simm.s32 $0x1B8B  }
0xa2: {  	_ =	swait.ge [sflag:s23], $0x1  }
0xa3: {  	[sflag:s23] =	ssyncset.done $0x0  }
0xa4: {  	s25 =	simm.s32 $0x1B8E;
	s24 =	sld [smem:$0x3FFE];
	[sflag:s23] =	ssyncadd.s32 $0xFFFFFFFF  }
0xa5: {  	s26 =	simm.s32 $execute0_lowered;
	[smem:$0x3FD2] =	sst s25  }
0xa6: {  	s4 =	sshll.u32 s26, $0x1;
	_ =	strace $0x8000004C;
	[dreg:$0x1] =	wrdreg $0xFFFFFFFF  }
0xa7: {  	s28 =	simm.s32 $_size_execute0_lowered;
	s2 =	sadd.s32 s2, s4;
	[dreg:$0x0] =	wrdreg $0x0  }
0xa8: {  	s4 =	sshll.u32 s28, $0x1;
	[dreg:$0x2] =	wrdreg s2  }
0xa9: {  	[dreg:$0x3] =	wrdreg s4  }
0xaa: {  	[dreg:$0x4] =	wrdreg $0xC0  }
0xab: {  	_ =	task [dreg:s6], $0x5FFFF  }
0xac: {  	[dreg:$0x1] =	wrdreg $0xFFFFFFFF  }
0xad: {  	[dreg:$0x0] =	wrdreg $0x60  }
0xae: {  	[dreg:$0x2] =	wrdreg s24  }
0xaf: {  	[dreg:$0x3] =	wrdreg $0x0  }
0xb0: {  	[dreg:$0x4] =	wrdreg $0x9  }
0xb1: {  	_ =	task.clear_ibuf [dreg:s6], $0x5FFFF;
	_ =	strace $0x9000004C  }
0xb2: {  	s29 =	simm.s32 $0x9;
	_ =	strace $0x8000004E  }
0xb3: {  	_ =	swait.ge [sflag:s29], $0x1  }
0xb4: {  	[sflag:s29] =	ssyncadd.s32 $0xFFFFFFFF  }
0xb5: {  	_ =	strace $0x9000004E  }
0xb6: {  	_ =	sfence  }
0xb7: {  	s30 =	sld [smem:$0x0];
	_ =	sdelay $0x2  }
0xb8: {  	s31 =	sshll.u32 s1, $0xD;
	s1 =	sshrl.u32 s1, $0x2  }
0xb9: {  	s3 =	sand.u32 $0x4000, s31;
	s1 =	sadd.s32 s1, s30  }
0xba: {  	s0 =	sor.u32 s3, s0;
	s1 =	sshll.u32 s1, $0x11  }
0xbb: {  	s0 =	sor.u32 s1, s0  }
0xbc: {  	s0 =	sadd.s32 $0x8F2B, s0  }
0xbd: {  	[sflag:s0] =	ssyncadd.remote.s32 $0x1  }
0xbe: {  	_ =	sfence.sel $0xFFFF  }
0xbf: {  	[dreg:$0x0] =	wrdreg $0xFFFFFFFF;
	(pc) =	sbr.abs _section_cstart, $3  }
0xc0: {  	[dreg:$0x1] =	wrdreg $0xFFFFFFFF  }
0xc1: {  	_ =	task.clear_ibuf [dreg:s6], $0x2FFFF;
	_ =	strace $0x9FFFFFFF  }
0xc2: {  	(tm) =	ssettm $0x7FFFFFFF  }
0xc3: {  	_ =	shalt  }
tec
execute0_lowered:
.L_overlay_start_1:
0x0: {  	(tag) =	ssettag $0x1  }
0x1: {  	s1 =	rddreg [dreg:$0x0]  }
0x2: {  	s0 =	srdreg.scid;
	s2 =	rddreg [dreg:$0x1]  }
0x3: {  	s9 =	stileid.u32;
	s3 =	simm.s32 $0x0;
	s28 =	simm.s32 $0x80  }
0x4: {  	s30 =	simm.s32 $0x8000;
	s29 =	simm.s32 $0x1;
	s31 =	simm.s32 $0x2  }
0x5: {  	s10 =	simm.s32 $0x8;
	s0 =	sand.u32 $0x1, s0;
	[smem:$0x7FF] =	sst s3  }
0x6: {  	s8 =	smul.u32 $0xA000, s9;
	s4 =	sshll.u32 s0, $0x4;
	_ =	strace $0x8000004D  }
0x7: {  	s6 =	ssub.s32 $0x2, s0;
	s0 =	smul.u32 $0x28000, s0;
	s4 =	sor.u32 s9, s4  }
0x8: {  	s7 =	sshrl.u32 s6, $0x1;
	s9 =	smul.u32 $0x2800, s9;
	s12 =	sshrl.u32 s8, $0x2  }
0x9: {  	s8 =	simm.s32 $0x6;
	s5 =	smul.u32 $0x500, s4;
	s4 =	sadd.s32 $0x15600, s1  }
0xa: {  	s6 =	ssub.s32 s6, s7;
	s7 =	sadd.s32 s12, s2;
	s13 =	sadd.s32 s9, s2  }
0xb: {  	s14 =	smax.u32 s6, $0x1;
	s15 =	sadd.s32 $0x800, s7;
	s16 =	sadd.s32 $0x1000, s7  }
0xc: {  	s17 =	sadd.s32 s0, s9;
	s18 =	sadd.s32 $0x1800, s7;
	[dreg:$0x5] =	wrdreg s13  }
0xd: {  	s19 =	sadd.s32 $0x800, s9;
	s20 =	sadd.s32 $0x2000, s7;
	[dreg:$0x6] =	wrdreg s14  }
0xe: {  	s22 =	sadd.s32 $0x1000, s9;
	s24 =	sadd.s32 $0x1800, s9;
	[dreg:$0x7] =	wrdreg s15  }
0xf: {  	s25 =	sadd.s32 $0x2000, s9;
	s6 =	simm.s32 $0x5;
	[dreg:$0x8] =	wrdreg s16  }
0x10: {  	s9 =	simm.s32 $0x7;
	s5 =	sadd.s32 s5, s1;
	[dreg:$0x9] =	wrdreg s18  }
0x11: {  	s1 =	sadd.s32 $0x1A600, s1;
	[dreg:$0xa] =	wrdreg s20;
	s21 =	sadd.s32 s0, s19  }
0x12: {  	s15 =	sadd.s32 s19, s2;
	s23 =	sadd.s32 s0, s22;
	s26 =	sadd.s32 s0, s24  }
0x13: {  	s0 =	sadd.s32 s0, s25;
	s19 =	sadd.s32 s24, s2;
	s11 =	sadd.s32 $0x1600, s5  }
0x14: {  	s24 =	simm.s32 $0x9;
	s5 =	sadd.s32 $0xB600, s5;
	[dreg:$0x3] =	wrdreg s11  }
0x15: {  	s0 =	sshrl.u32 s0, $0x3;
	[dreg:$0x4] =	wrdreg s5;
	s5 =	sshrl.u32 s17, $0x3  }
0x16: {  	s17 =	sadd.s32 s22, s2;
	s22 =	sadd.s32 s1, s0;
	s5 =	sadd.s32 s1, s5  }
0x17: {  	s0 =	simm.s32 $0x8800;
	s11 =	simm.s32 $0x0;
	[dreg:$0xb] =	wrdreg s5  }
0x18: {  	s5 =	sshrl.u32 s21, $0x3;
	s21 =	sadd.s32 s25, s2;
	s25 =	simm.s32 $0x9000  }
0x19: {  	s16 =	sadd.s32 s1, s5;
	s5 =	sshrl.u32 s23, $0x3;
	s23 =	simm.s32 $0x2800  }
0x1a: {  	s18 =	sadd.s32 s1, s5;
	s5 =	sshrl.u32 s26, $0x3;
	s26 =	simm.s32 $0x7800  }
0x1b: {  	v0 =	vimm.f32 $0.0e+00;
	s20 =	sadd.s32 s1, s5;
	s1 =	simm.s32 $0x3;
	s5 =	simm.s32 $0x4  }
.LBB2_1:
0x1c: {  	s12 =	rddreg [dreg:$0x3]  }
0x1d: {  	[tilespmem:s23], [sflag:$0x9] =	stream.linear.gather [hbm4b:s12+s3], $0x2800, $0x38;
	[tilespmem:$0x9800] =	vst v63  }
0x1e: {  	_ =	swait.ge [sflag:s24], $0x2800  }
0x1f: {  	[sflag:s24] =	ssyncset.done $0x0  }
0x20: {  	s13 =	simm.s32 $0x5000;
	s14 =	rddreg [dreg:$0x4];
	[sflag:s24] =	ssyncadd.s32 $0xFFFFD800  }
0x21: {  	[tilespmem:s13], [sflag:$0x9] =	stream.linear.gather [hbm4b:s14+s3], $0x2800, $0x38;
	[tilespmem:$0x9800] =	vst v63  }
0x22: {  	_ =	swait.ge [sflag:s24], $0x2800  }
0x23: {  	[sflag:s24] =	ssyncset.done $0x0  }
0x24: {  	s12 =	simm.s32 $0x40;
	s13 =	simm.s32 $0x0;
	[sflag:s24] =	ssyncadd.s32 $0xFFFFD800  }
.LBB2_2:
0x25: {  	p0 =	sne.s32 s12, $0x1FC0;
	[tilespmem:s13+$0x7800] =	vst v0;
	s13 =	smov.u32 s12;
	s12 =	sadd.s32 $0x40, s12  }
.Ltmp0:
0x26: {  	(pc) =	sbr.rel @p0 .LBB2_2-.Ltmp0, $2  }
0x27: {  	_ =	sdelay $0x2  }
0x28: {  	s13 =	sshra.s32 s13, $0x2  }
0x29: {  	[tilespmem:s13+$0x7800] =	vst v0  }
0x2a: {  	[spmem:s7] =	stream.linear.scatter [tilespmem:s26], [sflag:$0x9], $0x800, $0x38;
	[tilespmem:$0x9800] =	vst v63  }
0x2b: {  	_ =	swait.ge [sflag:s24], $0x800  }
0x2c: {  	[sflag:s24] =	ssyncset.done $0x0  }
0x2d: {  	s12 =	rddreg [dreg:$0x7];
	[sflag:s24] =	ssyncadd.s32 $0xFFFFF800  }
0x2e: {  	[spmem:s12] =	stream.linear.scatter [tilespmem:s26], [sflag:$0x9], $0x800, $0x38;
	[tilespmem:$0x9800] =	vst v63  }
0x2f: {  	_ =	swait.ge [sflag:s24], $0x800  }
0x30: {  	[sflag:s24] =	ssyncset.done $0x0  }
0x31: {  	s14 =	rddreg [dreg:$0x8];
	[sflag:s24] =	ssyncadd.s32 $0xFFFFF800  }
0x32: {  	[spmem:s14] =	stream.linear.scatter [tilespmem:s26], [sflag:$0x9], $0x800, $0x38;
	[tilespmem:$0x9800] =	vst v63  }
0x33: {  	_ =	swait.ge [sflag:s24], $0x800  }
0x34: {  	[sflag:s24] =	ssyncset.done $0x0  }
0x35: {  	s13 =	rddreg [dreg:$0x9];
	[sflag:s24] =	ssyncadd.s32 $0xFFFFF800  }
0x36: {  	[spmem:s13] =	stream.linear.scatter [tilespmem:s26], [sflag:$0x9], $0x800, $0x38;
	[tilespmem:$0x9800] =	vst v63  }
0x37: {  	_ =	swait.ge [sflag:s24], $0x800  }
0x38: {  	[sflag:s24] =	ssyncset.done $0x0  }
0x39: {  	s14 =	rddreg [dreg:$0xa];
	[sflag:s24] =	ssyncadd.s32 $0xFFFFF800  }
0x3a: {  	[spmem:s14] =	stream.linear.scatter [tilespmem:s26], [sflag:$0x9], $0x800, $0x38;
	[tilespmem:$0x9800] =	vst v63  }
0x3b: {  	_ =	swait.ge [sflag:s24], $0x800  }
0x3c: {  	[sflag:s24] =	ssyncset.done $0x0  }
0x3d: {  	[sflag:s24] =	ssyncadd.s32 $0xFFFFF800  }
0x3e: {  	[bflag:$0x0] =	sbarrier.arrive $0xFFFF  }
0x3f: {  	[tilespmem:s26], [sflag:$0x1] =	stream.indirect.gather [hbm4b:s4+s28], $0x10, s23, s28, $0xb8;
	[tilespmem:$0x9800] =	vst v63  }
0x40: {  	s13 =	simm.s32 $0x2880  }
0x41: {  	[tilespmem:s30], [sflag:$0x2] =	stream.indirect.gather [hbm4b:s4+s28], $0x10, s13, s28, $0xb8;
	[tilespmem:$0x9800] =	vst v63  }
0x42: {  	s14 =	simm.s32 $0x2900  }
0x43: {  	[tilespmem:s0], [sflag:$0x3] =	stream.indirect.gather [hbm4b:s4+s28], $0x10, s14, s28, $0xb8;
	[tilespmem:$0x9800] =	vst v63  }
0x44: {  	s13 =	simm.s32 $0x2980  }
0x45: {  	[tilespmem:s25], [sflag:$0x4] =	stream.indirect.gather [hbm4b:s4+s28], $0x10, s13, s28, $0xb8;
	[tilespmem:$0x9800] =	vst v63  }
0x46: {  	_ =	swait.ge [sflag:s29], $0x800  }
0x47: {  	[sflag:s29] =	ssyncset.done $0x0  }
0x48: {  	s14 =	simm.s32 $0x5000;
	[sflag:s29] =	ssyncadd.s32 $0xFFFFF800  }
0x49: {  	[spmem:s2] =	stream.indirect.scatter.add.f32 [tilespmem:s26], [sflag:$0x5], $0x10, s14, s28, $0xb8;
	[tilespmem:$0x9800] =	vst v63  }
0x4a: {  	_ =	swait.ge [sflag:s31], $0x800  }
0x4b: {  	[sflag:s31] =	ssyncset.done $0x0  }
0x4c: {  	s13 =	simm.s32 $0x5080;
	[sflag:s31] =	ssyncadd.s32 $0xFFFFF800  }
0x4d: {  	[spmem:s2] =	stream.indirect.scatter.add.f32 [tilespmem:s30], [sflag:$0x6], $0x10, s13, s28, $0xb8;
	[tilespmem:$0x9800] =	vst v63  }
0x4e: {  	_ =	swait.ge [sflag:s1], $0x800  }
0x4f: {  	[sflag:s1] =	ssyncset.done $0x0  }
0x50: {  	s14 =	simm.s32 $0x5100;
	[sflag:s1] =	ssyncadd.s32 $0xFFFFF800  }
0x51: {  	[spmem:s2] =	stream.indirect.scatter.add.f32 [tilespmem:s0], [sflag:$0x7], $0x10, s14, s28, $0xb8;
	[tilespmem:$0x9800] =	vst v63  }
0x52: {  	_ =	swait.ge [sflag:s5], $0x800  }
0x53: {  	[sflag:s5] =	ssyncset.done $0x0  }
0x54: {  	s13 =	simm.s32 $0x5180;
	[sflag:s5] =	ssyncadd.s32 $0xFFFFF800  }
0x55: {  	[spmem:s2] =	stream.indirect.scatter.add.f32 [tilespmem:s25], [sflag:$0x8], $0x10, s13, s28, $0xb8;
	[tilespmem:$0x9800] =	vst v63  }
0x56: {  	_ =	swait.ge [sflag:s6], $0x800  }
0x57: {  	[sflag:s6] =	ssyncset.done $0x0  }
0x58: {  	s14 =	simm.s32 $0x2A00;
	[sflag:s6] =	ssyncadd.s32 $0xFFFFF800  }
0x59: {  	[tilespmem:s26], [sflag:$0x1] =	stream.indirect.gather [hbm4b:s4+s28], $0x10, s14, s28, $0xb8;
	[tilespmem:$0x9800] =	vst v63  }
0x5a: {  	_ =	swait.ge [sflag:s8], $0x800  }
0x5b: {  	[sflag:s8] =	ssyncset.done $0x0  }
0x5c: {  	s13 =	simm.s32 $0x2A80;
	[sflag:s8] =	ssyncadd.s32 $0xFFFFF800  }
0x5d: {  	[tilespmem:s30], [sflag:$0x2] =	stream.indirect.gather [hbm4b:s4+s28], $0x10, s13, s28, $0xb8;
	[tilespmem:$0x9800] =	vst v63  }
0x5e: {  	_ =	swait.ge [sflag:s9], $0x800  }
0x5f: {  	[sflag:s9] =	ssyncset.done $0x0  }
0x60: {  	s14 =	simm.s32 $0x2B00;
	[sflag:s9] =	ssyncadd.s32 $0xFFFFF800  }
0x61: {  	[tilespmem:s0], [sflag:$0x3] =	stream.indirect.gather [hbm4b:s4+s28], $0x10, s14, s28, $0xb8;
	[tilespmem:$0x9800] =	vst v63  }
0x62: {  	_ =	swait.ge [sflag:s10], $0x800  }
0x63: {  	[sflag:s10] =	ssyncset.done $0x0  }
0x64: {  	s12 =	simm.s32 $0x800;
	s13 =	simm.s32 $0x2B80;
	[sflag:s10] =	ssyncadd.s32 $0xFFFFF800  }
.LBB2_4:
0x65: {  	[tilespmem:s25], [sflag:$0x4] =	stream.indirect.gather [hbm4b:s4+s28], $0x10, s13, s28, $0xb8;
	[tilespmem:$0x9800] =	vst v63  }
0x66: {  	s13 =	smov.u32 s12  }
0x67: {  	p0 =	sne.s32 s12, $0x9000;
	s12 =	sadd.s32 $0x800, s12;
	_ =	swait.ge [sflag:s29], $0x800  }
0x68: {  	s13 =	sshra.s32 s13, $0x2;
	[sflag:s29] =	ssyncset.done $0x0  }
0x69: {  	s14 =	sadd.s32 $0x5000, s13;
	[sflag:s29] =	ssyncadd.s32 $0xFFFFF800  }
0x6a: {  	[spmem:s2] =	stream.indirect.scatter.add.f32 [tilespmem:s26], [sflag:$0x5], $0x10, s14, s28, $0xb8;
	[tilespmem:$0x9800] =	vst v63  }
0x6b: {  	_ =	swait.ge [sflag:s31], $0x800  }
0x6c: {  	[sflag:s31] =	ssyncset.done $0x0  }
0x6d: {  	s14 =	sadd.s32 $0x5080, s13;
	[sflag:s31] =	ssyncadd.s32 $0xFFFFF800  }
0x6e: {  	[spmem:s2] =	stream.indirect.scatter.add.f32 [tilespmem:s30], [sflag:$0x6], $0x10, s14, s28, $0xb8;
	[tilespmem:$0x9800] =	vst v63  }
0x6f: {  	_ =	swait.ge [sflag:s1], $0x800  }
0x70: {  	[sflag:s1] =	ssyncset.done $0x0  }
0x71: {  	s14 =	sadd.s32 $0x5100, s13;
	[sflag:s1] =	ssyncadd.s32 $0xFFFFF800  }
0x72: {  	[spmem:s2] =	stream.indirect.scatter.add.f32 [tilespmem:s0], [sflag:$0x7], $0x10, s14, s28, $0xb8;
	[tilespmem:$0x9800] =	vst v63  }
0x73: {  	_ =	swait.ge [sflag:s5], $0x800  }
0x74: {  	[sflag:s5] =	ssyncset.done $0x0  }
0x75: {  	s14 =	sadd.s32 $0x5180, s13;
	[sflag:s5] =	ssyncadd.s32 $0xFFFFF800  }
0x76: {  	[spmem:s2] =	stream.indirect.scatter.add.f32 [tilespmem:s25], [sflag:$0x8], $0x10, s14, s28, $0xb8;
	[tilespmem:$0x9800] =	vst v63  }
0x77: {  	_ =	swait.ge [sflag:s6], $0x800  }
0x78: {  	[sflag:s6] =	ssyncset.done $0x0  }
0x79: {  	s14 =	sadd.s32 $0x2A00, s13;
	[sflag:s6] =	ssyncadd.s32 $0xFFFFF800  }
0x7a: {  	[tilespmem:s26], [sflag:$0x1] =	stream.indirect.gather [hbm4b:s4+s28], $0x10, s14, s28, $0xb8;
	[tilespmem:$0x9800] =	vst v63  }
0x7b: {  	_ =	swait.ge [sflag:s8], $0x800  }
0x7c: {  	[sflag:s8] =	ssyncset.done $0x0  }
0x7d: {  	s14 =	sadd.s32 $0x2A80, s13;
	[sflag:s8] =	ssyncadd.s32 $0xFFFFF800  }
0x7e: {  	[tilespmem:s30], [sflag:$0x2] =	stream.indirect.gather [hbm4b:s4+s28], $0x10, s14, s28, $0xb8;
	[tilespmem:$0x9800] =	vst v63  }
0x7f: {  	_ =	swait.ge [sflag:s9], $0x800  }
0x80: {  	[sflag:s9] =	ssyncset.done $0x0  }
.Ltmp1:
0x81: {  	s14 =	sadd.s32 $0x2B00, s13;
	[sflag:s9] =	ssyncadd.s32 $0xFFFFF800;
	(pc) =	sbr.rel @p0 .LBB2_4-.Ltmp1, $4  }
0x82: {  	[tilespmem:s0], [sflag:$0x3] =	stream.indirect.gather [hbm4b:s4+s28], $0x10, s14, s28, $0xb8;
	[tilespmem:$0x9800] =	vst v63  }
0x83: {  	_ =	swait.ge [sflag:s10], $0x800  }
0x84: {  	[sflag:s10] =	ssyncset.done $0x0  }
0x85: {  	s13 =	sadd.s32 $0x2B80, s13;
	[sflag:s10] =	ssyncadd.s32 $0xFFFFF800  }
0x86: {  	[tilespmem:s25], [sflag:$0x4] =	stream.indirect.gather [hbm4b:s4+s28], $0x10, s13, s28, $0xb8;
	[tilespmem:$0x9800] =	vst v63  }
0x87: {  	_ =	swait.ge [sflag:s29], $0x800  }
0x88: {  	[sflag:s29] =	ssyncset.done $0x0  }
0x89: {  	s12 =	simm.s32 $0x7600;
	[sflag:s29] =	ssyncadd.s32 $0xFFFFF800  }
0x8a: {  	[spmem:s2] =	stream.indirect.scatter.add.f32 [tilespmem:s26], [sflag:$0x5], $0x10, s12, s28, $0xb8;
	[tilespmem:$0x9800] =	vst v63  }
0x8b: {  	_ =	swait.ge [sflag:s31], $0x800  }
0x8c: {  	[sflag:s31] =	ssyncset.done $0x0  }
0x8d: {  	s13 =	simm.s32 $0x7680;
	[sflag:s31] =	ssyncadd.s32 $0xFFFFF800  }
0x8e: {  	[spmem:s2] =	stream.indirect.scatter.add.f32 [tilespmem:s30], [sflag:$0x6], $0x10, s13, s28, $0xb8;
	[tilespmem:$0x9800] =	vst v63  }
0x8f: {  	_ =	swait.ge [sflag:s1], $0x800  }
0x90: {  	[sflag:s1] =	ssyncset.done $0x0  }
0x91: {  	s14 =	simm.s32 $0x7700;
	[sflag:s1] =	ssyncadd.s32 $0xFFFFF800  }
0x92: {  	[spmem:s2] =	stream.indirect.scatter.add.f32 [tilespmem:s0], [sflag:$0x7], $0x10, s14, s28, $0xb8;
	[tilespmem:$0x9800] =	vst v63  }
0x93: {  	_ =	swait.ge [sflag:s5], $0x800  }
0x94: {  	[sflag:s5] =	ssyncset.done $0x0  }
0x95: {  	s13 =	simm.s32 $0x7780;
	[sflag:s5] =	ssyncadd.s32 $0xFFFFF800  }
0x96: {  	[spmem:s2] =	stream.indirect.scatter.add.f32 [tilespmem:s25], [sflag:$0x8], $0x10, s13, s28, $0xb8;
	[tilespmem:$0x9800] =	vst v63  }
0x97: {  	_ =	swait.ge [sflag:s6], $0x800  }
0x98: {  	[sflag:s6] =	ssyncset.done $0x0  }
0x99: {  	[sflag:s6] =	ssyncadd.s32 $0xFFFFF800  }
0x9a: {  	_ =	swait.ge [sflag:s8], $0x800  }
0x9b: {  	[sflag:s8] =	ssyncset.done $0x0  }
0x9c: {  	[sflag:s8] =	ssyncadd.s32 $0xFFFFF800  }
0x9d: {  	_ =	swait.ge [sflag:s9], $0x800  }
0x9e: {  	[sflag:s9] =	ssyncset.done $0x0  }
0x9f: {  	[sflag:s9] =	ssyncadd.s32 $0xFFFFF800  }
0xa0: {  	_ =	swait.ge [sflag:s10], $0x800  }
0xa1: {  	[sflag:s10] =	ssyncset.done $0x0  }
0xa2: {  	[sflag:s10] =	ssyncadd.s32 $0xFFFFF800  }
0xa3: {  	[bflag:$0x0] =	sbarrier.arrive $0xFFFF  }
0xa4: {  	s14 =	rddreg [dreg:$0x5]  }
0xa5: {  	[tilespmem:s26], [sflag:$0x9] =	stream.linear.gather [spmem:s14], $0x800, $0x38;
	[tilespmem:$0x9800] =	vst v63  }
0xa6: {  	_ =	swait.ge [sflag:s24], $0x800  }
0xa7: {  	[sflag:s24] =	ssyncset.done $0x0  }
0xa8: {  	s13 =	rddreg [dreg:$0xb];
	[sflag:s24] =	ssyncadd.s32 $0xFFFFF800  }
0xa9: {  	[hbm4b:s13+s3] =	stream.linear.scatter [tilespmem:s26], [sflag:$0x9], $0x800, $0x38;
	[tilespmem:$0x9800] =	vst v63  }
0xaa: {  	_ =	swait.ge [sflag:s24], $0x800  }
0xab: {  	[sflag:s24] =	ssyncset.done $0x0  }
0xac: {  	[sflag:s24] =	ssyncadd.s32 $0xFFFFF800  }
0xad: {  	[tilespmem:s26], [sflag:$0x9] =	stream.linear.gather [spmem:s15], $0x800, $0x38;
	[tilespmem:$0x9800] =	vst v63  }
0xae: {  	_ =	swait.ge [sflag:s24], $0x800  }
0xaf: {  	[sflag:s24] =	ssyncset.done $0x0  }
0xb0: {  	[sflag:s24] =	ssyncadd.s32 $0xFFFFF800  }
0xb1: {  	[hbm4b:s16+s3] =	stream.linear.scatter [tilespmem:s26], [sflag:$0x9], $0x800, $0x38;
	[tilespmem:$0x9800] =	vst v63  }
0xb2: {  	_ =	swait.ge [sflag:s24], $0x800  }
0xb3: {  	[sflag:s24] =	ssyncset.done $0x0  }
0xb4: {  	[sflag:s24] =	ssyncadd.s32 $0xFFFFF800  }
0xb5: {  	[tilespmem:s26], [sflag:$0x9] =	stream.linear.gather [spmem:s17], $0x800, $0x38;
	[tilespmem:$0x9800] =	vst v63  }
0xb6: {  	_ =	swait.ge [sflag:s24], $0x800  }
0xb7: {  	[sflag:s24] =	ssyncset.done $0x0  }
0xb8: {  	[sflag:s24] =	ssyncadd.s32 $0xFFFFF800  }
0xb9: {  	[hbm4b:s18+s3] =	stream.linear.scatter [tilespmem:s26], [sflag:$0x9], $0x800, $0x38;
	[tilespmem:$0x9800] =	vst v63  }
0xba: {  	_ =	swait.ge [sflag:s24], $0x800  }
0xbb: {  	[sflag:s24] =	ssyncset.done $0x0  }
0xbc: {  	[sflag:s24] =	ssyncadd.s32 $0xFFFFF800  }
0xbd: {  	[tilespmem:s26], [sflag:$0x9] =	stream.linear.gather [spmem:s19], $0x800, $0x38;
	[tilespmem:$0x9800] =	vst v63  }
0xbe: {  	_ =	swait.ge [sflag:s24], $0x800  }
0xbf: {  	[sflag:s24] =	ssyncset.done $0x0  }
0xc0: {  	[sflag:s24] =	ssyncadd.s32 $0xFFFFF800  }
0xc1: {  	[hbm4b:s20+s3] =	stream.linear.scatter [tilespmem:s26], [sflag:$0x9], $0x800, $0x38;
	[tilespmem:$0x9800] =	vst v63  }
0xc2: {  	_ =	swait.ge [sflag:s24], $0x800  }
0xc3: {  	[sflag:s24] =	ssyncset.done $0x0  }
0xc4: {  	[sflag:s24] =	ssyncadd.s32 $0xFFFFF800  }
0xc5: {  	[tilespmem:s26], [sflag:$0x9] =	stream.linear.gather [spmem:s21], $0x800, $0x38;
	[tilespmem:$0x9800] =	vst v63  }
0xc6: {  	_ =	swait.ge [sflag:s24], $0x800  }
0xc7: {  	[sflag:s24] =	ssyncset.done $0x0  }
0xc8: {  	[sflag:s24] =	ssyncadd.s32 $0xFFFFF800  }
0xc9: {  	[hbm4b:s22+s3] =	stream.linear.scatter [tilespmem:s26], [sflag:$0x9], $0x800, $0x38;
	[tilespmem:$0x9800] =	vst v63  }
0xca: {  	_ =	swait.ge [sflag:s24], $0x800  }
0xcb: {  	s11 =	sadd.s32 $0x1, s11;
	s14 =	rddreg [dreg:$0x6]  }
0xcc: {  	p0 =	sne.s32 s11, s14  }
.Ltmp2:
0xcd: {  	_ = 	snop;
	(pc) =	sbr.rel @p0 .LBB2_1-.Ltmp2, $3  }
0xce: {  	_ =	sdelay $0x1  }
0xcf: {  	[sflag:s24] =	ssyncset.done $0x0  }
0xd0: {  	[sflag:s24] =	ssyncadd.s32 $0xFFFFF800  }
0xd1: {  	_ =	sfence.sel $0x180000  }
0xd2: {  	[bflag:$0x0] =	sbarrier.arrive $0xFFFF  }
0xd3: {  	_ =	strace $0x9000004D  }
0xd4: {  	s0 =	stileid.u32;
	[bflag:$0x2] =	sbarrier.arrive $0xFFFF  }
0xd5: {  	p0 =	sne.s32 s0, $0x0;
	s0 =	rddreg [dreg:$0x2]  }
0xd6: {  	s0 =	sadd.s32 @!p0 $0x100000, s0  }
0xd7: {  	[sflag:s0] =	ssyncadd.tile.s32 @!p0 $0x1;
	_ =	shalt  }
.Lfunc_end2:
_tile_overlayer_lowered:
.L_overlay_start_2:
0xd8: {  	(tag) =	ssettag $0x2  }
0xd9: {  	s0 =	rddreg [dreg:$0x0];
	s2 =	stileid.u32  }
0xda: {  	s1 =	rddreg [dreg:$0x1];
	p0 =	sne.s32 s2, $0x0  }
0xdb: {  	s3 =	rddreg [dreg:$0x2];
	[bflag:$0x3] =	sbarrier.arrive $0xFFFF;
	s2 =	simm.s32 @!p0 $0x1C09  }
0xdc: {  	[timem:s3], [sflag:s2] =	dma.local @!p0 [hbm:s0], s1  }
0xdd: {  	s0 =	simm.s32 @!p0 $0x9  }
0xde: {  	_ =	swait.ge @!p0 [sflag:s0], s1  }
0xdf: {  	s1 =	ssub.s32 @!p0 $0x0, s1;
	[sflag:s0] =	ssyncset.done @!p0 $0x0  }
0xe0: {  	[sflag:s0] =	ssyncadd.s32 @!p0 s1  }
0xe1: {  	[bflag:$0x3] =	sbarrier.arrive $0xFFFF  }
0xe2: {  	_ =	shalt  }

// kernel: kernel.8.cloned.1.call-start
scs
__scs_entry_jumppad:
0x0: {  	(pc) =	sbr.rel $0x88, $3  }
0x1: {  	(tag) =	ssettag $0x0;
	lr =	simm.s32 $0x1  }
0x2: {  	[smem:$0x3F9B] =	sst lr;
	_ =	strace $0xD0000000  }
0x3: {  	_ = 	snop  }
0x4: {  	_ = 	snop  }
0x5: {  	_ = 	snop  }
0x6: {  	_ = 	snop  }
0x7: {  	_ = 	snop  }
__scs_overlays_trampoline_lowered:
0x8: {  	[smem:$0x3FAA] =	sst s0  }
0x9: {  	[smem:$0x3FAB] =	sst s1  }
0xa: {  	[smem:$0x3FAC] =	sst s2  }
0xb: {  	[smem:$0x3FAD] =	sst s3  }
0xc: {  	[smem:$0x3FAE] =	sst s4  }
0xd: {  	[smem:$0x3FAF] =	sst s5  }
0xe: {  	[smem:$0x3FB0] =	sst s6  }
0xf: {  	[smem:$0x3FB1] =	sst s7  }
0x10: {  	[smem:$0x3FB2] =	sst s8  }
0x11: {  	[smem:$0x3FB3] =	sst s9;
	s0 =	simm.s32 @!p0 $0x0  }
0x12: {  	s1 =	sld [smem:$0x3F99];
	s0 =	simm.s32 @p0 $0x1  }
0x13: {  	[smem:$0x3FB4] =	sst s0;
	s0 =	simm.s32 @!p1 $0x0  }
0x14: {  	s2 =	sld [smem:$0x3F98];
	s0 =	simm.s32 @p1 $0x1  }
0x15: {  	[smem:$0x3FB5] =	sst s0;
	s0 =	simm.s32 @!p2 $0x0  }
0x16: {  	s3 =	sld [smem:$0x3FDB];
	s0 =	simm.s32 @p2 $0x1  }
0x17: {  	s4 =	simm.s32 $0x1BF5;
	[smem:$0x3FB7] =	sst s0  }
0x18: {  	s0 =	sld [smem:$0x3F9A];
	_ =	swait.ge [sflag:s4], $0x0  }
0x19: {  	s7 =	sld [smem:$0x3F9B]  }
0x1a: {  	s8 =	sadd.s32 $0xFFFFE003, lr  }
0x1b: {  	s9 =	sadd.s32 $0xFFFFFEF7, lr;
	s5 =	simm.s32 $0xFFFFFFFF;
	p2 =	slt.u32 s8, $0xFFFFF086  }
0x1c: {  	p1 =	slt.u32 s9, $0xF7A;
	s5 =	simm.s32 @!p2 $0x0  }
0x1d: {  	s5 =	simm.s32 @p1 $0x1;
	p0 =	seq.s32 s7, s2  }
0x1e: {  	s7 =	smul.u32 @!p0 $0xF7A, s2;
	p2 =	seq.s32 @!p0 s5, $0x0  }
0x1f: {  	s9 =	smul.u32 $0xF7A, s1;
	s8 =	simm.s32 @!p0 $0x1BF5;
	p2 =	por !p2, p0  }
0x20: {  	[sflag:s8] =	ssyncset.s32 @!p0 $0xFFFFF086;
	s6 =	sadd.s32 @!p0 s3, s7;
	s7 =	simm.s32 @!p0 $0x108  }
0x21: {  	s3 =	sadd.s32 s3, s9;
	s6 =	sadd.s32 @!p0 $0x88, s6;
	s7 =	simm.s32 @p2 $0x1082  }
0x22: {  	[simem:s7], [sflag:s8] =	dma.local @!p0 [hbm:s6], $0xF7A  }
0x23: {  	s9 =	sor.u32 $0xD0000000, s2;
	s6 =	simm.s32 $0x108;
	_ =	swait.ge @!p0 [sflag:s8], $0x0  }
0x24: {  	s3 =	sadd.s32 $0x88, s3;
	s6 =	simm.s32 @!p1 $0x1082;
	[sflag:s4] =	ssyncset.s32 $0xFFFFF086  }
0x25: {  	[simem:s6], [sflag:s4] =	dma.local [hbm:s3], $0xF7A  }
0x26: {  	[smem:$0x3F9B] =	sst s1;
	(tag) =	ssettag s2;
	_ =	strace s9  }
0x27: {  	s1 =	sld [smem:$0x3FAB]  }
0x28: {  	s2 =	sld [smem:$0x3FAC]  }
0x29: {  	s4 =	sld [smem:$0x3FAE]  }
0x2a: {  	p0 =	seq.s32 s5, $0x0;
	s5 =	sld [smem:$0x3FAF]  }
0x2b: {  	s6 =	sld [smem:$0x3FB0]  }
0x2c: {  	s7 =	sld [smem:$0x3FB1]  }
0x2d: {  	s3 =	simm.s32 $0x108;
	s8 =	sld [smem:$0x3FB2]  }
0x2e: {  	s3 =	simm.s32 @!p0 $0x1082;
	s9 =	sld [smem:$0x3FB3]  }
0x2f: {  	lr =	sadd.s32 s0, s3;
	s0 =	sld [smem:$0x3FAA]  }
0x30: {  	s3 =	sld [smem:$0x3FAD]  }
0x31: {  	[smem:$0x3FB6] =	sst s10  }
0x32: {  	s10 =	sld [smem:$0x3FB4];
	_ =	sdelay $0x3  }
0x33: {  	p0 =	seq.s32 s10, $0x1;
	s10 =	sld [smem:$0x3FB6];
	_ =	sdelay $0x3  }
0x34: {  	[smem:$0x3FB6] =	sst s10  }
0x35: {  	s10 =	sld [smem:$0x3FB5];
	_ =	sdelay $0x3  }
0x36: {  	p1 =	seq.s32 s10, $0x1;
	s10 =	sld [smem:$0x3FB6];
	_ =	sdelay $0x3  }
0x37: {  	[smem:$0x3FB6] =	sst s10  }
0x38: {  	s10 =	sld [smem:$0x3FB7]  }
0x39: {  	_ = 	snop;
	(pc) =	sbr.ind lr, $3  }
0x3a: {  	_ = 	snop  }
0x3b: {  	_ = 	snop  }
0x3c: {  	p2 =	seq.s32 s10, $0x1;
	s10 =	sld [smem:$0x3FB6]  }
0x3d: {  	_ =	shalt  }
0x3e: {  	_ =	shalt  }
0x3f: {  	_ =	shalt  }
0x40: {  	_ =	shalt  }
0x41: {  	_ =	shalt  }
0x42: {  	_ =	shalt  }
0x43: {  	_ =	shalt  }
0x44: {  	_ =	shalt  }
0x45: {  	_ =	shalt  }
0x46: {  	_ =	shalt  }
0x47: {  	_ =	shalt  }
0x48: {  	_ =	shalt  }
0x49: {  	_ =	shalt  }
0x4a: {  	_ =	shalt  }
0x4b: {  	_ =	shalt  }
0x4c: {  	_ =	shalt  }
0x4d: {  	_ =	shalt  }
0x4e: {  	_ =	shalt  }
0x4f: {  	_ =	shalt  }
0x50: {  	_ =	shalt  }
0x51: {  	_ =	shalt  }
0x52: {  	_ =	shalt  }
0x53: {  	_ =	shalt  }
0x54: {  	_ =	shalt  }
0x55: {  	_ =	shalt  }
0x56: {  	_ =	shalt  }
0x57: {  	_ =	shalt  }
0x58: {  	_ =	shalt  }
0x59: {  	_ =	shalt  }
0x5a: {  	_ =	shalt  }
0x5b: {  	_ =	shalt  }
0x5c: {  	_ =	shalt  }
0x5d: {  	_ =	shalt  }
0x5e: {  	_ =	shalt  }
0x5f: {  	_ =	shalt  }
0x60: {  	_ =	shalt  }
0x61: {  	_ =	shalt  }
0x62: {  	_ =	shalt  }
0x63: {  	_ =	shalt  }
0x64: {  	_ =	shalt  }
0x65: {  	_ =	shalt  }
0x66: {  	_ =	shalt  }
0x67: {  	_ =	shalt  }
0x68: {  	_ =	shalt  }
0x69: {  	_ =	shalt  }
0x6a: {  	_ =	shalt  }
0x6b: {  	_ =	shalt  }
0x6c: {  	_ =	shalt  }
0x6d: {  	_ =	shalt  }
0x6e: {  	_ =	shalt  }
0x6f: {  	_ =	shalt  }
0x70: {  	_ =	shalt  }
0x71: {  	_ =	shalt  }
0x72: {  	_ =	shalt  }
0x73: {  	_ =	shalt  }
0x74: {  	_ =	shalt  }
0x75: {  	_ =	shalt  }
0x76: {  	_ =	shalt  }
0x77: {  	_ =	shalt  }
0x78: {  	_ =	shalt  }
0x79: {  	_ =	shalt  }
0x7a: {  	_ =	shalt  }
0x7b: {  	_ =	shalt  }
0x7c: {  	_ =	shalt  }
0x7d: {  	_ =	shalt  }
0x7e: {  	_ =	shalt  }
0x7f: {  	_ =	shalt  }
0x80: {  	_ =	shalt  }
0x81: {  	_ =	shalt  }
0x82: {  	_ =	shalt  }
0x83: {  	_ =	shalt  }
0x84: {  	_ =	shalt  }
0x85: {  	_ =	shalt  }
0x86: {  	_ =	shalt  }
0x87: {  	_ =	shalt  }
.Lfunc_end0:
.L_simem_size_0:
called_computation_lowered:
.L_overlay_start_0:
0x88: {  	s2 =	sld [smem:$0x3FD9]  }
0x89: {  	s3 =	sld [smem:$0x3FFE];
	_ =	sdelay $0x1  }
0x8a: {  	s1 =	srdreg.scid  }
0x8b: {  	s0 =	sand.u32 $0x1, s1  }
0x8c: {  	s16 =	sshll.u32 s0, $0xA;
	s2 =	sadd.s32 s3, s2  }
0x8d: {  	s2 =	sadd.s32 s2, s16  }
0x8e: {  	[smem:$0x3FC2] =	sst s2  }
0x8f: {  	_ = 	snop  }
0x90: {  	(tm) =	ssettm $0x1  }
0x91: {  	s17 =	sld [smem:$0x3FFB];
	_ =	sdelay $0x3  }
0x92: {  	_ =	strace s17  }
0x93: {  	s2 =	sld [smem:$0x3FFC];
	_ =	sdelay $0x3  }
0x94: {  	_ =	strace s2  }
0x95: {  	s2 =	sld [smem:$0x3FFD];
	_ =	sdelay $0x3  }
0x96: {  	_ =	strace s2  }
0x97: {  	_ =	strace $0x8FFFFFFF  }
0x98: {  	s18 =	sld [smem:$0x3FDB];
	_ =	sdelay $0x1  }
0x99: {  	s19 =	simm.s32 $_scs_section_size  }
0x9a: {  	s4 =	simm.s32 $_size__tile_overlayer_lowered;
	s5 =	simm.s32 $_tile_overlayer_lowered  }
0x9b: {  	s22 =	simm.s32 $0x1BFF;
	s21 =	sshll.u32 s5, $0x1;
	s2 =	sadd.s32 s19, s18  }
0x9c: {  	s6 =	simm.s32 $0x0;
	s20 =	sshll.u32 s4, $0x1;
	s4 =	sadd.s32 s21, s2  }
0x9d: {  	[timem:s6], [sflag:s22] =	dma.local [hbm:s4], s20  }
0x9e: {  	_ =	swait.ge [sflag:s22], s20  }
0x9f: {  	s3 =	ssub.s32 $0x0, s20;
	[sflag:s22] =	ssyncset.done $0x0  }
0xa0: {  	[sflag:s22] =	ssyncadd.s32 s3;
	_ =	sdelay $0x1  }
0xa1: {  	s23 =	simm.s32 $0x1B8B  }
0xa2: {  	_ =	swait.ge [sflag:s23], $0x1  }
0xa3: {  	[sflag:s23] =	ssyncset.done $0x0  }
0xa4: {  	s25 =	simm.s32 $0x1B8E;
	s24 =	sld [smem:$0x3FFE];
	[sflag:s23] =	ssyncadd.s32 $0xFFFFFFFF  }
0xa5: {  	s26 =	simm.s32 $execute0_lowered;
	[smem:$0x3FD2] =	sst s25  }
0xa6: {  	s4 =	sshll.u32 s26, $0x1;
	_ =	strace $0x80000046;
	[dreg:$0x1] =	wrdreg $0xFFFFFFFF  }
0xa7: {  	s28 =	simm.s32 $_size_execute0_lowered;
	s2 =	sadd.s32 s2, s4;
	[dreg:$0x0] =	wrdreg $0x0  }
0xa8: {  	s4 =	sshll.u32 s28, $0x1;
	[dreg:$0x2] =	wrdreg s2  }
0xa9: {  	[dreg:$0x3] =	wrdreg s4  }
0xaa: {  	[dreg:$0x4] =	wrdreg $0xC0  }
0xab: {  	_ =	task [dreg:s6], $0x5FFFF  }
0xac: {  	[dreg:$0x1] =	wrdreg $0xFFFFFFFF  }
0xad: {  	[dreg:$0x0] =	wrdreg $0x60  }
0xae: {  	[dreg:$0x2] =	wrdreg s24  }
0xaf: {  	[dreg:$0x3] =	wrdreg $0x0  }
0xb0: {  	[dreg:$0x4] =	wrdreg $0x9  }
0xb1: {  	_ =	task.clear_ibuf [dreg:s6], $0x5FFFF;
	_ =	strace $0x90000046  }
0xb2: {  	s29 =	simm.s32 $0x9;
	_ =	strace $0x80000048  }
0xb3: {  	_ =	swait.ge [sflag:s29], $0x1  }
0xb4: {  	[sflag:s29] =	ssyncadd.s32 $0xFFFFFFFF  }
0xb5: {  	_ =	strace $0x90000048  }
0xb6: {  	_ =	sfence  }
0xb7: {  	s30 =	sld [smem:$0x0];
	_ =	sdelay $0x2  }
0xb8: {  	s31 =	sshll.u32 s1, $0xD;
	s1 =	sshrl.u32 s1, $0x2  }
0xb9: {  	s3 =	sand.u32 $0x4000, s31;
	s1 =	sadd.s32 s1, s30  }
0xba: {  	s0 =	sor.u32 s3, s0;
	s1 =	sshll.u32 s1, $0x11  }
0xbb: {  	s0 =	sor.u32 s1, s0  }
0xbc: {  	s0 =	sadd.s32 $0x8F2B, s0  }
0xbd: {  	[sflag:s0] =	ssyncadd.remote.s32 $0x1  }
0xbe: {  	_ =	sfence.sel $0xFFFF  }
0xbf: {  	[dreg:$0x0] =	wrdreg $0xFFFFFFFF;
	(pc) =	sbr.abs _section_cstart, $3  }
0xc0: {  	[dreg:$0x1] =	wrdreg $0xFFFFFFFF  }
0xc1: {  	_ =	task.clear_ibuf [dreg:s6], $0x2FFFF;
	_ =	strace $0x9FFFFFFF  }
0xc2: {  	(tm) =	ssettm $0x7FFFFFFF  }
0xc3: {  	_ =	shalt  }
tec
execute0_lowered:
.L_overlay_start_1:
0x0: {  	(tag) =	ssettag $0x1  }
0x1: {  	s0 =	srdreg.scid;
	s4 =	rddreg [dreg:$0x0]  }
0x2: {  	s2 =	rddreg [dreg:$0x1];
	s1 =	stileid.u32  }
0x3: {  	s3 =	simm.s32 $0x0;
	s22 =	simm.s32 $0x2A80;
	s23 =	simm.s32 $0x80  }
0x4: {  	s24 =	simm.s32 $0x1;
	s5 =	sand.u32 $0x1, s0;
	s0 =	rddreg [dreg:$0x2]  }
0x5: {  	s25 =	simm.s32 $0x0;
	[smem:$0x7FF] =	sst s3;
	s15 =	smul.u32 $0x280, s1  }
0x6: {  	s19 =	sadd.s32 $0x15600, s4;
	s6 =	sshll.u32 s5, $0x4;
	_ =	strace $0x80000047  }
0x7: {  	s7 =	ssub.s32 $0x2, s5;
	s16 =	smul.u32 $0x2800, s5;
	s6 =	sor.u32 s1, s6  }
0x8: {  	s8 =	sshrl.u32 s7, $0x1;
	s5 =	sadd.s32 s15, s2;
	s12 =	sadd.s32 $0x80, s15  }
0x9: {  	s17 =	sadd.s32 $0x100, s15;
	s18 =	sadd.s32 $0x180, s15;
	s20 =	sadd.s32 $0x200, s15  }
0xa: {  	s6 =	smul.u32 $0x500, s6;
	s7 =	ssub.s32 s7, s8;
	s8 =	sadd.s32 $0x100, s5  }
0xb: {  	s10 =	sadd.s32 s16, s15;
	s9 =	sadd.s32 $0x180, s5;
	s13 =	sadd.s32 s16, s12  }
0xc: {  	s12 =	sadd.s32 s12, s2;
	s14 =	sadd.s32 s17, s2;
	s17 =	sadd.s32 s16, s17  }
0xd: {  	s31 =	sadd.s32 s16, s18;
	s21 =	sadd.s32 s16, s20;
	s16 =	sadd.s32 s18, s2  }
0xe: {  	s18 =	sadd.s32 s20, s2;
	s20 =	simm.s32 $0x280;
	s11 =	sshrl.u32 s10, $0x3  }
0xf: {  	s10 =	sadd.s32 $0x200, s5;
	s13 =	sshrl.u32 s13, $0x3;
	s17 =	sshrl.u32 s17, $0x3  }
0x10: {  	s21 =	sshrl.u32 s21, $0x3;
	s6 =	sadd.s32 s6, s4;
	s11 =	sadd.s32 s19, s11  }
0x11: {  	s13 =	sadd.s32 s19, s13;
	s15 =	sadd.s32 s19, s17;
	s17 =	sshrl.u32 s31, $0x3  }
0x12: {  	s4 =	sadd.s32 $0xB600, s6;
	s6 =	smax.u32 s7, $0x1;
	s7 =	sadd.s32 $0x80, s5  }
0x13: {  	v0 =	vimm.f32 $0.0e+00;
	v1 =	vimm.f32 $1.000000000e+00;
	s17 =	sadd.s32 s19, s17;
	s19 =	sadd.s32 s19, s21;
	s21 =	simm.s32 $0x2  }
.LBB2_1:
0x14: {  	[tilespmem:s20], [sflag:$0x2] =	stream.linear.gather [hbm4b:s4+s3], $0x2800, $0x38;
	[tilespmem:$0x2B00] =	vst v63  }
0x15: {  	_ =	swait.ge [sflag:s21], $0x2800  }
0x16: {  	[sflag:s21] =	ssyncset.done $0x0  }
0x17: {  	[sflag:s21] =	ssyncadd.s32 $0xFFFFD800  }
0x18: {  	[tilespmem:$0x2A80] =	vst v0  }
0x19: {  	[tilespmem:$0x2A90] =	vst v0  }
0x1a: {  	[tilespmem:$0x2AA0] =	vst v0  }
0x1b: {  	[tilespmem:$0x2AB0] =	vst v0  }
0x1c: {  	[tilespmem:$0x2AC0] =	vst v0  }
0x1d: {  	[tilespmem:$0x2AD0] =	vst v0  }
0x1e: {  	[tilespmem:$0x2AE0] =	vst v0  }
0x1f: {  	[tilespmem:$0x2AF0] =	vst v0  }
0x20: {  	[spmem:s5] =	stream.linear.scatter [tilespmem:s22], [sflag:$0x2], $0x80, $0x38;
	[tilespmem:$0x2B00] =	vst v63  }
0x21: {  	_ =	swait.ge [sflag:s21], $0x80  }
0x22: {  	[sflag:s21] =	ssyncset.done $0x0  }
0x23: {  	[sflag:s21] =	ssyncadd.s32 $0xFFFFFF80  }
0x24: {  	[spmem:s7] =	stream.linear.scatter [tilespmem:s22], [sflag:$0x2], $0x80, $0x38;
	[tilespmem:$0x2B00] =	vst v63  }
0x25: {  	_ =	swait.ge [sflag:s21], $0x80  }
0x26: {  	[sflag:s21] =	ssyncset.done $0x0  }
0x27: {  	[sflag:s21] =	ssyncadd.s32 $0xFFFFFF80  }
0x28: {  	[spmem:s8] =	stream.linear.scatter [tilespmem:s22], [sflag:$0x2], $0x80, $0x38;
	[tilespmem:$0x2B00] =	vst v63  }
0x29: {  	_ =	swait.ge [sflag:s21], $0x80  }
0x2a: {  	[sflag:s21] =	ssyncset.done $0x0  }
0x2b: {  	[sflag:s21] =	ssyncadd.s32 $0xFFFFFF80  }
0x2c: {  	[spmem:s9] =	stream.linear.scatter [tilespmem:s22], [sflag:$0x2], $0x80, $0x38;
	[tilespmem:$0x2B00] =	vst v63  }
0x2d: {  	_ =	swait.ge [sflag:s21], $0x80  }
0x2e: {  	[sflag:s21] =	ssyncset.done $0x0  }
0x2f: {  	[sflag:s21] =	ssyncadd.s32 $0xFFFFFF80  }
0x30: {  	[spmem:s10] =	stream.linear.scatter [tilespmem:s22], [sflag:$0x2], $0x80, $0x38;
	[tilespmem:$0x2B00] =	vst v63  }
0x31: {  	_ =	swait.ge [sflag:s21], $0x80  }
0x32: {  	[sflag:s21] =	ssyncset.done $0x0  }
0x33: {  	[sflag:s21] =	ssyncadd.s32 $0xFFFFFF80  }
0x34: {  	[tilespmem:$0x2A80] =	vst v1  }
0x35: {  	[tilespmem:$0x2A90] =	vst v1  }
0x36: {  	[tilespmem:$0x2AA0] =	vst v1  }
0x37: {  	[tilespmem:$0x2AB0] =	vst v1  }
0x38: {  	[tilespmem:$0x2AC0] =	vst v1  }
0x39: {  	[tilespmem:$0x2AD0] =	vst v1  }
0x3a: {  	[tilespmem:$0x2AE0] =	vst v1  }
0x3b: {  	[tilespmem:$0x2AF0] =	vst v1  }
0x3c: {  	s26 =	simm.s32 $0x280;
	[bflag:$0x0] =	sbarrier.arrive $0xFFFF  }
0x3d: {  	[spmem:s2] =	stream.indirect.scatter.add.f32 [tilespmem:s22], [sflag:$0x1], $0x1, s26, s23, $0xb8;
	[tilespmem:$0x2B00] =	vst v63  }
0x3e: {  	s31 =	simm.s32 $0x300  }
0x3f: {  	[spmem:s2] =	stream.indirect.scatter.add.f32 [tilespmem:s22], [sflag:$0x1], $0x1, s31, s23, $0xb8;
	[tilespmem:$0x2B00] =	vst v63  }
0x40: {  	s28 =	simm.s32 $0x380  }
0x41: {  	[spmem:s2] =	stream.indirect.scatter.add.f32 [tilespmem:s22], [sflag:$0x1], $0x1, s28, s23, $0xb8;
	[tilespmem:$0x2B00] =	vst v63  }
0x42: {  	s31 =	simm.s32 $0x400  }
0x43: {  	[spmem:s2] =	stream.indirect.scatter.add.f32 [tilespmem:s22], [sflag:$0x1], $0x1, s31, s23, $0xb8;
	[tilespmem:$0x2B00] =	vst v63  }
0x44: {  	s28 =	simm.s32 $0x480  }
0x45: {  	[spmem:s2] =	stream.indirect.scatter.add.f32 [tilespmem:s22], [sflag:$0x1], $0x1, s28, s23, $0xb8;
	[tilespmem:$0x2B00] =	vst v63  }
0x46: {  	s31 =	simm.s32 $0x500  }
0x47: {  	[spmem:s2] =	stream.indirect.scatter.add.f32 [tilespmem:s22], [sflag:$0x1], $0x1, s31, s23, $0xb8;
	[tilespmem:$0x2B00] =	vst v63  }
0x48: {  	s28 =	simm.s32 $0x580  }
0x49: {  	[spmem:s2] =	stream.indirect.scatter.add.f32 [tilespmem:s22], [sflag:$0x1], $0x1, s28, s23, $0xb8;
	[tilespmem:$0x2B00] =	vst v63  }
0x4a: {  	s31 =	simm.s32 $0x600  }
0x4b: {  	[spmem:s2] =	stream.indirect.scatter.add.f32 [tilespmem:s22], [sflag:$0x1], $0x1, s31, s23, $0xb8;
	[tilespmem:$0x2B00] =	vst v63  }
0x4c: {  	_ =	swait.ge [sflag:s24], $0x80  }
0x4d: {  	[sflag:s24] =	ssyncset.done $0x0  }
0x4e: {  	[sflag:s24] =	ssyncadd.s32 $0xFFFFFF80  }
0x4f: {  	_ =	swait.ge [sflag:s24], $0x80  }
0x50: {  	[sflag:s24] =	ssyncset.done $0x0  }
0x51: {  	[sflag:s24] =	ssyncadd.s32 $0xFFFFFF80  }
0x52: {  	_ =	swait.ge [sflag:s24], $0x80  }
0x53: {  	[sflag:s24] =	ssyncset.done $0x0  }
0x54: {  	[sflag:s24] =	ssyncadd.s32 $0xFFFFFF80  }
0x55: {  	_ =	swait.ge [sflag:s24], $0x80  }
0x56: {  	[sflag:s24] =	ssyncset.done $0x0  }
0x57: {  	[sflag:s24] =	ssyncadd.s32 $0xFFFFFF80  }
0x58: {  	_ =	swait.ge [sflag:s24], $0x80  }
0x59: {  	[sflag:s24] =	ssyncset.done $0x0  }
0x5a: {  	[sflag:s24] =	ssyncadd.s32 $0xFFFFFF80  }
0x5b: {  	_ =	swait.ge [sflag:s24], $0x80  }
0x5c: {  	[sflag:s24] =	ssyncset.done $0x0  }
0x5d: {  	[sflag:s24] =	ssyncadd.s32 $0xFFFFFF80  }
0x5e: {  	_ =	swait.ge [sflag:s24], $0x80  }
0x5f: {  	[sflag:s24] =	ssyncset.done $0x0  }
0x60: {  	[sflag:s24] =	ssyncadd.s32 $0xFFFFFF80  }
0x61: {  	_ =	swait.ge [sflag:s24], $0x80  }
0x62: {  	s30 =	simm.s32 $0x2000;
	s29 =	simm.s32 $0x400;
	[sflag:s24] =	ssyncset.done $0x0  }
.LBB2_2:
0x63: {  	s31 =	sadd.s32 $0x280, s29  }
0x64: {  	[sflag:s24] =	ssyncadd.s32 $0xFFFFFF80;
	s28 =	smov.u32 s30;
	s26 =	sadd.s32 $0x1000, s30  }
0x65: {  	[spmem:s2] =	stream.indirect.scatter.add.f32 [tilespmem:s22], [sflag:$0x1], $0x1, s31, s23, $0xb8;
	[tilespmem:$0x2B00] =	vst v63  }
0x66: {  	p0 =	sne.s32 s30, $0x9000;
	s30 =	sadd.s32 $0x300, s29  }
0x67: {  	[spmem:s2] =	stream.indirect.scatter.add.f32 [tilespmem:s22], [sflag:$0x1], $0x1, s30, s23, $0xb8;
	[tilespmem:$0x2B00] =	vst v63  }
0x68: {  	s30 =	sadd.s32 $0x380, s29  }
0x69: {  	[spmem:s2] =	stream.indirect.scatter.add.f32 [tilespmem:s22], [sflag:$0x1], $0x1, s30, s23, $0xb8;
	[tilespmem:$0x2B00] =	vst v63  }
0x6a: {  	s30 =	sadd.s32 $0x400, s29  }
0x6b: {  	[spmem:s2] =	stream.indirect.scatter.add.f32 [tilespmem:s22], [sflag:$0x1], $0x1, s30, s23, $0xb8;
	[tilespmem:$0x2B00] =	vst v63  }
0x6c: {  	s30 =	sadd.s32 $0x480, s29  }
0x6d: {  	[spmem:s2] =	stream.indirect.scatter.add.f32 [tilespmem:s22], [sflag:$0x1], $0x1, s30, s23, $0xb8;
	[tilespmem:$0x2B00] =	vst v63  }
0x6e: {  	s30 =	sadd.s32 $0x500, s29  }
0x6f: {  	[spmem:s2] =	stream.indirect.scatter.add.f32 [tilespmem:s22], [sflag:$0x1], $0x1, s30, s23, $0xb8;
	[tilespmem:$0x2B00] =	vst v63  }
0x70: {  	s30 =	sadd.s32 $0x580, s29  }
0x71: {  	[spmem:s2] =	stream.indirect.scatter.add.f32 [tilespmem:s22], [sflag:$0x1], $0x1, s30, s23, $0xb8;
	[tilespmem:$0x2B00] =	vst v63  }
0x72: {  	s29 =	sadd.s32 $0x600, s29  }
0x73: {  	[spmem:s2] =	stream.indirect.scatter.add.f32 [tilespmem:s22], [sflag:$0x1], $0x1, s29, s23, $0xb8;
	[tilespmem:$0x2B00] =	vst v63  }
0x74: {  	_ =	swait.ge [sflag:s24], $0x80  }
0x75: {  	[sflag:s24] =	ssyncset.done $0x0  }
0x76: {  	[sflag:s24] =	ssyncadd.s32 $0xFFFFFF80  }
0x77: {  	_ =	swait.ge [sflag:s24], $0x80  }
0x78: {  	[sflag:s24] =	ssyncset.done $0x0  }
0x79: {  	[sflag:s24] =	ssyncadd.s32 $0xFFFFFF80  }
0x7a: {  	_ =	swait.ge [sflag:s24], $0x80  }
0x7b: {  	[sflag:s24] =	ssyncset.done $0x0  }
0x7c: {  	[sflag:s24] =	ssyncadd.s32 $0xFFFFFF80  }
0x7d: {  	_ =	swait.ge [sflag:s24], $0x80  }
0x7e: {  	[sflag:s24] =	ssyncset.done $0x0  }
0x7f: {  	[sflag:s24] =	ssyncadd.s32 $0xFFFFFF80  }
0x80: {  	_ =	swait.ge [sflag:s24], $0x80  }
0x81: {  	[sflag:s24] =	ssyncset.done $0x0  }
0x82: {  	[sflag:s24] =	ssyncadd.s32 $0xFFFFFF80  }
0x83: {  	_ =	swait.ge [sflag:s24], $0x80  }
0x84: {  	[sflag:s24] =	ssyncset.done $0x0  }
0x85: {  	[sflag:s24] =	ssyncadd.s32 $0xFFFFFF80  }
.Ltmp0:
0x86: {  	_ =	swait.ge [sflag:s24], $0x80;
	(pc) =	sbr.rel @p0 .LBB2_2-.Ltmp0, $4  }
0x87: {  	[sflag:s24] =	ssyncset.done $0x0  }
0x88: {  	[sflag:s24] =	ssyncadd.s32 $0xFFFFFF80  }
0x89: {  	_ =	swait.ge [sflag:s24], $0x80  }
0x8a: {  	s30 =	smov.u32 s26;
	s29 =	sshra.s32 s28, $0x2;
	[sflag:s24] =	ssyncset.done $0x0  }
0x8b: {  	s26 =	sadd.s32 $0x280, s29;
	[sflag:s24] =	ssyncadd.s32 $0xFFFFFF80  }
0x8c: {  	[spmem:s2] =	stream.indirect.scatter.add.f32 [tilespmem:s22], [sflag:$0x1], $0x1, s26, s23, $0xb8;
	[tilespmem:$0x2B00] =	vst v63  }
0x8d: {  	s31 =	sadd.s32 $0x300, s29  }
0x8e: {  	[spmem:s2] =	stream.indirect.scatter.add.f32 [tilespmem:s22], [sflag:$0x1], $0x1, s31, s23, $0xb8;
	[tilespmem:$0x2B00] =	vst v63  }
0x8f: {  	s28 =	sadd.s32 $0x380, s29  }
0x90: {  	[spmem:s2] =	stream.indirect.scatter.add.f32 [tilespmem:s22], [sflag:$0x1], $0x1, s28, s23, $0xb8;
	[tilespmem:$0x2B00] =	vst v63  }
0x91: {  	s30 =	sadd.s32 $0x400, s29  }
0x92: {  	[spmem:s2] =	stream.indirect.scatter.add.f32 [tilespmem:s22], [sflag:$0x1], $0x1, s30, s23, $0xb8;
	[tilespmem:$0x2B00] =	vst v63  }
0x93: {  	s31 =	sadd.s32 $0x480, s29  }
0x94: {  	[spmem:s2] =	stream.indirect.scatter.add.f32 [tilespmem:s22], [sflag:$0x1], $0x1, s31, s23, $0xb8;
	[tilespmem:$0x2B00] =	vst v63  }
0x95: {  	s28 =	sadd.s32 $0x500, s29  }
0x96: {  	[spmem:s2] =	stream.indirect.scatter.add.f32 [tilespmem:s22], [sflag:$0x1], $0x1, s28, s23, $0xb8;
	[tilespmem:$0x2B00] =	vst v63  }
0x97: {  	s30 =	sadd.s32 $0x580, s29  }
0x98: {  	[spmem:s2] =	stream.indirect.scatter.add.f32 [tilespmem:s22], [sflag:$0x1], $0x1, s30, s23, $0xb8;
	[tilespmem:$0x2B00] =	vst v63  }
0x99: {  	s31 =	sadd.s32 $0x600, s29  }
0x9a: {  	[spmem:s2] =	stream.indirect.scatter.add.f32 [tilespmem:s22], [sflag:$0x1], $0x1, s31, s23, $0xb8;
	[tilespmem:$0x2B00] =	vst v63  }
0x9b: {  	_ =	swait.ge [sflag:s24], $0x80  }
0x9c: {  	[sflag:s24] =	ssyncset.done $0x0  }
0x9d: {  	[sflag:s24] =	ssyncadd.s32 $0xFFFFFF80  }
0x9e: {  	_ =	swait.ge [sflag:s24], $0x80  }
0x9f: {  	[sflag:s24] =	ssyncset.done $0x0  }
0xa0: {  	[sflag:s24] =	ssyncadd.s32 $0xFFFFFF80  }
0xa1: {  	_ =	swait.ge [sflag:s24], $0x80  }
0xa2: {  	[sflag:s24] =	ssyncset.done $0x0  }
0xa3: {  	[sflag:s24] =	ssyncadd.s32 $0xFFFFFF80  }
0xa4: {  	_ =	swait.ge [sflag:s24], $0x80  }
0xa5: {  	[sflag:s24] =	ssyncset.done $0x0  }
0xa6: {  	[sflag:s24] =	ssyncadd.s32 $0xFFFFFF80  }
0xa7: {  	_ =	swait.ge [sflag:s24], $0x80  }
0xa8: {  	[sflag:s24] =	ssyncset.done $0x0  }
0xa9: {  	[sflag:s24] =	ssyncadd.s32 $0xFFFFFF80  }
0xaa: {  	_ =	swait.ge [sflag:s24], $0x80  }
0xab: {  	[sflag:s24] =	ssyncset.done $0x0  }
0xac: {  	[sflag:s24] =	ssyncadd.s32 $0xFFFFFF80  }
0xad: {  	_ =	swait.ge [sflag:s24], $0x80  }
0xae: {  	[sflag:s24] =	ssyncset.done $0x0  }
0xaf: {  	[sflag:s24] =	ssyncadd.s32 $0xFFFFFF80  }
0xb0: {  	_ =	swait.ge [sflag:s24], $0x80  }
0xb1: {  	[sflag:s24] =	ssyncset.done $0x0  }
0xb2: {  	[sflag:s24] =	ssyncadd.s32 $0xFFFFFF80  }
0xb3: {  	[bflag:$0x0] =	sbarrier.arrive $0xFFFF  }
0xb4: {  	[tilespmem:s22], [sflag:$0x2] =	stream.linear.gather [spmem:s5], $0x80, $0x38;
	[tilespmem:$0x2B00] =	vst v63  }
0xb5: {  	_ =	swait.ge [sflag:s21], $0x80  }
0xb6: {  	[sflag:s21] =	ssyncset.done $0x0  }
0xb7: {  	[sflag:s21] =	ssyncadd.s32 $0xFFFFFF80  }
0xb8: {  	[hbm4b:s11+s3] =	stream.linear.scatter [tilespmem:s22], [sflag:$0x2], $0x80, $0x38;
	[tilespmem:$0x2B00] =	vst v63  }
0xb9: {  	_ =	swait.ge [sflag:s21], $0x80  }
0xba: {  	[sflag:s21] =	ssyncset.done $0x0  }
0xbb: {  	[sflag:s21] =	ssyncadd.s32 $0xFFFFFF80  }
0xbc: {  	[tilespmem:s22], [sflag:$0x2] =	stream.linear.gather [spmem:s12], $0x80, $0x38;
	[tilespmem:$0x2B00] =	vst v63  }
0xbd: {  	_ =	swait.ge [sflag:s21], $0x80  }
0xbe: {  	[sflag:s21] =	ssyncset.done $0x0  }
0xbf: {  	[sflag:s21] =	ssyncadd.s32 $0xFFFFFF80  }
0xc0: {  	[hbm4b:s13+s3] =	stream.linear.scatter [tilespmem:s22], [sflag:$0x2], $0x80, $0x38;
	[tilespmem:$0x2B00] =	vst v63  }
0xc1: {  	_ =	swait.ge [sflag:s21], $0x80  }
0xc2: {  	[sflag:s21] =	ssyncset.done $0x0  }
0xc3: {  	[sflag:s21] =	ssyncadd.s32 $0xFFFFFF80  }
0xc4: {  	[tilespmem:s22], [sflag:$0x2] =	stream.linear.gather [spmem:s14], $0x80, $0x38;
	[tilespmem:$0x2B00] =	vst v63  }
0xc5: {  	_ =	swait.ge [sflag:s21], $0x80  }
0xc6: {  	[sflag:s21] =	ssyncset.done $0x0  }
0xc7: {  	[sflag:s21] =	ssyncadd.s32 $0xFFFFFF80  }
0xc8: {  	[hbm4b:s15+s3] =	stream.linear.scatter [tilespmem:s22], [sflag:$0x2], $0x80, $0x38;
	[tilespmem:$0x2B00] =	vst v63  }
0xc9: {  	_ =	swait.ge [sflag:s21], $0x80  }
0xca: {  	[sflag:s21] =	ssyncset.done $0x0  }
0xcb: {  	[sflag:s21] =	ssyncadd.s32 $0xFFFFFF80  }
0xcc: {  	[tilespmem:s22], [sflag:$0x2] =	stream.linear.gather [spmem:s16], $0x80, $0x38;
	[tilespmem:$0x2B00] =	vst v63  }
0xcd: {  	_ =	swait.ge [sflag:s21], $0x80  }
0xce: {  	[sflag:s21] =	ssyncset.done $0x0  }
0xcf: {  	[sflag:s21] =	ssyncadd.s32 $0xFFFFFF80  }
0xd0: {  	[hbm4b:s17+s3] =	stream.linear.scatter [tilespmem:s22], [sflag:$0x2], $0x80, $0x38;
	[tilespmem:$0x2B00] =	vst v63  }
0xd1: {  	_ =	swait.ge [sflag:s21], $0x80  }
0xd2: {  	[sflag:s21] =	ssyncset.done $0x0  }
0xd3: {  	[sflag:s21] =	ssyncadd.s32 $0xFFFFFF80  }
0xd4: {  	[tilespmem:s22], [sflag:$0x2] =	stream.linear.gather [spmem:s18], $0x80, $0x38;
	[tilespmem:$0x2B00] =	vst v63  }
0xd5: {  	s25 =	sadd.s32 $0x1, s25;
	_ =	swait.ge [sflag:s21], $0x80  }
0xd6: {  	p0 =	sne.s32 s25, s6;
	[sflag:s21] =	ssyncset.done $0x0  }
.Ltmp1:
0xd7: {  	[sflag:s21] =	ssyncadd.s32 $0xFFFFFF80;
	(pc) =	sbr.rel @p0 .LBB2_1-.Ltmp1, $4  }
0xd8: {  	[hbm4b:s19+s3] =	stream.linear.scatter [tilespmem:s22], [sflag:$0x2], $0x80, $0x38;
	[tilespmem:$0x2B00] =	vst v63  }
0xd9: {  	_ =	swait.ge [sflag:s21], $0x80  }
0xda: {  	[sflag:s21] =	ssyncset.done $0x0  }
0xdb: {  	[sflag:s21] =	ssyncadd.s32 $0xFFFFFF80  }
0xdc: {  	_ =	sfence.sel $0x180000  }
0xdd: {  	[bflag:$0x0] =	sbarrier.arrive $0xFFFF  }
0xde: {  	p0 =	sne.s32 s1, $0x0;
	_ =	strace $0x90000047  }
0xdf: {  	s0 =	sadd.s32 @!p0 $0x100000, s0;
	[bflag:$0x2] =	sbarrier.arrive $0xFFFF  }
0xe0: {  	[sflag:s0] =	ssyncadd.tile.s32 @!p0 $0x1;
	_ =	shalt  }
.Lfunc_end2:
_tile_overlayer_lowered:
.L_overlay_start_2:
0xe1: {  	(tag) =	ssettag $0x2  }
0xe2: {  	s0 =	rddreg [dreg:$0x0];
	s2 =	stileid.u32  }
0xe3: {  	s1 =	rddreg [dreg:$0x1];
	p0 =	sne.s32 s2, $0x0  }
0xe4: {  	s3 =	rddreg [dreg:$0x2];
	[bflag:$0x3] =	sbarrier.arrive $0xFFFF;
	s2 =	simm.s32 @!p0 $0x1C02  }
0xe5: {  	[timem:s3], [sflag:s2] =	dma.local @!p0 [hbm:s0], s1  }
0xe6: {  	s0 =	simm.s32 @!p0 $0x2  }
0xe7: {  	_ =	swait.ge @!p0 [sflag:s0], s1  }
0xe8: {  	s1 =	ssub.s32 @!p0 $0x0, s1;
	[sflag:s0] =	ssyncset.done @!p0 $0x0  }
0xe9: {  	[sflag:s0] =	ssyncadd.s32 @!p0 s1  }
0xea: {  	[bflag:$0x3] =	sbarrier.arrive $0xFFFF  }
0xeb: {  	_ =	shalt  }

</sc_bundles>
